<compile_context>
chip_gen: v7x
topology: tpu7x:2x2x1
jax: 0.10.2.dev20260603
libtpu: 0.0.44.dev20260713+nightly
codegen_flags: <defaults>
</compile_context>

<pallas_src>
import functools

import jax
import jax.numpy as jnp
from jax import lax
from jax.experimental import pallas as pl
from jax.experimental.pallas import tpu as pltpu
from jax.experimental.pallas import tpu_sc as plsc

N = 10000
E = 320000
NC = 2
NS = 16
NW = NC * NS
CH = 128
K = 80
EP = NW * K * CH
NN = 10112
R = NN // NS
EPS = 1e-5

_mesh = plsc.VectorSubcoreMesh(core_axis_name="c", subcore_axis_name="s")
_sc_params = pltpu.CompilerParams(use_tc_tiling_on_sc=False)


def _make_sc_scatter(D, ch, depth, ka):
  kt = 2 * (EP // (NW * ch))
  kb = kt - ka
  kmax = max(ka, kb)

  @functools.partial(
      pl.kernel,
      out_type=jax.ShapeDtypeStruct((NC, NN, D), jnp.float32),
      mesh=_mesh,
      compiler_params=_sc_params,
      scratch_types=(
          [pltpu.VMEM((kmax * ch,), jnp.int32)]
          + [pltpu.VMEM((ch,), jnp.int32) for _ in range(depth)]
          + [pltpu.VMEM((ch, D), jnp.float32) for _ in range(depth)]
          + [pltpu.VMEM_SHARED((NN, D), jnp.float32)]
          + [pltpu.SemaphoreType.DMA for _ in range(depth)]
          + [pltpu.SemaphoreType.DMA for _ in range(depth)]
          + [pltpu.SemaphoreType.DMA]
      ),
  )
  def sc_scatter(table, srcf, dst2, zeros, out_p, src_v, *bufs):
    dst_c = bufs[:depth]
    rows = bufs[depth:2 * depth]
    acc = bufs[2 * depth]
    gsem = bufs[2 * depth + 1:3 * depth + 1]
    dsem = bufs[3 * depth + 1:4 * depth + 1]
    ssem = bufs[4 * depth + 1]
    c = lax.axis_index("c")
    s = lax.axis_index("s")
    pltpu.sync_copy(zeros.at[pl.ds(s * R, R)], acc.at[pl.ds(s * R, R)])
    plsc.subcore_barrier()

    def run(cbase, kk):
      pltpu.sync_copy(srcf.at[pl.ds(cbase * ch, kk * ch)],
                      src_v.at[pl.ds(0, kk * ch)])

      def body(t, carry):
        j = depth * t
        gs = [pltpu.async_copy(table.at[src_v.at[pl.ds((j + u) * ch, ch)]],
                               rows[u], gsem[u]) for u in range(depth)]
        ds = [pltpu.async_copy(dst2.at[cbase + j + u], dst_c[u], dsem[u])
              for u in range(depth)]
        sc = []
        for u in range(depth):
          gs[u].wait()
          ds[u].wait()
          sc.append(pltpu.async_copy(rows[u], acc.at[dst_c[u]], ssem,
                                     add=True))
        for d in sc:
          d.wait()
        return carry

      lax.fori_loop(0, kk // depth, body, 0)

    @pl.when(c == 0)
    def _():
      run(s * ka, ka)

    @pl.when(c != 0)
    def _():
      run(NS * ka + s * kb, kb)

    plsc.subcore_barrier()
    pltpu.sync_copy(acc.at[pl.ds(s * R, R)], out_p.at[c, pl.ds(s * R, R)])

  return sc_scatter


_sc_scatter_128 = _make_sc_scatter(128, 64, 4, 224)
_sc_scatter_64 = _make_sc_scatter(64, 128, 4, 112)


@functools.partial(
    pl.kernel,
    out_type=jax.ShapeDtypeStruct((NC, NN, 16), jnp.float32),
    mesh=_mesh,
    compiler_params=_sc_params,
    scratch_types=[
        pltpu.VMEM((K, CH), jnp.int32),
        pltpu.VMEM((CH, 16), jnp.float32),
        pltpu.VMEM_SHARED((NN, 16), jnp.float32),
        pltpu.SemaphoreType.DMA,
    ],
)
def _sc_deg(dst2, ones, zeros, out_p, dst_v, ones_v, acc, sem):
  c = lax.axis_index("c")
  s = lax.axis_index("s")
  w = s * NC + c
  pltpu.sync_copy(dst2.at[pl.ds(w * K, K)], dst_v)
  pltpu.sync_copy(ones, ones_v)
  pltpu.sync_copy(zeros.at[pl.ds(s * R, R)], acc.at[pl.ds(s * R, R)])
  plsc.subcore_barrier()

  def body(t, carry):
    j = 4 * t
    ds = [pltpu.async_copy(ones_v, acc.at[dst_v.at[j + u]], sem, add=True)
          for u in range(4)]
    for d in ds:
      d.wait()
    return carry

  lax.fori_loop(0, K // 4, body, 0)
  plsc.subcore_barrier()
  pltpu.sync_copy(acc.at[pl.ds(s * R, R)], out_p.at[c, pl.ds(s * R, R)])


def _tc1_body(x_ref, w_ref, degp_ref, g_ref, dinv_ref):
  deg = degp_ref[0, :N, 0:1] + degp_ref[1, :N, 0:1] + 1.0
  dinv = lax.rsqrt(deg)
  h = jnp.dot(x_ref[...], w_ref[...], preferred_element_type=jnp.float32)
  g_ref[:N, :] = h * dinv
  g_ref[N:, :] = jnp.zeros((NN - N, g_ref.shape[1]), jnp.float32)
  dinv_ref[...] = dinv


def _tc2_body(g_ref, s_ref, dinv_ref, b_ref, gam_ref, bet_ref, w_ref,
              out_ref):
  dinv = dinv_ref[...]
  z = dinv * (s_ref[0, :N, :] + s_ref[1, :N, :] + g_ref[:N, :]) + b_ref[...]
  mean = jnp.mean(z, axis=0, keepdims=True)
  var = jnp.mean((z - mean) ** 2, axis=0, keepdims=True)
  y = (z - mean) * lax.rsqrt(var + EPS) * gam_ref[...] + bet_ref[...]
  y = jax.nn.sigmoid(y)
  h2 = jnp.dot(y, w_ref[...], preferred_element_type=jnp.float32)
  out_ref[:N, :] = h2 * dinv
  out_ref[N:, :] = jnp.zeros((NN - N, out_ref.shape[1]), jnp.float32)


def _tc3_body(g_ref, s_ref, dinv_ref, b_ref, gam_ref, bet_ref, out_ref):
  dinv = dinv_ref[...]
  z = dinv * (s_ref[0, :N, :] + s_ref[1, :N, :] + g_ref[:N, :]) + b_ref[...]
  mean = jnp.mean(z, axis=0, keepdims=True)
  var = jnp.mean((z - mean) ** 2, axis=0, keepdims=True)
  out_ref[...] = (z - mean) * lax.rsqrt(var + EPS) * gam_ref[...] + bet_ref[
      ...]


def kernel(x, edge_index, W1, b1, gamma1, beta1, W2, b2, gamma2, beta2):
  ei = edge_index.astype(jnp.int32)
  pad = jnp.full((EP - E,), N, jnp.int32)
  srcp = jnp.concatenate([ei[0], pad])
  dstp = jnp.concatenate([ei[1], pad])
  dst2 = dstp.reshape(NW * K, CH)
  dst2a = dstp.reshape(-1, 64)

  z128 = jnp.zeros((NN, 128), jnp.float32)
  z64 = jnp.zeros((NN, 64), jnp.float32)
  z16 = jnp.zeros((NN, 16), jnp.float32)
  ones16 = jnp.ones((CH, 16), jnp.float32)

  deg_p = _sc_deg(dst2, ones16, z16)

  g1, dinv = pl.pallas_call(
      _tc1_body,
      out_shape=(jax.ShapeDtypeStruct((NN, 128), jnp.float32),
                 jax.ShapeDtypeStruct((N, 1), jnp.float32)),
  )(x, W1, deg_p)

  s1 = _sc_scatter_128(g1, srcp, dst2a, z128)

  g2 = pl.pallas_call(
      _tc2_body,
      out_shape=jax.ShapeDtypeStruct((NN, 64), jnp.float32),
  )(g1, s1, dinv, b1.reshape(1, -1), gamma1.reshape(1, -1),
    beta1.reshape(1, -1), W2)

  s2 = _sc_scatter_64(g2, srcp, dst2, z64)

  out = pl.pallas_call(
      _tc3_body,
      out_shape=jax.ShapeDtypeStruct((N, 64), jnp.float32),
  )(g2, s2, dinv, b2.reshape(1, -1), gamma2.reshape(1, -1),
    beta2.reshape(1, -1))
  return out

# --- scband reference (transcript-rebuilt; emitter-appended) ---
"""Pipeline reference for scband-net-62242666053962 (READ-ONLY COPY).

The authoritative reference and input builder live on the scoring server;
editing this copy changes nothing except your own understanding.
"""

import jax, jax.numpy as jnp
import numpy as np

N_NODES = 10000
N_EDGES = 320000
D_IN = 128
D_HID = 128
D_OUT = 64


def setup_inputs(seed: int = 0) -> dict:
    key = jax.random.key(seed)
    ks = jax.random.split(key, 12)
    x = jax.random.normal(ks[0], (N_NODES, D_IN), dtype=jnp.float32)
    edge_index = jax.random.randint(ks[1], (2, N_EDGES), 0, N_NODES, dtype=jnp.int64)
    # GCNConv layer 1: 128 -> 128 (glorot-like init)
    W1 = jax.random.normal(ks[2], (D_IN, D_HID), dtype=jnp.float32) * (1.0 / np.sqrt(D_IN))
    b1 = jnp.zeros((D_HID,), dtype=jnp.float32)
    gamma1 = jnp.ones((D_HID,), dtype=jnp.float32)
    beta1 = jnp.zeros((D_HID,), dtype=jnp.float32)
    # GCNConv layer 2: 128 -> 64
    W2 = jax.random.normal(ks[3], (D_HID, D_OUT), dtype=jnp.float32) * (1.0 / np.sqrt(D_HID))
    b2 = jnp.zeros((D_OUT,), dtype=jnp.float32)
    gamma2 = jnp.ones((D_OUT,), dtype=jnp.float32)
    beta2 = jnp.zeros((D_OUT,), dtype=jnp.float32)
    return {"x": x, "edge_index": edge_index, "W1": W1, "b1": b1, "gamma1": gamma1, "beta1": beta1, "W2": W2, "b2": b2, "gamma2": gamma2, "beta2": beta2}


def gcn_conv(x, edge_index, W, b):
    # torch_geometric GCNConv with add_self_loops=True and symmetric normalization
    n = x.shape[0]
    loop = jnp.arange(n, dtype=edge_index.dtype)
    src = jnp.concatenate([edge_index[0], loop])
    dst = jnp.concatenate([edge_index[1], loop])
    h = x @ W
    ones = jnp.ones(dst.shape[0], dtype=x.dtype)
    deg = jax.ops.segment_sum(ones, dst, num_segments=n)
    dinv = jnp.where(deg > 0, 1.0 / jnp.sqrt(deg), 0.0)
    norm = dinv[src] * dinv[dst]
    msg = h[src] * norm[:, None]
    out = jax.ops.segment_sum(msg, dst, num_segments=n)
    return out + b


def batch_norm(x, gamma, beta, eps=1e-5):
    # training-mode BatchNorm over node dimension (biased variance, as torch)
    mean = jnp.mean(x, axis=0)
    var = jnp.mean((x - mean) ** 2, axis=0)
    return (x - mean) / jnp.sqrt(var + eps) * gamma + beta


def reference(x, edge_index, W1, b1, gamma1, beta1, W2, b2, gamma2, beta2):
    # Net.encode with num_layers=2: conv -> bn -> sigmoid -> conv -> bn
    h = gcn_conv(x, edge_index, W1, b1)
    h = batch_norm(h, gamma1, beta1)
    h = jax.nn.sigmoid(h)
    h = gcn_conv(h, edge_index, W2, b2)
    return batch_norm(h, gamma2, beta2)

if __name__ == "__main__":
    import jax
    _d = setup_inputs()
    print(jax.jit(kernel)(*tuple(_d.values())))

</pallas_src>

<mosaic_0001>
#map = affine_map<(d0, d1) -> (0, 0)>
#map1 = affine_map<(d0, d1) -> (0)>
#map2 = affine_map<(d0, d1) -> (0, 0, 0)>
module attributes {stable_mosaic.version = 14 : i64} {
  func.func @sc_scatter(%arg0: i32, %arg1: i32, %arg2: memref<10112x128xf32, #tpu.memory_space<hbm>>, %arg3: memref<327680xi32, #tpu.memory_space<hbm>>, %arg4: memref<5120x64xi32, #tpu.memory_space<hbm>>, %arg5: memref<10112x128xf32, #tpu.memory_space<hbm>>, %arg6: memref<2x10112x128xf32, #tpu.memory_space<hbm>>, %arg7: memref<14336xi32, #tpu.memory_space<vmem>>, %arg8: memref<64xi32, #tpu.memory_space<vmem>>, %arg9: memref<64xi32, #tpu.memory_space<vmem>>, %arg10: memref<64xi32, #tpu.memory_space<vmem>>, %arg11: memref<64xi32, #tpu.memory_space<vmem>>, %arg12: memref<64x128xf32, #tpu.memory_space<vmem>>, %arg13: memref<64x128xf32, #tpu.memory_space<vmem>>, %arg14: memref<64x128xf32, #tpu.memory_space<vmem>>, %arg15: memref<64x128xf32, #tpu.memory_space<vmem>>, %arg16: memref<10112x128xf32, #tpu.memory_space<vmem_shared>>, %arg17: memref<!tpu.dma_semaphore, #tpu.memory_space<semaphore_mem>>, %arg18: memref<!tpu.dma_semaphore, #tpu.memory_space<semaphore_mem>>, %arg19: memref<!tpu.dma_semaphore, #tpu.memory_space<semaphore_mem>>, %arg20: memref<!tpu.dma_semaphore, #tpu.memory_space<semaphore_mem>>, %arg21: memref<!tpu.dma_semaphore, #tpu.memory_space<semaphore_mem>>, %arg22: memref<!tpu.dma_semaphore, #tpu.memory_space<semaphore_mem>>, %arg23: memref<!tpu.dma_semaphore, #tpu.memory_space<semaphore_mem>>, %arg24: memref<!tpu.dma_semaphore, #tpu.memory_space<semaphore_mem>>, %arg25: memref<!tpu.dma_semaphore, #tpu.memory_space<semaphore_mem>>) attributes {dimension_semantics = [#tpu.dimension_semantics<core_parallel>, #tpu.dimension_semantics<subcore_parallel>], iteration_bounds = array<i64: 2, 16>, scalar_prefetch = 0 : i64, scratch_operands = 19 : i64, tpu.core_type = #tpu.core_type<sc_vector_subcore>, window_params = [{transform_indices = #map}, {transform_indices = #map1}, {transform_indices = #map}, {transform_indices = #map}, {transform_indices = #map2}]} {
    %mul3A = arith.constant 632 : i32
    %mul3A_0 = arith.muli %arg1, %mul3A : i32
    %mul3A_1 = arith.constant 632 : i32
    %mul3A_2 = arith.muli %arg1, %mul3A_1 : i32
    "tpu.region"() ({
      %run_scoped3A = tpu.sem_alloc : memref<!tpu.dma_semaphore, #tpu.memory_space<semaphore_mem>>
      %dma_start3A = arith.constant 0 : i32
      %dma_start3A_14 = tpu.memref_slice %arg16[%mul3A_2, %dma_start3A] : memref<10112x128xf32, #tpu.memory_space<vmem_shared>> -> memref<632x128xf32, #tpu.memory_space<vmem_shared>>
      %dma_start3A_15 = arith.constant 0 : i32
      %dma_start3A_16 = tpu.memref_slice %arg5[%mul3A_0, %dma_start3A_15] : memref<10112x128xf32, #tpu.memory_space<hbm>> -> memref<632x128xf32, #tpu.memory_space<hbm>>
      tpu.enqueue_dma source(%dma_start3A_16 : memref<632x128xf32, #tpu.memory_space<hbm>>) target(%dma_start3A_14 : memref<632x128xf32, #tpu.memory_space<vmem_shared>>) target_semaphore(%run_scoped3A : memref<!tpu.dma_semaphore, #tpu.memory_space<semaphore_mem>>)
      %dma_wait3A = arith.constant 0 : i32
      %dma_wait3A_17 = tpu.memref_slice %arg16[%mul3A_2, %dma_wait3A] : memref<10112x128xf32, #tpu.memory_space<vmem_shared>> -> memref<632x128xf32, #tpu.memory_space<vmem_shared>>
      %dma_wait3A_18 = arith.constant 0 : i32
      %dma_wait3A_19 = tpu.memref_slice %arg5[%mul3A_0, %dma_wait3A_18] : memref<10112x128xf32, #tpu.memory_space<hbm>> -> memref<632x128xf32, #tpu.memory_space<hbm>>
      tpu.wait_dma2 semaphore(%run_scoped3A : memref<!tpu.dma_semaphore, #tpu.memory_space<semaphore_mem>>) src(%dma_wait3A_19 : memref<632x128xf32, #tpu.memory_space<hbm>>) dst(%dma_wait3A_17 : memref<632x128xf32, #tpu.memory_space<vmem_shared>>)
      tpu.yield
    }) : () -> ()
    %barrier3A = arith.constant 0 : index
    tpu.barrier barrier_id(%barrier3A)
    %eq3A = arith.constant 0 : i32
    %eq3A_3 = arith.cmpi eq, %arg0, %eq3A : i32
    %convert_element_type3A = arith.extui %eq3A_3 : i1 to i32
    %cond3A = arith.constant 0 : i32
    %cond3A_4 = arith.cmpi ne, %convert_element_type3A, %cond3A : i32
    scf.if %cond3A_4 {
      %mul3A_14 = arith.constant 224 : i32
      %mul3A_15 = arith.muli %arg1, %mul3A_14 : i32
      %mul3A_16 = arith.constant 64 : i32
      %mul3A_17 = arith.muli %mul3A_15, %mul3A_16 : i32
      "tpu.region"() ({
        %run_scoped3A = tpu.sem_alloc : memref<!tpu.dma_semaphore, #tpu.memory_space<semaphore_mem>>
        %dma_start3A = arith.constant 0 : i32
        %dma_start3A_23 = tpu.memref_slice %arg7[%dma_start3A] : memref<14336xi32, #tpu.memory_space<vmem>> -> memref<14336xi32, #tpu.memory_space<vmem>>
        %dma_start3A_24 = tpu.memref_slice %arg3[%mul3A_17] : memref<327680xi32, #tpu.memory_space<hbm>> -> memref<14336xi32, #tpu.memory_space<hbm>>
        %dma_start3A_25 = arith.constant 0 : i32
        %dma_start3A_26 = tpu.memref_slice %arg7[%dma_start3A_25] : memref<14336xi32, #tpu.memory_space<vmem>> -> memref<14336xi32, #tpu.memory_space<vmem>>
        %dma_start3A_27 = tpu.memref_slice %arg3[%mul3A_17] : memref<327680xi32, #tpu.memory_space<hbm>> -> memref<14336xi32, #tpu.memory_space<hbm>>
        tpu.enqueue_dma source(%dma_start3A_27 : memref<14336xi32, #tpu.memory_space<hbm>>) target(%dma_start3A_26 : memref<14336xi32, #tpu.memory_space<vmem>>) target_semaphore(%run_scoped3A : memref<!tpu.dma_semaphore, #tpu.memory_space<semaphore_mem>>)
        %dma_wait3A = arith.constant 0 : i32
        %dma_wait3A_28 = tpu.memref_slice %arg7[%dma_wait3A] : memref<14336xi32, #tpu.memory_space<vmem>> -> memref<14336xi32, #tpu.memory_space<vmem>>
        %dma_wait3A_29 = tpu.memref_slice %arg3[%mul3A_17] : memref<327680xi32, #tpu.memory_space<hbm>> -> memref<14336xi32, #tpu.memory_space<hbm>>
        %dma_wait3A_30 = arith.constant 0 : i32
        %dma_wait3A_31 = tpu.memref_slice %arg7[%dma_wait3A_30] : memref<14336xi32, #tpu.memory_space<vmem>> -> memref<14336xi32, #tpu.memory_space<vmem>>
        %dma_wait3A_32 = tpu.memref_slice %arg3[%mul3A_17] : memref<327680xi32, #tpu.memory_space<hbm>> -> memref<14336xi32, #tpu.memory_space<hbm>>
        tpu.wait_dma2 semaphore(%run_scoped3A : memref<!tpu.dma_semaphore, #tpu.memory_space<semaphore_mem>>) src(%dma_wait3A_32 : memref<14336xi32, #tpu.memory_space<hbm>>) dst(%dma_wait3A_31 : memref<14336xi32, #tpu.memory_space<vmem>>)
        tpu.yield
      }) : () -> ()
      %scan3A = arith.constant 0 : i32
      %scan3A_18 = arith.constant 0 : i32
      %scan3A_19 = arith.constant 56 : i32
      %scan3A_20 = arith.addi %scan3A_18, %scan3A_19 : i32
      %scan3A_21 = arith.constant 1 : i32
      scf.for %scan3A_23 = %scan3A_18 to %scan3A_20 step %scan3A_21  : i32 {
        %mul3A_24 = arith.constant 4 : i32
        %mul3A_25 = arith.muli %mul3A_24, %scan3A_23 : i32
        %add3A = arith.constant 0 : i32
        %add3A_26 = arith.addi %mul3A_25, %add3A : i32
        %mul3A_27 = arith.constant 64 : i32
        %mul3A_28 = arith.muli %add3A_26, %mul3A_27 : i32
        %dma_start3A = tpu.memref_slice %arg7[%mul3A_28] : memref<14336xi32, #tpu.memory_space<vmem>> -> memref<64xi32, #tpu.memory_space<vmem>>
        %dma_start3A_29 = arith.constant 0 : i32
        %dma_start3A_30 = arith.constant 0 : i32
        %dma_start3A_31 = tpu.memref_slice %arg2[%dma_start3A_29, %dma_start3A_30] : memref<10112x128xf32, #tpu.memory_space<hbm>> -> memref<10112x128xf32, #tpu.memory_space<hbm>>
        tpu.enqueue_indirect_dma source(%dma_start3A_31 : memref<10112x128xf32, #tpu.memory_space<hbm>>) target(%arg12 : memref<64x128xf32, #tpu.memory_space<vmem>>) offsets(%dma_start3A : memref<64xi32, #tpu.memory_space<vmem>>) semaphore(%arg17 : memref<!tpu.dma_semaphore, #tpu.memory_space<semaphore_mem>>)
        %add3A_32 = arith.constant 1 : i32
        %add3A_33 = arith.addi %mul3A_25, %add3A_32 : i32
        %mul3A_34 = arith.constant 64 : i32
        %mul3A_35 = arith.muli %add3A_33, %mul3A_34 : i32
        %dma_start3A_36 = tpu.memref_slice %arg7[%mul3A_35] : memref<14336xi32, #tpu.memory_space<vmem>> -> memref<64xi32, #tpu.memory_space<vmem>>
        %dma_start3A_37 = arith.constant 0 : i32
        %dma_start3A_38 = arith.constant 0 : i32
        %dma_start3A_39 = tpu.memref_slice %arg2[%dma_start3A_37, %dma_start3A_38] : memref<10112x128xf32, #tpu.memory_space<hbm>> -> memref<10112x128xf32, #tpu.memory_space<hbm>>
        tpu.enqueue_indirect_dma source(%dma_start3A_39 : memref<10112x128xf32, #tpu.memory_space<hbm>>) target(%arg13 : memref<64x128xf32, #tpu.memory_space<vmem>>) offsets(%dma_start3A_36 : memref<64xi32, #tpu.memory_space<vmem>>) semaphore(%arg18 : memref<!tpu.dma_semaphore, #tpu.memory_space<semaphore_mem>>)
        %add3A_40 = arith.constant 2 : i32
        %add3A_41 = arith.addi %mul3A_25, %add3A_40 : i32
        %mul3A_42 = arith.constant 64 : i32
        %mul3A_43 = arith.muli %add3A_41, %mul3A_42 : i32
        %dma_start3A_44 = tpu.memref_slice %arg7[%mul3A_43] : memref<14336xi32, #tpu.memory_space<vmem>> -> memref<64xi32, #tpu.memory_space<vmem>>
        %dma_start3A_45 = arith.constant 0 : i32
        %dma_start3A_46 = arith.constant 0 : i32
        %dma_start3A_47 = tpu.memref_slice %arg2[%dma_start3A_45, %dma_start3A_46] : memref<10112x128xf32, #tpu.memory_space<hbm>> -> memref<10112x128xf32, #tpu.memory_space<hbm>>
        tpu.enqueue_indirect_dma source(%dma_start3A_47 : memref<10112x128xf32, #tpu.memory_space<hbm>>) target(%arg14 : memref<64x128xf32, #tpu.memory_space<vmem>>) offsets(%dma_start3A_44 : memref<64xi32, #tpu.memory_space<vmem>>) semaphore(%arg19 : memref<!tpu.dma_semaphore, #tpu.memory_space<semaphore_mem>>)
        %add3A_48 = arith.constant 3 : i32
        %add3A_49 = arith.addi %mul3A_25, %add3A_48 : i32
        %mul3A_50 = arith.constant 64 : i32
        %mul3A_51 = arith.muli %add3A_49, %mul3A_50 : i32
        %dma_start3A_52 = tpu.memref_slice %arg7[%mul3A_51] : memref<14336xi32, #tpu.memory_space<vmem>> -> memref<64xi32, #tpu.memory_space<vmem>>
        %dma_start3A_53 = arith.constant 0 : i32
        %dma_start3A_54 = arith.constant 0 : i32
        %dma_start3A_55 = tpu.memref_slice %arg2[%dma_start3A_53, %dma_start3A_54] : memref<10112x128xf32, #tpu.memory_space<hbm>> -> memref<10112x128xf32, #tpu.memory_space<hbm>>
        tpu.enqueue_indirect_dma source(%dma_start3A_55 : memref<10112x128xf32, #tpu.memory_space<hbm>>) target(%arg15 : memref<64x128xf32, #tpu.memory_space<vmem>>) offsets(%dma_start3A_52 : memref<64xi32, #tpu.memory_space<vmem>>) semaphore(%arg20 : memref<!tpu.dma_semaphore, #tpu.memory_space<semaphore_mem>>)
        %add3A_56 = arith.addi %mul3A_15, %mul3A_25 : i32
        %add3A_57 = arith.constant 0 : i32
        %add3A_58 = arith.addi %add3A_56, %add3A_57 : i32
        %dma_start3A_59 = arith.constant 0 : i32
        %dma_start3A_60 = tpu.memref_slice %arg4[%add3A_58, %dma_start3A_59] : memref<5120x64xi32, #tpu.memory_space<hbm>> -> memref<1x64xi32, #tpu.memory_space<hbm>>
        %dma_start3A_61 = tpu.memref_squeeze %dma_start3A_60 : memref<1x64xi32, #tpu.memory_space<hbm>> -> memref<64xi32, #tpu.memory_space<hbm>>
        %dma_start3A_62 = arith.constant 0 : i32
        %dma_start3A_63 = tpu.memref_slice %arg4[%add3A_58, %dma_start3A_62] : memref<5120x64xi32, #tpu.memory_space<hbm>> -> memref<1x64xi32, #tpu.memory_space<hbm>>
        %dma_start3A_64 = tpu.memref_squeeze %dma_start3A_63 : memref<1x64xi32, #tpu.memory_space<hbm>> -> memref<64xi32, #tpu.memory_space<hbm>>
        tpu.enqueue_dma source(%dma_start3A_64 : memref<64xi32, #tpu.memory_space<hbm>>) target(%arg8 : memref<64xi32, #tpu.memory_space<vmem>>) target_semaphore(%arg21 : memref<!tpu.dma_semaphore, #tpu.memory_space<semaphore_mem>>)
        %add3A_65 = arith.addi %mul3A_15, %mul3A_25 : i32
        %add3A_66 = arith.constant 1 : i32
        %add3A_67 = arith.addi %add3A_65, %add3A_66 : i32
        %dma_start3A_68 = arith.constant 0 : i32
        %dma_start3A_69 = tpu.memref_slice %arg4[%add3A_67, %dma_start3A_68] : memref<5120x64xi32, #tpu.memory_space<hbm>> -> memref<1x64xi32, #tpu.memory_space<hbm>>
        %dma_start3A_70 = tpu.memref_squeeze %dma_start3A_69 : memref<1x64xi32, #tpu.memory_space<hbm>> -> memref<64xi32, #tpu.memory_space<hbm>>
        %dma_start3A_71 = arith.constant 0 : i32
        %dma_start3A_72 = tpu.memref_slice %arg4[%add3A_67, %dma_start3A_71] : memref<5120x64xi32, #tpu.memory_space<hbm>> -> memref<1x64xi32, #tpu.memory_space<hbm>>
        %dma_start3A_73 = tpu.memref_squeeze %dma_start3A_72 : memref<1x64xi32, #tpu.memory_space<hbm>> -> memref<64xi32, #tpu.memory_space<hbm>>
        tpu.enqueue_dma source(%dma_start3A_73 : memref<64xi32, #tpu.memory_space<hbm>>) target(%arg9 : memref<64xi32, #tpu.memory_space<vmem>>) target_semaphore(%arg22 : memref<!tpu.dma_semaphore, #tpu.memory_space<semaphore_mem>>)
        %add3A_74 = arith.addi %mul3A_15, %mul3A_25 : i32
        %add3A_75 = arith.constant 2 : i32
        %add3A_76 = arith.addi %add3A_74, %add3A_75 : i32
        %dma_start3A_77 = arith.constant 0 : i32
        %dma_start3A_78 = tpu.memref_slice %arg4[%add3A_76, %dma_start3A_77] : memref<5120x64xi32, #tpu.memory_space<hbm>> -> memref<1x64xi32, #tpu.memory_space<hbm>>
        %dma_start3A_79 = tpu.memref_squeeze %dma_start3A_78 : memref<1x64xi32, #tpu.memory_space<hbm>> -> memref<64xi32, #tpu.memory_space<hbm>>
        %dma_start3A_80 = arith.constant 0 : i32
        %dma_start3A_81 = tpu.memref_slice %arg4[%add3A_76, %dma_start3A_80] : memref<5120x64xi32, #tpu.memory_space<hbm>> -> memref<1x64xi32, #tpu.memory_space<hbm>>
        %dma_start3A_82 = tpu.memref_squeeze %dma_start3A_81 : memref<1x64xi32, #tpu.memory_space<hbm>> -> memref<64xi32, #tpu.memory_space<hbm>>
        tpu.enqueue_dma source(%dma_start3A_82 : memref<64xi32, #tpu.memory_space<hbm>>) target(%arg10 : memref<64xi32, #tpu.memory_space<vmem>>) target_semaphore(%arg23 : memref<!tpu.dma_semaphore, #tpu.memory_space<semaphore_mem>>)
        %add3A_83 = arith.addi %mul3A_15, %mul3A_25 : i32
        %add3A_84 = arith.constant 3 : i32
        %add3A_85 = arith.addi %add3A_83, %add3A_84 : i32
        %dma_start3A_86 = arith.constant 0 : i32
        %dma_start3A_87 = tpu.memref_slice %arg4[%add3A_85, %dma_start3A_86] : memref<5120x64xi32, #tpu.memory_space<hbm>> -> memref<1x64xi32, #tpu.memory_space<hbm>>
        %dma_start3A_88 = tpu.memref_squeeze %dma_start3A_87 : memref<1x64xi32, #tpu.memory_space<hbm>> -> memref<64xi32, #tpu.memory_space<hbm>>
        %dma_start3A_89 = arith.constant 0 : i32
        %dma_start3A_90 = tpu.memref_slice %arg4[%add3A_85, %dma_start3A_89] : memref<5120x64xi32, #tpu.memory_space<hbm>> -> memref<1x64xi32, #tpu.memory_space<hbm>>
        %dma_start3A_91 = tpu.memref_squeeze %dma_start3A_90 : memref<1x64xi32, #tpu.memory_space<hbm>> -> memref<64xi32, #tpu.memory_space<hbm>>
        tpu.enqueue_dma source(%dma_start3A_91 : memref<64xi32, #tpu.memory_space<hbm>>) target(%arg11 : memref<64xi32, #tpu.memory_space<vmem>>) target_semaphore(%arg24 : memref<!tpu.dma_semaphore, #tpu.memory_space<semaphore_mem>>)
        %dma_wait3A = tpu.memref_slice %arg7[%mul3A_28] : memref<14336xi32, #tpu.memory_space<vmem>> -> memref<64xi32, #tpu.memory_space<vmem>>
        %dma_wait3A_92 = arith.constant 0 : i32
        %dma_wait3A_93 = arith.constant 0 : i32
        %dma_wait3A_94 = tpu.memref_slice %arg2[%dma_wait3A_92, %dma_wait3A_93] : memref<10112x128xf32, #tpu.memory_space<hbm>> -> memref<10112x128xf32, #tpu.memory_space<hbm>>
        tpu.wait_indirect_dma semaphore(%arg17 : memref<!tpu.dma_semaphore, #tpu.memory_space<semaphore_mem>>) src(%dma_wait3A_94 : memref<10112x128xf32, #tpu.memory_space<hbm>>) dst(%arg12 : memref<64x128xf32, #tpu.memory_space<vmem>>)
        %dma_wait3A_95 = arith.constant 0 : i32
        %dma_wait3A_96 = tpu.memref_slice %arg4[%add3A_58, %dma_wait3A_95] : memref<5120x64xi32, #tpu.memory_space<hbm>> -> memref<1x64xi32, #tpu.memory_space<hbm>>
        %dma_wait3A_97 = tpu.memref_squeeze %dma_wait3A_96 : memref<1x64xi32, #tpu.memory_space<hbm>> -> memref<64xi32, #tpu.memory_space<hbm>>
        %dma_wait3A_98 = arith.constant 0 : i32
        %dma_wait3A_99 = tpu.memref_slice %arg4[%add3A_58, %dma_wait3A_98] : memref<5120x64xi32, #tpu.memory_space<hbm>> -> memref<1x64xi32, #tpu.memory_space<hbm>>
        %dma_wait3A_100 = tpu.memref_squeeze %dma_wait3A_99 : memref<1x64xi32, #tpu.memory_space<hbm>> -> memref<64xi32, #tpu.memory_space<hbm>>
        tpu.wait_dma2 semaphore(%arg21 : memref<!tpu.dma_semaphore, #tpu.memory_space<semaphore_mem>>) src(%dma_wait3A_100 : memref<64xi32, #tpu.memory_space<hbm>>) dst(%arg8 : memref<64xi32, #tpu.memory_space<vmem>>)
        %dma_start3A_101 = arith.constant 0 : i32
        %dma_start3A_102 = arith.constant 0 : i32
        %dma_start3A_103 = tpu.memref_slice %arg16[%dma_start3A_101, %dma_start3A_102] : memref<10112x128xf32, #tpu.memory_space<vmem_shared>> -> memref<10112x128xf32, #tpu.memory_space<vmem_shared>>
        tpu.enqueue_indirect_dma source(%arg12 : memref<64x128xf32, #tpu.memory_space<vmem>>) target(%dma_start3A_103 : memref<10112x128xf32, #tpu.memory_space<vmem_shared>>) offsets(%arg8 : memref<64xi32, #tpu.memory_space<vmem>>) semaphore(%arg25 : memref<!tpu.dma_semaphore, #tpu.memory_space<semaphore_mem>>) {add = true}
        %dma_wait3A_104 = tpu.memref_slice %arg7[%mul3A_35] : memref<14336xi32, #tpu.memory_space<vmem>> -> memref<64xi32, #tpu.memory_space<vmem>>
        %dma_wait3A_105 = arith.constant 0 : i32
        %dma_wait3A_106 = arith.constant 0 : i32
        %dma_wait3A_107 = tpu.memref_slice %arg2[%dma_wait3A_105, %dma_wait3A_106] : memref<10112x128xf32, #tpu.memory_space<hbm>> -> memref<10112x128xf32, #tpu.memory_space<hbm>>
        tpu.wait_indirect_dma semaphore(%arg18 : memref<!tpu.dma_semaphore, #tpu.memory_space<semaphore_mem>>) src(%dma_wait3A_107 : memref<10112x128xf32, #tpu.memory_space<hbm>>) dst(%arg13 : memref<64x128xf32, #tpu.memory_space<vmem>>)
        %dma_wait3A_108 = arith.constant 0 : i32
        %dma_wait3A_109 = tpu.memref_slice %arg4[%add3A_67, %dma_wait3A_108] : memref<5120x64xi32, #tpu.memory_space<hbm>> -> memref<1x64xi32, #tpu.memory_space<hbm>>
        %dma_wait3A_110 = tpu.memref_squeeze %dma_wait3A_109 : memref<1x64xi32, #tpu.memory_space<hbm>> -> memref<64xi32, #tpu.memory_space<hbm>>
        %dma_wait3A_111 = arith.constant 0 : i32
        %dma_wait3A_112 = tpu.memref_slice %arg4[%add3A_67, %dma_wait3A_111] : memref<5120x64xi32, #tpu.memory_space<hbm>> -> memref<1x64xi32, #tpu.memory_space<hbm>>
        %dma_wait3A_113 = tpu.memref_squeeze %dma_wait3A_112 : memref<1x64xi32, #tpu.memory_space<hbm>> -> memref<64xi32, #tpu.memory_space<hbm>>
        tpu.wait_dma2 semaphore(%arg22 : memref<!tpu.dma_semaphore, #tpu.memory_space<semaphore_mem>>) src(%dma_wait3A_113 : memref<64xi32, #tpu.memory_space<hbm>>) dst(%arg9 : memref<64xi32, #tpu.memory_space<vmem>>)
        %dma_start3A_114 = arith.constant 0 : i32
        %dma_start3A_115 = arith.constant 0 : i32
        %dma_start3A_116 = tpu.memref_slice %arg16[%dma_start3A_114, %dma_start3A_115] : memref<10112x128xf32, #tpu.memory_space<vmem_shared>> -> memref<10112x128xf32, #tpu.memory_space<vmem_shared>>
        tpu.enqueue_indirect_dma source(%arg13 : memref<64x128xf32, #tpu.memory_space<vmem>>) target(%dma_start3A_116 : memref<10112x128xf32, #tpu.memory_space<vmem_shared>>) offsets(%arg9 : memref<64xi32, #tpu.memory_space<vmem>>) semaphore(%arg25 : memref<!tpu.dma_semaphore, #tpu.memory_space<semaphore_mem>>) {add = true}
        %dma_wait3A_117 = tpu.memref_slice %arg7[%mul3A_43] : memref<14336xi32, #tpu.memory_space<vmem>> -> memref<64xi32, #tpu.memory_space<vmem>>
        %dma_wait3A_118 = arith.constant 0 : i32
        %dma_wait3A_119 = arith.constant 0 : i32
        %dma_wait3A_120 = tpu.memref_slice %arg2[%dma_wait3A_118, %dma_wait3A_119] : memref<10112x128xf32, #tpu.memory_space<hbm>> -> memref<10112x128xf32, #tpu.memory_space<hbm>>
        tpu.wait_indirect_dma semaphore(%arg19 : memref<!tpu.dma_semaphore, #tpu.memory_space<semaphore_mem>>) src(%dma_wait3A_120 : memref<10112x128xf32, #tpu.memory_space<hbm>>) dst(%arg14 : memref<64x128xf32, #tpu.memory_space<vmem>>)
        %dma_wait3A_121 = arith.constant 0 : i32
        %dma_wait3A_122 = tpu.memref_slice %arg4[%add3A_76, %dma_wait3A_121] : memref<5120x64xi32, #tpu.memory_space<hbm>> -> memref<1x64xi32, #tpu.memory_space<hbm>>
        %dma_wait3A_123 = tpu.memref_squeeze %dma_wait3A_122 : memref<1x64xi32, #tpu.memory_space<hbm>> -> memref<64xi32, #tpu.memory_space<hbm>>
        %dma_wait3A_124 = arith.constant 0 : i32
        %dma_wait3A_125 = tpu.memref_slice %arg4[%add3A_76, %dma_wait3A_124] : memref<5120x64xi32, #tpu.memory_space<hbm>> -> memref<1x64xi32, #tpu.memory_space<hbm>>
        %dma_wait3A_126 = tpu.memref_squeeze %dma_wait3A_125 : memref<1x64xi32, #tpu.memory_space<hbm>> -> memref<64xi32, #tpu.memory_space<hbm>>
        tpu.wait_dma2 semaphore(%arg23 : memref<!tpu.dma_semaphore, #tpu.memory_space<semaphore_mem>>) src(%dma_wait3A_126 : memref<64xi32, #tpu.memory_space<hbm>>) dst(%arg10 : memref<64xi32, #tpu.memory_space<vmem>>)
        %dma_start3A_127 = arith.constant 0 : i32
        %dma_start3A_128 = arith.constant 0 : i32
        %dma_start3A_129 = tpu.memref_slice %arg16[%dma_start3A_127, %dma_start3A_128] : memref<10112x128xf32, #tpu.memory_space<vmem_shared>> -> memref<10112x128xf32, #tpu.memory_space<vmem_shared>>
        tpu.enqueue_indirect_dma source(%arg14 : memref<64x128xf32, #tpu.memory_space<vmem>>) target(%dma_start3A_129 : memref<10112x128xf32, #tpu.memory_space<vmem_shared>>) offsets(%arg10 : memref<64xi32, #tpu.memory_space<vmem>>) semaphore(%arg25 : memref<!tpu.dma_semaphore, #tpu.memory_space<semaphore_mem>>) {add = true}
        %dma_wait3A_130 = tpu.memref_slice %arg7[%mul3A_51] : memref<14336xi32, #tpu.memory_space<vmem>> -> memref<64xi32, #tpu.memory_space<vmem>>
        %dma_wait3A_131 = arith.constant 0 : i32
        %dma_wait3A_132 = arith.constant 0 : i32
        %dma_wait3A_133 = tpu.memref_slice %arg2[%dma_wait3A_131, %dma_wait3A_132] : memref<10112x128xf32, #tpu.memory_space<hbm>> -> memref<10112x128xf32, #tpu.memory_space<hbm>>
        tpu.wait_indirect_dma semaphore(%arg20 : memref<!tpu.dma_semaphore, #tpu.memory_space<semaphore_mem>>) src(%dma_wait3A_133 : memref<10112x128xf32, #tpu.memory_space<hbm>>) dst(%arg15 : memref<64x128xf32, #tpu.memory_space<vmem>>)
        %dma_wait3A_134 = arith.constant 0 : i32
        %dma_wait3A_135 = tpu.memref_slice %arg4[%add3A_85, %dma_wait3A_134] : memref<5120x64xi32, #tpu.memory_space<hbm>> -> memref<1x64xi32, #tpu.memory_space<hbm>>
        %dma_wait3A_136 = tpu.memref_squeeze %dma_wait3A_135 : memref<1x64xi32, #tpu.memory_space<hbm>> -> memref<64xi32, #tpu.memory_space<hbm>>
        %dma_wait3A_137 = arith.constant 0 : i32
        %dma_wait3A_138 = tpu.memref_slice %arg4[%add3A_85, %dma_wait3A_137] : memref<5120x64xi32, #tpu.memory_space<hbm>> -> memref<1x64xi32, #tpu.memory_space<hbm>>
        %dma_wait3A_139 = tpu.memref_squeeze %dma_wait3A_138 : memref<1x64xi32, #tpu.memory_space<hbm>> -> memref<64xi32, #tpu.memory_space<hbm>>
        tpu.wait_dma2 semaphore(%arg24 : memref<!tpu.dma_semaphore, #tpu.memory_space<semaphore_mem>>) src(%dma_wait3A_139 : memref<64xi32, #tpu.memory_space<hbm>>) dst(%arg11 : memref<64xi32, #tpu.memory_space<vmem>>)
        %dma_start3A_140 = arith.constant 0 : i32
        %dma_start3A_141 = arith.constant 0 : i32
        %dma_start3A_142 = tpu.memref_slice %arg16[%dma_start3A_140, %dma_start3A_141] : memref<10112x128xf32, #tpu.memory_space<vmem_shared>> -> memref<10112x128xf32, #tpu.memory_space<vmem_shared>>
        tpu.enqueue_indirect_dma source(%arg15 : memref<64x128xf32, #tpu.memory_space<vmem>>) target(%dma_start3A_142 : memref<10112x128xf32, #tpu.memory_space<vmem_shared>>) offsets(%arg11 : memref<64xi32, #tpu.memory_space<vmem>>) semaphore(%arg25 : memref<!tpu.dma_semaphore, #tpu.memory_space<semaphore_mem>>) {add = true}
        %dma_wait3A_143 = arith.constant 0 : i32
        %dma_wait3A_144 = arith.constant 0 : i32
        %dma_wait3A_145 = tpu.memref_slice %arg16[%dma_wait3A_143, %dma_wait3A_144] : memref<10112x128xf32, #tpu.memory_space<vmem_shared>> -> memref<10112x128xf32, #tpu.memory_space<vmem_shared>>
        tpu.wait_indirect_dma semaphore(%arg25 : memref<!tpu.dma_semaphore, #tpu.memory_space<semaphore_mem>>) src(%arg12 : memref<64x128xf32, #tpu.memory_space<vmem>>) dst(%dma_wait3A_145 : memref<10112x128xf32, #tpu.memory_space<vmem_shared>>)
        %dma_wait3A_146 = arith.constant 0 : i32
        %dma_wait3A_147 = arith.constant 0 : i32
        %dma_wait3A_148 = tpu.memref_slice %arg16[%dma_wait3A_146, %dma_wait3A_147] : memref<10112x128xf32, #tpu.memory_space<vmem_shared>> -> memref<10112x128xf32, #tpu.memory_space<vmem_shared>>
        tpu.wait_indirect_dma semaphore(%arg25 : memref<!tpu.dma_semaphore, #tpu.memory_space<semaphore_mem>>) src(%arg13 : memref<64x128xf32, #tpu.memory_space<vmem>>) dst(%dma_wait3A_148 : memref<10112x128xf32, #tpu.memory_space<vmem_shared>>)
        %dma_wait3A_149 = arith.constant 0 : i32
        %dma_wait3A_150 = arith.constant 0 : i32
        %dma_wait3A_151 = tpu.memref_slice %arg16[%dma_wait3A_149, %dma_wait3A_150] : memref<10112x128xf32, #tpu.memory_space<vmem_shared>> -> memref<10112x128xf32, #tpu.memory_space<vmem_shared>>
        tpu.wait_indirect_dma semaphore(%arg25 : memref<!tpu.dma_semaphore, #tpu.memory_space<semaphore_mem>>) src(%arg14 : memref<64x128xf32, #tpu.memory_space<vmem>>) dst(%dma_wait3A_151 : memref<10112x128xf32, #tpu.memory_space<vmem_shared>>)
        %dma_wait3A_152 = arith.constant 0 : i32
        %dma_wait3A_153 = arith.constant 0 : i32
        %dma_wait3A_154 = tpu.memref_slice %arg16[%dma_wait3A_152, %dma_wait3A_153] : memref<10112x128xf32, #tpu.memory_space<vmem_shared>> -> memref<10112x128xf32, #tpu.memory_space<vmem_shared>>
        tpu.wait_indirect_dma semaphore(%arg25 : memref<!tpu.dma_semaphore, #tpu.memory_space<semaphore_mem>>) src(%arg15 : memref<64x128xf32, #tpu.memory_space<vmem>>) dst(%dma_wait3A_154 : memref<10112x128xf32, #tpu.memory_space<vmem_shared>>)
      }
      %scan3A_22 = arith.constant 56 : i32
    } else {
    }
    %ne3A = arith.constant 0 : i32
    %ne3A_5 = arith.cmpi ne, %arg0, %ne3A : i32
    %convert_element_type3A_6 = arith.extui %ne3A_5 : i1 to i32
    %cond3A_7 = arith.constant 0 : i32
    %cond3A_8 = arith.cmpi ne, %convert_element_type3A_6, %cond3A_7 : i32
    scf.if %cond3A_8 {
      %mul3A_14 = arith.constant 96 : i32
      %mul3A_15 = arith.muli %arg1, %mul3A_14 : i32
      %add3A = arith.constant 3584 : i32
      %add3A_16 = arith.addi %add3A, %mul3A_15 : i32
      %mul3A_17 = arith.constant 64 : i32
      %mul3A_18 = arith.muli %add3A_16, %mul3A_17 : i32
      "tpu.region"() ({
        %run_scoped3A = tpu.sem_alloc : memref<!tpu.dma_semaphore, #tpu.memory_space<semaphore_mem>>
        %dma_start3A = arith.constant 0 : i32
        %dma_start3A_24 = tpu.memref_slice %arg7[%dma_start3A] : memref<14336xi32, #tpu.memory_space<vmem>> -> memref<6144xi32, #tpu.memory_space<vmem>>
        %dma_start3A_25 = tpu.memref_slice %arg3[%mul3A_18] : memref<327680xi32, #tpu.memory_space<hbm>> -> memref<6144xi32, #tpu.memory_space<hbm>>
        %dma_start3A_26 = arith.constant 0 : i32
        %dma_start3A_27 = tpu.memref_slice %arg7[%dma_start3A_26] : memref<14336xi32, #tpu.memory_space<vmem>> -> memref<6144xi32, #tpu.memory_space<vmem>>
        %dma_start3A_28 = tpu.memref_slice %arg3[%mul3A_18] : memref<327680xi32, #tpu.memory_space<hbm>> -> memref<6144xi32, #tpu.memory_space<hbm>>
        tpu.enqueue_dma source(%dma_start3A_28 : memref<6144xi32, #tpu.memory_space<hbm>>) target(%dma_start3A_27 : memref<6144xi32, #tpu.memory_space<vmem>>) target_semaphore(%run_scoped3A : memref<!tpu.dma_semaphore, #tpu.memory_space<semaphore_mem>>)
        %dma_wait3A = arith.constant 0 : i32
        %dma_wait3A_29 = tpu.memref_slice %arg7[%dma_wait3A] : memref<14336xi32, #tpu.memory_space<vmem>> -> memref<6144xi32, #tpu.memory_space<vmem>>
        %dma_wait3A_30 = tpu.memref_slice %arg3[%mul3A_18] : memref<327680xi32, #tpu.memory_space<hbm>> -> memref<6144xi32, #tpu.memory_space<hbm>>
        %dma_wait3A_31 = arith.constant 0 : i32
        %dma_wait3A_32 = tpu.memref_slice %arg7[%dma_wait3A_31] : memref<14336xi32, #tpu.memory_space<vmem>> -> memref<6144xi32, #tpu.memory_space<vmem>>
        %dma_wait3A_33 = tpu.memref_slice %arg3[%mul3A_18] : memref<327680xi32, #tpu.memory_space<hbm>> -> memref<6144xi32, #tpu.memory_space<hbm>>
        tpu.wait_dma2 semaphore(%run_scoped3A : memref<!tpu.dma_semaphore, #tpu.memory_space<semaphore_mem>>) src(%dma_wait3A_33 : memref<6144xi32, #tpu.memory_space<hbm>>) dst(%dma_wait3A_32 : memref<6144xi32, #tpu.memory_space<vmem>>)
        tpu.yield
      }) : () -> ()
      %scan3A = arith.constant 0 : i32
      %scan3A_19 = arith.constant 0 : i32
      %scan3A_20 = arith.constant 24 : i32
      %scan3A_21 = arith.addi %scan3A_19, %scan3A_20 : i32
      %scan3A_22 = arith.constant 1 : i32
      scf.for %scan3A_24 = %scan3A_19 to %scan3A_21 step %scan3A_22  : i32 {
        %mul3A_25 = arith.constant 4 : i32
        %mul3A_26 = arith.muli %mul3A_25, %scan3A_24 : i32
        %add3A_27 = arith.constant 0 : i32
        %add3A_28 = arith.addi %mul3A_26, %add3A_27 : i32
        %mul3A_29 = arith.constant 64 : i32
        %mul3A_30 = arith.muli %add3A_28, %mul3A_29 : i32
        %dma_start3A = tpu.memref_slice %arg7[%mul3A_30] : memref<14336xi32, #tpu.memory_space<vmem>> -> memref<64xi32, #tpu.memory_space<vmem>>
        %dma_start3A_31 = arith.constant 0 : i32
        %dma_start3A_32 = arith.constant 0 : i32
        %dma_start3A_33 = tpu.memref_slice %arg2[%dma_start3A_31, %dma_start3A_32] : memref<10112x128xf32, #tpu.memory_space<hbm>> -> memref<10112x128xf32, #tpu.memory_space<hbm>>
        tpu.enqueue_indirect_dma source(%dma_start3A_33 : memref<10112x128xf32, #tpu.memory_space<hbm>>) target(%arg12 : memref<64x128xf32, #tpu.memory_space<vmem>>) offsets(%dma_start3A : memref<64xi32, #tpu.memory_space<vmem>>) semaphore(%arg17 : memref<!tpu.dma_semaphore, #tpu.memory_space<semaphore_mem>>)
        %add3A_34 = arith.constant 1 : i32
        %add3A_35 = arith.addi %mul3A_26, %add3A_34 : i32
        %mul3A_36 = arith.constant 64 : i32
        %mul3A_37 = arith.muli %add3A_35, %mul3A_36 : i32
        %dma_start3A_38 = tpu.memref_slice %arg7[%mul3A_37] : memref<14336xi32, #tpu.memory_space<vmem>> -> memref<64xi32, #tpu.memory_space<vmem>>
        %dma_start3A_39 = arith.constant 0 : i32
        %dma_start3A_40 = arith.constant 0 : i32
        %dma_start3A_41 = tpu.memref_slice %arg2[%dma_start3A_39, %dma_start3A_40] : memref<10112x128xf32, #tpu.memory_space<hbm>> -> memref<10112x128xf32, #tpu.memory_space<hbm>>
        tpu.enqueue_indirect_dma source(%dma_start3A_41 : memref<10112x128xf32, #tpu.memory_space<hbm>>) target(%arg13 : memref<64x128xf32, #tpu.memory_space<vmem>>) offsets(%dma_start3A_38 : memref<64xi32, #tpu.memory_space<vmem>>) semaphore(%arg18 : memref<!tpu.dma_semaphore, #tpu.memory_space<semaphore_mem>>)
        %add3A_42 = arith.constant 2 : i32
        %add3A_43 = arith.addi %mul3A_26, %add3A_42 : i32
        %mul3A_44 = arith.constant 64 : i32
        %mul3A_45 = arith.muli %add3A_43, %mul3A_44 : i32
        %dma_start3A_46 = tpu.memref_slice %arg7[%mul3A_45] : memref<14336xi32, #tpu.memory_space<vmem>> -> memref<64xi32, #tpu.memory_space<vmem>>
        %dma_start3A_47 = arith.constant 0 : i32
        %dma_start3A_48 = arith.constant 0 : i32
        %dma_start3A_49 = tpu.memref_slice %arg2[%dma_start3A_47, %dma_start3A_48] : memref<10112x128xf32, #tpu.memory_space<hbm>> -> memref<10112x128xf32, #tpu.memory_space<hbm>>
        tpu.enqueue_indirect_dma source(%dma_start3A_49 : memref<10112x128xf32, #tpu.memory_space<hbm>>) target(%arg14 : memref<64x128xf32, #tpu.memory_space<vmem>>) offsets(%dma_start3A_46 : memref<64xi32, #tpu.memory_space<vmem>>) semaphore(%arg19 : memref<!tpu.dma_semaphore, #tpu.memory_space<semaphore_mem>>)
        %add3A_50 = arith.constant 3 : i32
        %add3A_51 = arith.addi %mul3A_26, %add3A_50 : i32
        %mul3A_52 = arith.constant 64 : i32
        %mul3A_53 = arith.muli %add3A_51, %mul3A_52 : i32
        %dma_start3A_54 = tpu.memref_slice %arg7[%mul3A_53] : memref<14336xi32, #tpu.memory_space<vmem>> -> memref<64xi32, #tpu.memory_space<vmem>>
        %dma_start3A_55 = arith.constant 0 : i32
        %dma_start3A_56 = arith.constant 0 : i32
        %dma_start3A_57 = tpu.memref_slice %arg2[%dma_start3A_55, %dma_start3A_56] : memref<10112x128xf32, #tpu.memory_space<hbm>> -> memref<10112x128xf32, #tpu.memory_space<hbm>>
        tpu.enqueue_indirect_dma source(%dma_start3A_57 : memref<10112x128xf32, #tpu.memory_space<hbm>>) target(%arg15 : memref<64x128xf32, #tpu.memory_space<vmem>>) offsets(%dma_start3A_54 : memref<64xi32, #tpu.memory_space<vmem>>) semaphore(%arg20 : memref<!tpu.dma_semaphore, #tpu.memory_space<semaphore_mem>>)
        %add3A_58 = arith.addi %add3A_16, %mul3A_26 : i32
        %add3A_59 = arith.constant 0 : i32
        %add3A_60 = arith.addi %add3A_58, %add3A_59 : i32
        %dma_start3A_61 = arith.constant 0 : i32
        %dma_start3A_62 = tpu.memref_slice %arg4[%add3A_60, %dma_start3A_61] : memref<5120x64xi32, #tpu.memory_space<hbm>> -> memref<1x64xi32, #tpu.memory_space<hbm>>
        %dma_start3A_63 = tpu.memref_squeeze %dma_start3A_62 : memref<1x64xi32, #tpu.memory_space<hbm>> -> memref<64xi32, #tpu.memory_space<hbm>>
        %dma_start3A_64 = arith.constant 0 : i32
        %dma_start3A_65 = tpu.memref_slice %arg4[%add3A_60, %dma_start3A_64] : memref<5120x64xi32, #tpu.memory_space<hbm>> -> memref<1x64xi32, #tpu.memory_space<hbm>>
        %dma_start3A_66 = tpu.memref_squeeze %dma_start3A_65 : memref<1x64xi32, #tpu.memory_space<hbm>> -> memref<64xi32, #tpu.memory_space<hbm>>
        tpu.enqueue_dma source(%dma_start3A_66 : memref<64xi32, #tpu.memory_space<hbm>>) target(%arg8 : memref<64xi32, #tpu.memory_space<vmem>>) target_semaphore(%arg21 : memref<!tpu.dma_semaphore, #tpu.memory_space<semaphore_mem>>)
        %add3A_67 = arith.addi %add3A_16, %mul3A_26 : i32
        %add3A_68 = arith.constant 1 : i32
        %add3A_69 = arith.addi %add3A_67, %add3A_68 : i32
        %dma_start3A_70 = arith.constant 0 : i32
        %dma_start3A_71 = tpu.memref_slice %arg4[%add3A_69, %dma_start3A_70] : memref<5120x64xi32, #tpu.memory_space<hbm>> -> memref<1x64xi32, #tpu.memory_space<hbm>>
        %dma_start3A_72 = tpu.memref_squeeze %dma_start3A_71 : memref<1x64xi32, #tpu.memory_space<hbm>> -> memref<64xi32, #tpu.memory_space<hbm>>
        %dma_start3A_73 = arith.constant 0 : i32
        %dma_start3A_74 = tpu.memref_slice %arg4[%add3A_69, %dma_start3A_73] : memref<5120x64xi32, #tpu.memory_space<hbm>> -> memref<1x64xi32, #tpu.memory_space<hbm>>
        %dma_start3A_75 = tpu.memref_squeeze %dma_start3A_74 : memref<1x64xi32, #tpu.memory_space<hbm>> -> memref<64xi32, #tpu.memory_space<hbm>>
        tpu.enqueue_dma source(%dma_start3A_75 : memref<64xi32, #tpu.memory_space<hbm>>) target(%arg9 : memref<64xi32, #tpu.memory_space<vmem>>) target_semaphore(%arg22 : memref<!tpu.dma_semaphore, #tpu.memory_space<semaphore_mem>>)
        %add3A_76 = arith.addi %add3A_16, %mul3A_26 : i32
        %add3A_77 = arith.constant 2 : i32
        %add3A_78 = arith.addi %add3A_76, %add3A_77 : i32
        %dma_start3A_79 = arith.constant 0 : i32
        %dma_start3A_80 = tpu.memref_slice %arg4[%add3A_78, %dma_start3A_79] : memref<5120x64xi32, #tpu.memory_space<hbm>> -> memref<1x64xi32, #tpu.memory_space<hbm>>
        %dma_start3A_81 = tpu.memref_squeeze %dma_start3A_80 : memref<1x64xi32, #tpu.memory_space<hbm>> -> memref<64xi32, #tpu.memory_space<hbm>>
        %dma_start3A_82 = arith.constant 0 : i32
        %dma_start3A_83 = tpu.memref_slice %arg4[%add3A_78, %dma_start3A_82] : memref<5120x64xi32, #tpu.memory_space<hbm>> -> memref<1x64xi32, #tpu.memory_space<hbm>>
        %dma_start3A_84 = tpu.memref_squeeze %dma_start3A_83 : memref<1x64xi32, #tpu.memory_space<hbm>> -> memref<64xi32, #tpu.memory_space<hbm>>
        tpu.enqueue_dma source(%dma_start3A_84 : memref<64xi32, #tpu.memory_space<hbm>>) target(%arg10 : memref<64xi32, #tpu.memory_space<vmem>>) target_semaphore(%arg23 : memref<!tpu.dma_semaphore, #tpu.memory_space<semaphore_mem>>)
        %add3A_85 = arith.addi %add3A_16, %mul3A_26 : i32
        %add3A_86 = arith.constant 3 : i32
        %add3A_87 = arith.addi %add3A_85, %add3A_86 : i32
        %dma_start3A_88 = arith.constant 0 : i32
        %dma_start3A_89 = tpu.memref_slice %arg4[%add3A_87, %dma_start3A_88] : memref<5120x64xi32, #tpu.memory_space<hbm>> -> memref<1x64xi32, #tpu.memory_space<hbm>>
        %dma_start3A_90 = tpu.memref_squeeze %dma_start3A_89 : memref<1x64xi32, #tpu.memory_space<hbm>> -> memref<64xi32, #tpu.memory_space<hbm>>
        %dma_start3A_91 = arith.constant 0 : i32
        %dma_start3A_92 = tpu.memref_slice %arg4[%add3A_87, %dma_start3A_91] : memref<5120x64xi32, #tpu.memory_space<hbm>> -> memref<1x64xi32, #tpu.memory_space<hbm>>
        %dma_start3A_93 = tpu.memref_squeeze %dma_start3A_92 : memref<1x64xi32, #tpu.memory_space<hbm>> -> memref<64xi32, #tpu.memory_space<hbm>>
        tpu.enqueue_dma source(%dma_start3A_93 : memref<64xi32, #tpu.memory_space<hbm>>) target(%arg11 : memref<64xi32, #tpu.memory_space<vmem>>) target_semaphore(%arg24 : memref<!tpu.dma_semaphore, #tpu.memory_space<semaphore_mem>>)
        %dma_wait3A = tpu.memref_slice %arg7[%mul3A_30] : memref<14336xi32, #tpu.memory_space<vmem>> -> memref<64xi32, #tpu.memory_space<vmem>>
        %dma_wait3A_94 = arith.constant 0 : i32
        %dma_wait3A_95 = arith.constant 0 : i32
        %dma_wait3A_96 = tpu.memref_slice %arg2[%dma_wait3A_94, %dma_wait3A_95] : memref<10112x128xf32, #tpu.memory_space<hbm>> -> memref<10112x128xf32, #tpu.memory_space<hbm>>
        tpu.wait_indirect_dma semaphore(%arg17 : memref<!tpu.dma_semaphore, #tpu.memory_space<semaphore_mem>>) src(%dma_wait3A_96 : memref<10112x128xf32, #tpu.memory_space<hbm>>) dst(%arg12 : memref<64x128xf32, #tpu.memory_space<vmem>>)
        %dma_wait3A_97 = arith.constant 0 : i32
        %dma_wait3A_98 = tpu.memref_slice %arg4[%add3A_60, %dma_wait3A_97] : memref<5120x64xi32, #tpu.memory_space<hbm>> -> memref<1x64xi32, #tpu.memory_space<hbm>>
        %dma_wait3A_99 = tpu.memref_squeeze %dma_wait3A_98 : memref<1x64xi32, #tpu.memory_space<hbm>> -> memref<64xi32, #tpu.memory_space<hbm>>
        %dma_wait3A_100 = arith.constant 0 : i32
        %dma_wait3A_101 = tpu.memref_slice %arg4[%add3A_60, %dma_wait3A_100] : memref<5120x64xi32, #tpu.memory_space<hbm>> -> memref<1x64xi32, #tpu.memory_space<hbm>>
        %dma_wait3A_102 = tpu.memref_squeeze %dma_wait3A_101 : memref<1x64xi32, #tpu.memory_space<hbm>> -> memref<64xi32, #tpu.memory_space<hbm>>
        tpu.wait_dma2 semaphore(%arg21 : memref<!tpu.dma_semaphore, #tpu.memory_space<semaphore_mem>>) src(%dma_wait3A_102 : memref<64xi32, #tpu.memory_space<hbm>>) dst(%arg8 : memref<64xi32, #tpu.memory_space<vmem>>)
        %dma_start3A_103 = arith.constant 0 : i32
        %dma_start3A_104 = arith.constant 0 : i32
        %dma_start3A_105 = tpu.memref_slice %arg16[%dma_start3A_103, %dma_start3A_104] : memref<10112x128xf32, #tpu.memory_space<vmem_shared>> -> memref<10112x128xf32, #tpu.memory_space<vmem_shared>>
        tpu.enqueue_indirect_dma source(%arg12 : memref<64x128xf32, #tpu.memory_space<vmem>>) target(%dma_start3A_105 : memref<10112x128xf32, #tpu.memory_space<vmem_shared>>) offsets(%arg8 : memref<64xi32, #tpu.memory_space<vmem>>) semaphore(%arg25 : memref<!tpu.dma_semaphore, #tpu.memory_space<semaphore_mem>>) {add = true}
        %dma_wait3A_106 = tpu.memref_slice %arg7[%mul3A_37] : memref<14336xi32, #tpu.memory_space<vmem>> -> memref<64xi32, #tpu.memory_space<vmem>>
        %dma_wait3A_107 = arith.constant 0 : i32
        %dma_wait3A_108 = arith.constant 0 : i32
        %dma_wait3A_109 = tpu.memref_slice %arg2[%dma_wait3A_107, %dma_wait3A_108] : memref<10112x128xf32, #tpu.memory_space<hbm>> -> memref<10112x128xf32, #tpu.memory_space<hbm>>
        tpu.wait_indirect_dma semaphore(%arg18 : memref<!tpu.dma_semaphore, #tpu.memory_space<semaphore_mem>>) src(%dma_wait3A_109 : memref<10112x128xf32, #tpu.memory_space<hbm>>) dst(%arg13 : memref<64x128xf32, #tpu.memory_space<vmem>>)
        %dma_wait3A_110 = arith.constant 0 : i32
        %dma_wait3A_111 = tpu.memref_slice %arg4[%add3A_69, %dma_wait3A_110] : memref<5120x64xi32, #tpu.memory_space<hbm>> -> memref<1x64xi32, #tpu.memory_space<hbm>>
        %dma_wait3A_112 = tpu.memref_squeeze %dma_wait3A_111 : memref<1x64xi32, #tpu.memory_space<hbm>> -> memref<64xi32, #tpu.memory_space<hbm>>
        %dma_wait3A_113 = arith.constant 0 : i32
        %dma_wait3A_114 = tpu.memref_slice %arg4[%add3A_69, %dma_wait3A_113] : memref<5120x64xi32, #tpu.memory_space<hbm>> -> memref<1x64xi32, #tpu.memory_space<hbm>>
        %dma_wait3A_115 = tpu.memref_squeeze %dma_wait3A_114 : memref<1x64xi32, #tpu.memory_space<hbm>> -> memref<64xi32, #tpu.memory_space<hbm>>
        tpu.wait_dma2 semaphore(%arg22 : memref<!tpu.dma_semaphore, #tpu.memory_space<semaphore_mem>>) src(%dma_wait3A_115 : memref<64xi32, #tpu.memory_space<hbm>>) dst(%arg9 : memref<64xi32, #tpu.memory_space<vmem>>)
        %dma_start3A_116 = arith.constant 0 : i32
        %dma_start3A_117 = arith.constant 0 : i32
        %dma_start3A_118 = tpu.memref_slice %arg16[%dma_start3A_116, %dma_start3A_117] : memref<10112x128xf32, #tpu.memory_space<vmem_shared>> -> memref<10112x128xf32, #tpu.memory_space<vmem_shared>>
        tpu.enqueue_indirect_dma source(%arg13 : memref<64x128xf32, #tpu.memory_space<vmem>>) target(%dma_start3A_118 : memref<10112x128xf32, #tpu.memory_space<vmem_shared>>) offsets(%arg9 : memref<64xi32, #tpu.memory_space<vmem>>) semaphore(%arg25 : memref<!tpu.dma_semaphore, #tpu.memory_space<semaphore_mem>>) {add = true}
        %dma_wait3A_119 = tpu.memref_slice %arg7[%mul3A_45] : memref<14336xi32, #tpu.memory_space<vmem>> -> memref<64xi32, #tpu.memory_space<vmem>>
        %dma_wait3A_120 = arith.constant 0 : i32
        %dma_wait3A_121 = arith.constant 0 : i32
        %dma_wait3A_122 = tpu.memref_slice %arg2[%dma_wait3A_120, %dma_wait3A_121] : memref<10112x128xf32, #tpu.memory_space<hbm>> -> memref<10112x128xf32, #tpu.memory_space<hbm>>
        tpu.wait_indirect_dma semaphore(%arg19 : memref<!tpu.dma_semaphore, #tpu.memory_space<semaphore_mem>>) src(%dma_wait3A_122 : memref<10112x128xf32, #tpu.memory_space<hbm>>) dst(%arg14 : memref<64x128xf32, #tpu.memory_space<vmem>>)
        %dma_wait3A_123 = arith.constant 0 : i32
        %dma_wait3A_124 = tpu.memref_slice %arg4[%add3A_78, %dma_wait3A_123] : memref<5120x64xi32, #tpu.memory_space<hbm>> -> memref<1x64xi32, #tpu.memory_space<hbm>>
        %dma_wait3A_125 = tpu.memref_squeeze %dma_wait3A_124 : memref<1x64xi32, #tpu.memory_space<hbm>> -> memref<64xi32, #tpu.memory_space<hbm>>
        %dma_wait3A_126 = arith.constant 0 : i32
        %dma_wait3A_127 = tpu.memref_slice %arg4[%add3A_78, %dma_wait3A_126] : memref<5120x64xi32, #tpu.memory_space<hbm>> -> memref<1x64xi32, #tpu.memory_space<hbm>>
        %dma_wait3A_128 = tpu.memref_squeeze %dma_wait3A_127 : memref<1x64xi32, #tpu.memory_space<hbm>> -> memref<64xi32, #tpu.memory_space<hbm>>
        tpu.wait_dma2 semaphore(%arg23 : memref<!tpu.dma_semaphore, #tpu.memory_space<semaphore_mem>>) src(%dma_wait3A_128 : memref<64xi32, #tpu.memory_space<hbm>>) dst(%arg10 : memref<64xi32, #tpu.memory_space<vmem>>)
        %dma_start3A_129 = arith.constant 0 : i32
        %dma_start3A_130 = arith.constant 0 : i32
        %dma_start3A_131 = tpu.memref_slice %arg16[%dma_start3A_129, %dma_start3A_130] : memref<10112x128xf32, #tpu.memory_space<vmem_shared>> -> memref<10112x128xf32, #tpu.memory_space<vmem_shared>>
        tpu.enqueue_indirect_dma source(%arg14 : memref<64x128xf32, #tpu.memory_space<vmem>>) target(%dma_start3A_131 : memref<10112x128xf32, #tpu.memory_space<vmem_shared>>) offsets(%arg10 : memref<64xi32, #tpu.memory_space<vmem>>) semaphore(%arg25 : memref<!tpu.dma_semaphore, #tpu.memory_space<semaphore_mem>>) {add = true}
        %dma_wait3A_132 = tpu.memref_slice %arg7[%mul3A_53] : memref<14336xi32, #tpu.memory_space<vmem>> -> memref<64xi32, #tpu.memory_space<vmem>>
        %dma_wait3A_133 = arith.constant 0 : i32
        %dma_wait3A_134 = arith.constant 0 : i32
        %dma_wait3A_135 = tpu.memref_slice %arg2[%dma_wait3A_133, %dma_wait3A_134] : memref<10112x128xf32, #tpu.memory_space<hbm>> -> memref<10112x128xf32, #tpu.memory_space<hbm>>
        tpu.wait_indirect_dma semaphore(%arg20 : memref<!tpu.dma_semaphore, #tpu.memory_space<semaphore_mem>>) src(%dma_wait3A_135 : memref<10112x128xf32, #tpu.memory_space<hbm>>) dst(%arg15 : memref<64x128xf32, #tpu.memory_space<vmem>>)
        %dma_wait3A_136 = arith.constant 0 : i32
        %dma_wait3A_137 = tpu.memref_slice %arg4[%add3A_87, %dma_wait3A_136] : memref<5120x64xi32, #tpu.memory_space<hbm>> -> memref<1x64xi32, #tpu.memory_space<hbm>>
        %dma_wait3A_138 = tpu.memref_squeeze %dma_wait3A_137 : memref<1x64xi32, #tpu.memory_space<hbm>> -> memref<64xi32, #tpu.memory_space<hbm>>
        %dma_wait3A_139 = arith.constant 0 : i32
        %dma_wait3A_140 = tpu.memref_slice %arg4[%add3A_87, %dma_wait3A_139] : memref<5120x64xi32, #tpu.memory_space<hbm>> -> memref<1x64xi32, #tpu.memory_space<hbm>>
        %dma_wait3A_141 = tpu.memref_squeeze %dma_wait3A_140 : memref<1x64xi32, #tpu.memory_space<hbm>> -> memref<64xi32, #tpu.memory_space<hbm>>
        tpu.wait_dma2 semaphore(%arg24 : memref<!tpu.dma_semaphore, #tpu.memory_space<semaphore_mem>>) src(%dma_wait3A_141 : memref<64xi32, #tpu.memory_space<hbm>>) dst(%arg11 : memref<64xi32, #tpu.memory_space<vmem>>)
        %dma_start3A_142 = arith.constant 0 : i32
        %dma_start3A_143 = arith.constant 0 : i32
        %dma_start3A_144 = tpu.memref_slice %arg16[%dma_start3A_142, %dma_start3A_143] : memref<10112x128xf32, #tpu.memory_space<vmem_shared>> -> memref<10112x128xf32, #tpu.memory_space<vmem_shared>>
        tpu.enqueue_indirect_dma source(%arg15 : memref<64x128xf32, #tpu.memory_space<vmem>>) target(%dma_start3A_144 : memref<10112x128xf32, #tpu.memory_space<vmem_shared>>) offsets(%arg11 : memref<64xi32, #tpu.memory_space<vmem>>) semaphore(%arg25 : memref<!tpu.dma_semaphore, #tpu.memory_space<semaphore_mem>>) {add = true}
        %dma_wait3A_145 = arith.constant 0 : i32
        %dma_wait3A_146 = arith.constant 0 : i32
        %dma_wait3A_147 = tpu.memref_slice %arg16[%dma_wait3A_145, %dma_wait3A_146] : memref<10112x128xf32, #tpu.memory_space<vmem_shared>> -> memref<10112x128xf32, #tpu.memory_space<vmem_shared>>
        tpu.wait_indirect_dma semaphore(%arg25 : memref<!tpu.dma_semaphore, #tpu.memory_space<semaphore_mem>>) src(%arg12 : memref<64x128xf32, #tpu.memory_space<vmem>>) dst(%dma_wait3A_147 : memref<10112x128xf32, #tpu.memory_space<vmem_shared>>)
        %dma_wait3A_148 = arith.constant 0 : i32
        %dma_wait3A_149 = arith.constant 0 : i32
        %dma_wait3A_150 = tpu.memref_slice %arg16[%dma_wait3A_148, %dma_wait3A_149] : memref<10112x128xf32, #tpu.memory_space<vmem_shared>> -> memref<10112x128xf32, #tpu.memory_space<vmem_shared>>
        tpu.wait_indirect_dma semaphore(%arg25 : memref<!tpu.dma_semaphore, #tpu.memory_space<semaphore_mem>>) src(%arg13 : memref<64x128xf32, #tpu.memory_space<vmem>>) dst(%dma_wait3A_150 : memref<10112x128xf32, #tpu.memory_space<vmem_shared>>)
        %dma_wait3A_151 = arith.constant 0 : i32
        %dma_wait3A_152 = arith.constant 0 : i32
        %dma_wait3A_153 = tpu.memref_slice %arg16[%dma_wait3A_151, %dma_wait3A_152] : memref<10112x128xf32, #tpu.memory_space<vmem_shared>> -> memref<10112x128xf32, #tpu.memory_space<vmem_shared>>
        tpu.wait_indirect_dma semaphore(%arg25 : memref<!tpu.dma_semaphore, #tpu.memory_space<semaphore_mem>>) src(%arg14 : memref<64x128xf32, #tpu.memory_space<vmem>>) dst(%dma_wait3A_153 : memref<10112x128xf32, #tpu.memory_space<vmem_shared>>)
        %dma_wait3A_154 = arith.constant 0 : i32
        %dma_wait3A_155 = arith.constant 0 : i32
        %dma_wait3A_156 = tpu.memref_slice %arg16[%dma_wait3A_154, %dma_wait3A_155] : memref<10112x128xf32, #tpu.memory_space<vmem_shared>> -> memref<10112x128xf32, #tpu.memory_space<vmem_shared>>
        tpu.wait_indirect_dma semaphore(%arg25 : memref<!tpu.dma_semaphore, #tpu.memory_space<semaphore_mem>>) src(%arg15 : memref<64x128xf32, #tpu.memory_space<vmem>>) dst(%dma_wait3A_156 : memref<10112x128xf32, #tpu.memory_space<vmem_shared>>)
      }
      %scan3A_23 = arith.constant 24 : i32
    } else {
    }
    %barrier3A_9 = arith.constant 0 : index
    tpu.barrier barrier_id(%barrier3A_9)
    %mul3A_10 = arith.constant 632 : i32
    %mul3A_11 = arith.muli %arg1, %mul3A_10 : i32
    %mul3A_12 = arith.constant 632 : i32
    %mul3A_13 = arith.muli %arg1, %mul3A_12 : i32
    "tpu.region"() ({
      %run_scoped3A = tpu.sem_alloc : memref<!tpu.dma_semaphore, #tpu.memory_space<semaphore_mem>>
      %dma_start3A = arith.constant 0 : i32
      %dma_start3A_14 = tpu.memref_slice %arg6[%arg0, %mul3A_13, %dma_start3A] : memref<2x10112x128xf32, #tpu.memory_space<hbm>> -> memref<1x632x128xf32, #tpu.memory_space<hbm>>
      %dma_start3A_15 = tpu.memref_squeeze %dma_start3A_14 : memref<1x632x128xf32, #tpu.memory_space<hbm>> -> memref<632x128xf32, #tpu.memory_space<hbm>>
      %dma_start3A_16 = arith.constant 0 : i32
      %dma_start3A_17 = tpu.memref_slice %arg16[%mul3A_11, %dma_start3A_16] : memref<10112x128xf32, #tpu.memory_space<vmem_shared>> -> memref<632x128xf32, #tpu.memory_space<vmem_shared>>
      tpu.enqueue_dma source(%dma_start3A_17 : memref<632x128xf32, #tpu.memory_space<vmem_shared>>) target(%dma_start3A_15 : memref<632x128xf32, #tpu.memory_space<hbm>>) target_semaphore(%run_scoped3A : memref<!tpu.dma_semaphore, #tpu.memory_space<semaphore_mem>>)
      %dma_wait3A = arith.constant 0 : i32
      %dma_wait3A_18 = tpu.memref_slice %arg6[%arg0, %mul3A_13, %dma_wait3A] : memref<2x10112x128xf32, #tpu.memory_space<hbm>> -> memref<1x632x128xf32, #tpu.memory_space<hbm>>
      %dma_wait3A_19 = tpu.memref_squeeze %dma_wait3A_18 : memref<1x632x128xf32, #tpu.memory_space<hbm>> -> memref<632x128xf32, #tpu.memory_space<hbm>>
      %dma_wait3A_20 = arith.constant 0 : i32
      %dma_wait3A_21 = tpu.memref_slice %arg16[%mul3A_11, %dma_wait3A_20] : memref<10112x128xf32, #tpu.memory_space<vmem_shared>> -> memref<632x128xf32, #tpu.memory_space<vmem_shared>>
      tpu.wait_dma2 semaphore(%run_scoped3A : memref<!tpu.dma_semaphore, #tpu.memory_space<semaphore_mem>>) src(%dma_wait3A_21 : memref<632x128xf32, #tpu.memory_space<vmem_shared>>) dst(%dma_wait3A_19 : memref<632x128xf32, #tpu.memory_space<hbm>>)
      tpu.yield
    }) : () -> ()
    return
  }
}

#map = affine_map<(d0, d1) -> (0, 0)>
#map1 = affine_map<(d0, d1) -> (0)>
#map2 = affine_map<(d0, d1) -> (0, 0, 0)>
module attributes {stable_mosaic.version = 14 : i64} {
  func.func @sc_scatter(%arg0: i32, %arg1: i32, %arg2: memref<10112x64xf32, #tpu.memory_space<hbm>>, %arg3: memref<327680xi32, #tpu.memory_space<hbm>>, %arg4: memref<2560x128xi32, #tpu.memory_space<hbm>>, %arg5: memref<10112x64xf32, #tpu.memory_space<hbm>>, %arg6: memref<2x10112x64xf32, #tpu.memory_space<hbm>>, %arg7: memref<14336xi32, #tpu.memory_space<vmem>>, %arg8: memref<128xi32, #tpu.memory_space<vmem>>, %arg9: memref<128xi32, #tpu.memory_space<vmem>>, %arg10: memref<128xi32, #tpu.memory_space<vmem>>, %arg11: memref<128xi32, #tpu.memory_space<vmem>>, %arg12: memref<128x64xf32, #tpu.memory_space<vmem>>, %arg13: memref<128x64xf32, #tpu.memory_space<vmem>>, %arg14: memref<128x64xf32, #tpu.memory_space<vmem>>, %arg15: memref<128x64xf32, #tpu.memory_space<vmem>>, %arg16: memref<10112x64xf32, #tpu.memory_space<vmem_shared>>, %arg17: memref<!tpu.dma_semaphore, #tpu.memory_space<semaphore_mem>>, %arg18: memref<!tpu.dma_semaphore, #tpu.memory_space<semaphore_mem>>, %arg19: memref<!tpu.dma_semaphore, #tpu.memory_space<semaphore_mem>>, %arg20: memref<!tpu.dma_semaphore, #tpu.memory_space<semaphore_mem>>, %arg21: memref<!tpu.dma_semaphore, #tpu.memory_space<semaphore_mem>>, %arg22: memref<!tpu.dma_semaphore, #tpu.memory_space<semaphore_mem>>, %arg23: memref<!tpu.dma_semaphore, #tpu.memory_space<semaphore_mem>>, %arg24: memref<!tpu.dma_semaphore, #tpu.memory_space<semaphore_mem>>, %arg25: memref<!tpu.dma_semaphore, #tpu.memory_space<semaphore_mem>>) attributes {dimension_semantics = [#tpu.dimension_semantics<core_parallel>, #tpu.dimension_semantics<subcore_parallel>], iteration_bounds = array<i64: 2, 16>, scalar_prefetch = 0 : i64, scratch_operands = 19 : i64, tpu.core_type = #tpu.core_type<sc_vector_subcore>, window_params = [{transform_indices = #map}, {transform_indices = #map1}, {transform_indices = #map}, {transform_indices = #map}, {transform_indices = #map2}]} {
    %mul3A = arith.constant 632 : i32
    %mul3A_0 = arith.muli %arg1, %mul3A : i32
    %mul3A_1 = arith.constant 632 : i32
    %mul3A_2 = arith.muli %arg1, %mul3A_1 : i32
    "tpu.region"() ({
      %run_scoped3A = tpu.sem_alloc : memref<!tpu.dma_semaphore, #tpu.memory_space<semaphore_mem>>
      %dma_start3A = arith.constant 0 : i32
      %dma_start3A_14 = tpu.memref_slice %arg16[%mul3A_2, %dma_start3A] : memref<10112x64xf32, #tpu.memory_space<vmem_shared>> -> memref<632x64xf32, #tpu.memory_space<vmem_shared>>
      %dma_start3A_15 = arith.constant 0 : i32
      %dma_start3A_16 = tpu.memref_slice %arg5[%mul3A_0, %dma_start3A_15] : memref<10112x64xf32, #tpu.memory_space<hbm>> -> memref<632x64xf32, #tpu.memory_space<hbm>>
      tpu.enqueue_dma source(%dma_start3A_16 : memref<632x64xf32, #tpu.memory_space<hbm>>) target(%dma_start3A_14 : memref<632x64xf32, #tpu.memory_space<vmem_shared>>) target_semaphore(%run_scoped3A : memref<!tpu.dma_semaphore, #tpu.memory_space<semaphore_mem>>)
      %dma_wait3A = arith.constant 0 : i32
      %dma_wait3A_17 = tpu.memref_slice %arg16[%mul3A_2, %dma_wait3A] : memref<10112x64xf32, #tpu.memory_space<vmem_shared>> -> memref<632x64xf32, #tpu.memory_space<vmem_shared>>
      %dma_wait3A_18 = arith.constant 0 : i32
      %dma_wait3A_19 = tpu.memref_slice %arg5[%mul3A_0, %dma_wait3A_18] : memref<10112x64xf32, #tpu.memory_space<hbm>> -> memref<632x64xf32, #tpu.memory_space<hbm>>
      tpu.wait_dma2 semaphore(%run_scoped3A : memref<!tpu.dma_semaphore, #tpu.memory_space<semaphore_mem>>) src(%dma_wait3A_19 : memref<632x64xf32, #tpu.memory_space<hbm>>) dst(%dma_wait3A_17 : memref<632x64xf32, #tpu.memory_space<vmem_shared>>)
      tpu.yield
    }) : () -> ()
    %barrier3A = arith.constant 0 : index
    tpu.barrier barrier_id(%barrier3A)
    %eq3A = arith.constant 0 : i32
    %eq3A_3 = arith.cmpi eq, %arg0, %eq3A : i32
    %convert_element_type3A = arith.extui %eq3A_3 : i1 to i32
    %cond3A = arith.constant 0 : i32
    %cond3A_4 = arith.cmpi ne, %convert_element_type3A, %cond3A : i32
    scf.if %cond3A_4 {
      %mul3A_14 = arith.constant 112 : i32
      %mul3A_15 = arith.muli %arg1, %mul3A_14 : i32
      %mul3A_16 = arith.constant 128 : i32
      %mul3A_17 = arith.muli %mul3A_15, %mul3A_16 : i32
      "tpu.region"() ({
        %run_scoped3A = tpu.sem_alloc : memref<!tpu.dma_semaphore, #tpu.memory_space<semaphore_mem>>
        %dma_start3A = arith.constant 0 : i32
        %dma_start3A_23 = tpu.memref_slice %arg7[%dma_start3A] : memref<14336xi32, #tpu.memory_space<vmem>> -> memref<14336xi32, #tpu.memory_space<vmem>>
        %dma_start3A_24 = tpu.memref_slice %arg3[%mul3A_17] : memref<327680xi32, #tpu.memory_space<hbm>> -> memref<14336xi32, #tpu.memory_space<hbm>>
        %dma_start3A_25 = arith.constant 0 : i32
        %dma_start3A_26 = tpu.memref_slice %arg7[%dma_start3A_25] : memref<14336xi32, #tpu.memory_space<vmem>> -> memref<14336xi32, #tpu.memory_space<vmem>>
        %dma_start3A_27 = tpu.memref_slice %arg3[%mul3A_17] : memref<327680xi32, #tpu.memory_space<hbm>> -> memref<14336xi32, #tpu.memory_space<hbm>>
        tpu.enqueue_dma source(%dma_start3A_27 : memref<14336xi32, #tpu.memory_space<hbm>>) target(%dma_start3A_26 : memref<14336xi32, #tpu.memory_space<vmem>>) target_semaphore(%run_scoped3A : memref<!tpu.dma_semaphore, #tpu.memory_space<semaphore_mem>>)
        %dma_wait3A = arith.constant 0 : i32
        %dma_wait3A_28 = tpu.memref_slice %arg7[%dma_wait3A] : memref<14336xi32, #tpu.memory_space<vmem>> -> memref<14336xi32, #tpu.memory_space<vmem>>
        %dma_wait3A_29 = tpu.memref_slice %arg3[%mul3A_17] : memref<327680xi32, #tpu.memory_space<hbm>> -> memref<14336xi32, #tpu.memory_space<hbm>>
        %dma_wait3A_30 = arith.constant 0 : i32
        %dma_wait3A_31 = tpu.memref_slice %arg7[%dma_wait3A_30] : memref<14336xi32, #tpu.memory_space<vmem>> -> memref<14336xi32, #tpu.memory_space<vmem>>
        %dma_wait3A_32 = tpu.memref_slice %arg3[%mul3A_17] : memref<327680xi32, #tpu.memory_space<hbm>> -> memref<14336xi32, #tpu.memory_space<hbm>>
        tpu.wait_dma2 semaphore(%run_scoped3A : memref<!tpu.dma_semaphore, #tpu.memory_space<semaphore_mem>>) src(%dma_wait3A_32 : memref<14336xi32, #tpu.memory_space<hbm>>) dst(%dma_wait3A_31 : memref<14336xi32, #tpu.memory_space<vmem>>)
        tpu.yield
      }) : () -> ()
      %scan3A = arith.constant 0 : i32
      %scan3A_18 = arith.constant 0 : i32
      %scan3A_19 = arith.constant 28 : i32
      %scan3A_20 = arith.addi %scan3A_18, %scan3A_19 : i32
      %scan3A_21 = arith.constant 1 : i32
      scf.for %scan3A_23 = %scan3A_18 to %scan3A_20 step %scan3A_21  : i32 {
        %mul3A_24 = arith.constant 4 : i32
        %mul3A_25 = arith.muli %mul3A_24, %scan3A_23 : i32
        %add3A = arith.constant 0 : i32
        %add3A_26 = arith.addi %mul3A_25, %add3A : i32
        %mul3A_27 = arith.constant 128 : i32
        %mul3A_28 = arith.muli %add3A_26, %mul3A_27 : i32
        %dma_start3A = tpu.memref_slice %arg7[%mul3A_28] : memref<14336xi32, #tpu.memory_space<vmem>> -> memref<128xi32, #tpu.memory_space<vmem>>
        %dma_start3A_29 = arith.constant 0 : i32
        %dma_start3A_30 = arith.constant 0 : i32
        %dma_start3A_31 = tpu.memref_slice %arg2[%dma_start3A_29, %dma_start3A_30] : memref<10112x64xf32, #tpu.memory_space<hbm>> -> memref<10112x64xf32, #tpu.memory_space<hbm>>
        tpu.enqueue_indirect_dma source(%dma_start3A_31 : memref<10112x64xf32, #tpu.memory_space<hbm>>) target(%arg12 : memref<128x64xf32, #tpu.memory_space<vmem>>) offsets(%dma_start3A : memref<128xi32, #tpu.memory_space<vmem>>) semaphore(%arg17 : memref<!tpu.dma_semaphore, #tpu.memory_space<semaphore_mem>>)
        %add3A_32 = arith.constant 1 : i32
        %add3A_33 = arith.addi %mul3A_25, %add3A_32 : i32
        %mul3A_34 = arith.constant 128 : i32
        %mul3A_35 = arith.muli %add3A_33, %mul3A_34 : i32
        %dma_start3A_36 = tpu.memref_slice %arg7[%mul3A_35] : memref<14336xi32, #tpu.memory_space<vmem>> -> memref<128xi32, #tpu.memory_space<vmem>>
        %dma_start3A_37 = arith.constant 0 : i32
        %dma_start3A_38 = arith.constant 0 : i32
        %dma_start3A_39 = tpu.memref_slice %arg2[%dma_start3A_37, %dma_start3A_38] : memref<10112x64xf32, #tpu.memory_space<hbm>> -> memref<10112x64xf32, #tpu.memory_space<hbm>>
        tpu.enqueue_indirect_dma source(%dma_start3A_39 : memref<10112x64xf32, #tpu.memory_space<hbm>>) target(%arg13 : memref<128x64xf32, #tpu.memory_space<vmem>>) offsets(%dma_start3A_36 : memref<128xi32, #tpu.memory_space<vmem>>) semaphore(%arg18 : memref<!tpu.dma_semaphore, #tpu.memory_space<semaphore_mem>>)
        %add3A_40 = arith.constant 2 : i32
        %add3A_41 = arith.addi %mul3A_25, %add3A_40 : i32
        %mul3A_42 = arith.constant 128 : i32
        %mul3A_43 = arith.muli %add3A_41, %mul3A_42 : i32
        %dma_start3A_44 = tpu.memref_slice %arg7[%mul3A_43] : memref<14336xi32, #tpu.memory_space<vmem>> -> memref<128xi32, #tpu.memory_space<vmem>>
        %dma_start3A_45 = arith.constant 0 : i32
        %dma_start3A_46 = arith.constant 0 : i32
        %dma_start3A_47 = tpu.memref_slice %arg2[%dma_start3A_45, %dma_start3A_46] : memref<10112x64xf32, #tpu.memory_space<hbm>> -> memref<10112x64xf32, #tpu.memory_space<hbm>>
        tpu.enqueue_indirect_dma source(%dma_start3A_47 : memref<10112x64xf32, #tpu.memory_space<hbm>>) target(%arg14 : memref<128x64xf32, #tpu.memory_space<vmem>>) offsets(%dma_start3A_44 : memref<128xi32, #tpu.memory_space<vmem>>) semaphore(%arg19 : memref<!tpu.dma_semaphore, #tpu.memory_space<semaphore_mem>>)
        %add3A_48 = arith.constant 3 : i32
        %add3A_49 = arith.addi %mul3A_25, %add3A_48 : i32
        %mul3A_50 = arith.constant 128 : i32
        %mul3A_51 = arith.muli %add3A_49, %mul3A_50 : i32
        %dma_start3A_52 = tpu.memref_slice %arg7[%mul3A_51] : memref<14336xi32, #tpu.memory_space<vmem>> -> memref<128xi32, #tpu.memory_space<vmem>>
        %dma_start3A_53 = arith.constant 0 : i32
        %dma_start3A_54 = arith.constant 0 : i32
        %dma_start3A_55 = tpu.memref_slice %arg2[%dma_start3A_53, %dma_start3A_54] : memref<10112x64xf32, #tpu.memory_space<hbm>> -> memref<10112x64xf32, #tpu.memory_space<hbm>>
        tpu.enqueue_indirect_dma source(%dma_start3A_55 : memref<10112x64xf32, #tpu.memory_space<hbm>>) target(%arg15 : memref<128x64xf32, #tpu.memory_space<vmem>>) offsets(%dma_start3A_52 : memref<128xi32, #tpu.memory_space<vmem>>) semaphore(%arg20 : memref<!tpu.dma_semaphore, #tpu.memory_space<semaphore_mem>>)
        %add3A_56 = arith.addi %mul3A_15, %mul3A_25 : i32
        %add3A_57 = arith.constant 0 : i32
        %add3A_58 = arith.addi %add3A_56, %add3A_57 : i32
        %dma_start3A_59 = arith.constant 0 : i32
        %dma_start3A_60 = tpu.memref_slice %arg4[%add3A_58, %dma_start3A_59] : memref<2560x128xi32, #tpu.memory_space<hbm>> -> memref<1x128xi32, #tpu.memory_space<hbm>>
        %dma_start3A_61 = tpu.memref_squeeze %dma_start3A_60 : memref<1x128xi32, #tpu.memory_space<hbm>> -> memref<128xi32, #tpu.memory_space<hbm>>
        %dma_start3A_62 = arith.constant 0 : i32
        %dma_start3A_63 = tpu.memref_slice %arg4[%add3A_58, %dma_start3A_62] : memref<2560x128xi32, #tpu.memory_space<hbm>> -> memref<1x128xi32, #tpu.memory_space<hbm>>
        %dma_start3A_64 = tpu.memref_squeeze %dma_start3A_63 : memref<1x128xi32, #tpu.memory_space<hbm>> -> memref<128xi32, #tpu.memory_space<hbm>>
        tpu.enqueue_dma source(%dma_start3A_64 : memref<128xi32, #tpu.memory_space<hbm>>) target(%arg8 : memref<128xi32, #tpu.memory_space<vmem>>) target_semaphore(%arg21 : memref<!tpu.dma_semaphore, #tpu.memory_space<semaphore_mem>>)
        %add3A_65 = arith.addi %mul3A_15, %mul3A_25 : i32
        %add3A_66 = arith.constant 1 : i32
        %add3A_67 = arith.addi %add3A_65, %add3A_66 : i32
        %dma_start3A_68 = arith.constant 0 : i32
        %dma_start3A_69 = tpu.memref_slice %arg4[%add3A_67, %dma_start3A_68] : memref<2560x128xi32, #tpu.memory_space<hbm>> -> memref<1x128xi32, #tpu.memory_space<hbm>>
        %dma_start3A_70 = tpu.memref_squeeze %dma_start3A_69 : memref<1x128xi32, #tpu.memory_space<hbm>> -> memref<128xi32, #tpu.memory_space<hbm>>
        %dma_start3A_71 = arith.constant 0 : i32
        %dma_start3A_72 = tpu.memref_slice %arg4[%add3A_67, %dma_start3A_71] : memref<2560x128xi32, #tpu.memory_space<hbm>> -> memref<1x128xi32, #tpu.memory_space<hbm>>
        %dma_start3A_73 = tpu.memref_squeeze %dma_start3A_72 : memref<1x128xi32, #tpu.memory_space<hbm>> -> memref<128xi32, #tpu.memory_space<hbm>>
        tpu.enqueue_dma source(%dma_start3A_73 : memref<128xi32, #tpu.memory_space<hbm>>) target(%arg9 : memref<128xi32, #tpu.memory_space<vmem>>) target_semaphore(%arg22 : memref<!tpu.dma_semaphore, #tpu.memory_space<semaphore_mem>>)
        %add3A_74 = arith.addi %mul3A_15, %mul3A_25 : i32
        %add3A_75 = arith.constant 2 : i32
        %add3A_76 = arith.addi %add3A_74, %add3A_75 : i32
        %dma_start3A_77 = arith.constant 0 : i32
        %dma_start3A_78 = tpu.memref_slice %arg4[%add3A_76, %dma_start3A_77] : memref<2560x128xi32, #tpu.memory_space<hbm>> -> memref<1x128xi32, #tpu.memory_space<hbm>>
        %dma_start3A_79 = tpu.memref_squeeze %dma_start3A_78 : memref<1x128xi32, #tpu.memory_space<hbm>> -> memref<128xi32, #tpu.memory_space<hbm>>
        %dma_start3A_80 = arith.constant 0 : i32
        %dma_start3A_81 = tpu.memref_slice %arg4[%add3A_76, %dma_start3A_80] : memref<2560x128xi32, #tpu.memory_space<hbm>> -> memref<1x128xi32, #tpu.memory_space<hbm>>
        %dma_start3A_82 = tpu.memref_squeeze %dma_start3A_81 : memref<1x128xi32, #tpu.memory_space<hbm>> -> memref<128xi32, #tpu.memory_space<hbm>>
        tpu.enqueue_dma source(%dma_start3A_82 : memref<128xi32, #tpu.memory_space<hbm>>) target(%arg10 : memref<128xi32, #tpu.memory_space<vmem>>) target_semaphore(%arg23 : memref<!tpu.dma_semaphore, #tpu.memory_space<semaphore_mem>>)
        %add3A_83 = arith.addi %mul3A_15, %mul3A_25 : i32
        %add3A_84 = arith.constant 3 : i32
        %add3A_85 = arith.addi %add3A_83, %add3A_84 : i32
        %dma_start3A_86 = arith.constant 0 : i32
        %dma_start3A_87 = tpu.memref_slice %arg4[%add3A_85, %dma_start3A_86] : memref<2560x128xi32, #tpu.memory_space<hbm>> -> memref<1x128xi32, #tpu.memory_space<hbm>>
        %dma_start3A_88 = tpu.memref_squeeze %dma_start3A_87 : memref<1x128xi32, #tpu.memory_space<hbm>> -> memref<128xi32, #tpu.memory_space<hbm>>
        %dma_start3A_89 = arith.constant 0 : i32
        %dma_start3A_90 = tpu.memref_slice %arg4[%add3A_85, %dma_start3A_89] : memref<2560x128xi32, #tpu.memory_space<hbm>> -> memref<1x128xi32, #tpu.memory_space<hbm>>
        %dma_start3A_91 = tpu.memref_squeeze %dma_start3A_90 : memref<1x128xi32, #tpu.memory_space<hbm>> -> memref<128xi32, #tpu.memory_space<hbm>>
        tpu.enqueue_dma source(%dma_start3A_91 : memref<128xi32, #tpu.memory_space<hbm>>) target(%arg11 : memref<128xi32, #tpu.memory_space<vmem>>) target_semaphore(%arg24 : memref<!tpu.dma_semaphore, #tpu.memory_space<semaphore_mem>>)
        %dma_wait3A = tpu.memref_slice %arg7[%mul3A_28] : memref<14336xi32, #tpu.memory_space<vmem>> -> memref<128xi32, #tpu.memory_space<vmem>>
        %dma_wait3A_92 = arith.constant 0 : i32
        %dma_wait3A_93 = arith.constant 0 : i32
        %dma_wait3A_94 = tpu.memref_slice %arg2[%dma_wait3A_92, %dma_wait3A_93] : memref<10112x64xf32, #tpu.memory_space<hbm>> -> memref<10112x64xf32, #tpu.memory_space<hbm>>
        tpu.wait_indirect_dma semaphore(%arg17 : memref<!tpu.dma_semaphore, #tpu.memory_space<semaphore_mem>>) src(%dma_wait3A_94 : memref<10112x64xf32, #tpu.memory_space<hbm>>) dst(%arg12 : memref<128x64xf32, #tpu.memory_space<vmem>>)
        %dma_wait3A_95 = arith.constant 0 : i32
        %dma_wait3A_96 = tpu.memref_slice %arg4[%add3A_58, %dma_wait3A_95] : memref<2560x128xi32, #tpu.memory_space<hbm>> -> memref<1x128xi32, #tpu.memory_space<hbm>>
        %dma_wait3A_97 = tpu.memref_squeeze %dma_wait3A_96 : memref<1x128xi32, #tpu.memory_space<hbm>> -> memref<128xi32, #tpu.memory_space<hbm>>
        %dma_wait3A_98 = arith.constant 0 : i32
        %dma_wait3A_99 = tpu.memref_slice %arg4[%add3A_58, %dma_wait3A_98] : memref<2560x128xi32, #tpu.memory_space<hbm>> -> memref<1x128xi32, #tpu.memory_space<hbm>>
        %dma_wait3A_100 = tpu.memref_squeeze %dma_wait3A_99 : memref<1x128xi32, #tpu.memory_space<hbm>> -> memref<128xi32, #tpu.memory_space<hbm>>
        tpu.wait_dma2 semaphore(%arg21 : memref<!tpu.dma_semaphore, #tpu.memory_space<semaphore_mem>>) src(%dma_wait3A_100 : memref<128xi32, #tpu.memory_space<hbm>>) dst(%arg8 : memref<128xi32, #tpu.memory_space<vmem>>)
        %dma_start3A_101 = arith.constant 0 : i32
        %dma_start3A_102 = arith.constant 0 : i32
        %dma_start3A_103 = tpu.memref_slice %arg16[%dma_start3A_101, %dma_start3A_102] : memref<10112x64xf32, #tpu.memory_space<vmem_shared>> -> memref<10112x64xf32, #tpu.memory_space<vmem_shared>>
        tpu.enqueue_indirect_dma source(%arg12 : memref<128x64xf32, #tpu.memory_space<vmem>>) target(%dma_start3A_103 : memref<10112x64xf32, #tpu.memory_space<vmem_shared>>) offsets(%arg8 : memref<128xi32, #tpu.memory_space<vmem>>) semaphore(%arg25 : memref<!tpu.dma_semaphore, #tpu.memory_space<semaphore_mem>>) {add = true}
        %dma_wait3A_104 = tpu.memref_slice %arg7[%mul3A_35] : memref<14336xi32, #tpu.memory_space<vmem>> -> memref<128xi32, #tpu.memory_space<vmem>>
        %dma_wait3A_105 = arith.constant 0 : i32
        %dma_wait3A_106 = arith.constant 0 : i32
        %dma_wait3A_107 = tpu.memref_slice %arg2[%dma_wait3A_105, %dma_wait3A_106] : memref<10112x64xf32, #tpu.memory_space<hbm>> -> memref<10112x64xf32, #tpu.memory_space<hbm>>
        tpu.wait_indirect_dma semaphore(%arg18 : memref<!tpu.dma_semaphore, #tpu.memory_space<semaphore_mem>>) src(%dma_wait3A_107 : memref<10112x64xf32, #tpu.memory_space<hbm>>) dst(%arg13 : memref<128x64xf32, #tpu.memory_space<vmem>>)
        %dma_wait3A_108 = arith.constant 0 : i32
        %dma_wait3A_109 = tpu.memref_slice %arg4[%add3A_67, %dma_wait3A_108] : memref<2560x128xi32, #tpu.memory_space<hbm>> -> memref<1x128xi32, #tpu.memory_space<hbm>>
        %dma_wait3A_110 = tpu.memref_squeeze %dma_wait3A_109 : memref<1x128xi32, #tpu.memory_space<hbm>> -> memref<128xi32, #tpu.memory_space<hbm>>
        %dma_wait3A_111 = arith.constant 0 : i32
        %dma_wait3A_112 = tpu.memref_slice %arg4[%add3A_67, %dma_wait3A_111] : memref<2560x128xi32, #tpu.memory_space<hbm>> -> memref<1x128xi32, #tpu.memory_space<hbm>>
        %dma_wait3A_113 = tpu.memref_squeeze %dma_wait3A_112 : memref<1x128xi32, #tpu.memory_space<hbm>> -> memref<128xi32, #tpu.memory_space<hbm>>
        tpu.wait_dma2 semaphore(%arg22 : memref<!tpu.dma_semaphore, #tpu.memory_space<semaphore_mem>>) src(%dma_wait3A_113 : memref<128xi32, #tpu.memory_space<hbm>>) dst(%arg9 : memref<128xi32, #tpu.memory_space<vmem>>)
        %dma_start3A_114 = arith.constant 0 : i32
        %dma_start3A_115 = arith.constant 0 : i32
        %dma_start3A_116 = tpu.memref_slice %arg16[%dma_start3A_114, %dma_start3A_115] : memref<10112x64xf32, #tpu.memory_space<vmem_shared>> -> memref<10112x64xf32, #tpu.memory_space<vmem_shared>>
        tpu.enqueue_indirect_dma source(%arg13 : memref<128x64xf32, #tpu.memory_space<vmem>>) target(%dma_start3A_116 : memref<10112x64xf32, #tpu.memory_space<vmem_shared>>) offsets(%arg9 : memref<128xi32, #tpu.memory_space<vmem>>) semaphore(%arg25 : memref<!tpu.dma_semaphore, #tpu.memory_space<semaphore_mem>>) {add = true}
        %dma_wait3A_117 = tpu.memref_slice %arg7[%mul3A_43] : memref<14336xi32, #tpu.memory_space<vmem>> -> memref<128xi32, #tpu.memory_space<vmem>>
        %dma_wait3A_118 = arith.constant 0 : i32
        %dma_wait3A_119 = arith.constant 0 : i32
        %dma_wait3A_120 = tpu.memref_slice %arg2[%dma_wait3A_118, %dma_wait3A_119] : memref<10112x64xf32, #tpu.memory_space<hbm>> -> memref<10112x64xf32, #tpu.memory_space<hbm>>
        tpu.wait_indirect_dma semaphore(%arg19 : memref<!tpu.dma_semaphore, #tpu.memory_space<semaphore_mem>>) src(%dma_wait3A_120 : memref<10112x64xf32, #tpu.memory_space<hbm>>) dst(%arg14 : memref<128x64xf32, #tpu.memory_space<vmem>>)
        %dma_wait3A_121 = arith.constant 0 : i32
        %dma_wait3A_122 = tpu.memref_slice %arg4[%add3A_76, %dma_wait3A_121] : memref<2560x128xi32, #tpu.memory_space<hbm>> -> memref<1x128xi32, #tpu.memory_space<hbm>>
        %dma_wait3A_123 = tpu.memref_squeeze %dma_wait3A_122 : memref<1x128xi32, #tpu.memory_space<hbm>> -> memref<128xi32, #tpu.memory_space<hbm>>
        %dma_wait3A_124 = arith.constant 0 : i32
        %dma_wait3A_125 = tpu.memref_slice %arg4[%add3A_76, %dma_wait3A_124] : memref<2560x128xi32, #tpu.memory_space<hbm>> -> memref<1x128xi32, #tpu.memory_space<hbm>>
        %dma_wait3A_126 = tpu.memref_squeeze %dma_wait3A_125 : memref<1x128xi32, #tpu.memory_space<hbm>> -> memref<128xi32, #tpu.memory_space<hbm>>
        tpu.wait_dma2 semaphore(%arg23 : memref<!tpu.dma_semaphore, #tpu.memory_space<semaphore_mem>>) src(%dma_wait3A_126 : memref<128xi32, #tpu.memory_space<hbm>>) dst(%arg10 : memref<128xi32, #tpu.memory_space<vmem>>)
        %dma_start3A_127 = arith.constant 0 : i32
        %dma_start3A_128 = arith.constant 0 : i32
        %dma_start3A_129 = tpu.memref_slice %arg16[%dma_start3A_127, %dma_start3A_128] : memref<10112x64xf32, #tpu.memory_space<vmem_shared>> -> memref<10112x64xf32, #tpu.memory_space<vmem_shared>>
        tpu.enqueue_indirect_dma source(%arg14 : memref<128x64xf32, #tpu.memory_space<vmem>>) target(%dma_start3A_129 : memref<10112x64xf32, #tpu.memory_space<vmem_shared>>) offsets(%arg10 : memref<128xi32, #tpu.memory_space<vmem>>) semaphore(%arg25 : memref<!tpu.dma_semaphore, #tpu.memory_space<semaphore_mem>>) {add = true}
        %dma_wait3A_130 = tpu.memref_slice %arg7[%mul3A_51] : memref<14336xi32, #tpu.memory_space<vmem>> -> memref<128xi32, #tpu.memory_space<vmem>>
        %dma_wait3A_131 = arith.constant 0 : i32
        %dma_wait3A_132 = arith.constant 0 : i32
        %dma_wait3A_133 = tpu.memref_slice %arg2[%dma_wait3A_131, %dma_wait3A_132] : memref<10112x64xf32, #tpu.memory_space<hbm>> -> memref<10112x64xf32, #tpu.memory_space<hbm>>
        tpu.wait_indirect_dma semaphore(%arg20 : memref<!tpu.dma_semaphore, #tpu.memory_space<semaphore_mem>>) src(%dma_wait3A_133 : memref<10112x64xf32, #tpu.memory_space<hbm>>) dst(%arg15 : memref<128x64xf32, #tpu.memory_space<vmem>>)
        %dma_wait3A_134 = arith.constant 0 : i32
        %dma_wait3A_135 = tpu.memref_slice %arg4[%add3A_85, %dma_wait3A_134] : memref<2560x128xi32, #tpu.memory_space<hbm>> -> memref<1x128xi32, #tpu.memory_space<hbm>>
        %dma_wait3A_136 = tpu.memref_squeeze %dma_wait3A_135 : memref<1x128xi32, #tpu.memory_space<hbm>> -> memref<128xi32, #tpu.memory_space<hbm>>
        %dma_wait3A_137 = arith.constant 0 : i32
        %dma_wait3A_138 = tpu.memref_slice %arg4[%add3A_85, %dma_wait3A_137] : memref<2560x128xi32, #tpu.memory_space<hbm>> -> memref<1x128xi32, #tpu.memory_space<hbm>>
        %dma_wait3A_139 = tpu.memref_squeeze %dma_wait3A_138 : memref<1x128xi32, #tpu.memory_space<hbm>> -> memref<128xi32, #tpu.memory_space<hbm>>
        tpu.wait_dma2 semaphore(%arg24 : memref<!tpu.dma_semaphore, #tpu.memory_space<semaphore_mem>>) src(%dma_wait3A_139 : memref<128xi32, #tpu.memory_space<hbm>>) dst(%arg11 : memref<128xi32, #tpu.memory_space<vmem>>)
        %dma_start3A_140 = arith.constant 0 : i32
        %dma_start3A_141 = arith.constant 0 : i32
        %dma_start3A_142 = tpu.memref_slice %arg16[%dma_start3A_140, %dma_start3A_141] : memref<10112x64xf32, #tpu.memory_space<vmem_shared>> -> memref<10112x64xf32, #tpu.memory_space<vmem_shared>>
        tpu.enqueue_indirect_dma source(%arg15 : memref<128x64xf32, #tpu.memory_space<vmem>>) target(%dma_start3A_142 : memref<10112x64xf32, #tpu.memory_space<vmem_shared>>) offsets(%arg11 : memref<128xi32, #tpu.memory_space<vmem>>) semaphore(%arg25 : memref<!tpu.dma_semaphore, #tpu.memory_space<semaphore_mem>>) {add = true}
        %dma_wait3A_143 = arith.constant 0 : i32
        %dma_wait3A_144 = arith.constant 0 : i32
        %dma_wait3A_145 = tpu.memref_slice %arg16[%dma_wait3A_143, %dma_wait3A_144] : memref<10112x64xf32, #tpu.memory_space<vmem_shared>> -> memref<10112x64xf32, #tpu.memory_space<vmem_shared>>
        tpu.wait_indirect_dma semaphore(%arg25 : memref<!tpu.dma_semaphore, #tpu.memory_space<semaphore_mem>>) src(%arg12 : memref<128x64xf32, #tpu.memory_space<vmem>>) dst(%dma_wait3A_145 : memref<10112x64xf32, #tpu.memory_space<vmem_shared>>)
        %dma_wait3A_146 = arith.constant 0 : i32
        %dma_wait3A_147 = arith.constant 0 : i32
        %dma_wait3A_148 = tpu.memref_slice %arg16[%dma_wait3A_146, %dma_wait3A_147] : memref<10112x64xf32, #tpu.memory_space<vmem_shared>> -> memref<10112x64xf32, #tpu.memory_space<vmem_shared>>
        tpu.wait_indirect_dma semaphore(%arg25 : memref<!tpu.dma_semaphore, #tpu.memory_space<semaphore_mem>>) src(%arg13 : memref<128x64xf32, #tpu.memory_space<vmem>>) dst(%dma_wait3A_148 : memref<10112x64xf32, #tpu.memory_space<vmem_shared>>)
        %dma_wait3A_149 = arith.constant 0 : i32
        %dma_wait3A_150 = arith.constant 0 : i32
        %dma_wait3A_151 = tpu.memref_slice %arg16[%dma_wait3A_149, %dma_wait3A_150] : memref<10112x64xf32, #tpu.memory_space<vmem_shared>> -> memref<10112x64xf32, #tpu.memory_space<vmem_shared>>
        tpu.wait_indirect_dma semaphore(%arg25 : memref<!tpu.dma_semaphore, #tpu.memory_space<semaphore_mem>>) src(%arg14 : memref<128x64xf32, #tpu.memory_space<vmem>>) dst(%dma_wait3A_151 : memref<10112x64xf32, #tpu.memory_space<vmem_shared>>)
        %dma_wait3A_152 = arith.constant 0 : i32
        %dma_wait3A_153 = arith.constant 0 : i32
        %dma_wait3A_154 = tpu.memref_slice %arg16[%dma_wait3A_152, %dma_wait3A_153] : memref<10112x64xf32, #tpu.memory_space<vmem_shared>> -> memref<10112x64xf32, #tpu.memory_space<vmem_shared>>
        tpu.wait_indirect_dma semaphore(%arg25 : memref<!tpu.dma_semaphore, #tpu.memory_space<semaphore_mem>>) src(%arg15 : memref<128x64xf32, #tpu.memory_space<vmem>>) dst(%dma_wait3A_154 : memref<10112x64xf32, #tpu.memory_space<vmem_shared>>)
      }
      %scan3A_22 = arith.constant 28 : i32
    } else {
    }
    %ne3A = arith.constant 0 : i32
    %ne3A_5 = arith.cmpi ne, %arg0, %ne3A : i32
    %convert_element_type3A_6 = arith.extui %ne3A_5 : i1 to i32
    %cond3A_7 = arith.constant 0 : i32
    %cond3A_8 = arith.cmpi ne, %convert_element_type3A_6, %cond3A_7 : i32
    scf.if %cond3A_8 {
      %mul3A_14 = arith.constant 48 : i32
      %mul3A_15 = arith.muli %arg1, %mul3A_14 : i32
      %add3A = arith.constant 1792 : i32
      %add3A_16 = arith.addi %add3A, %mul3A_15 : i32
      %mul3A_17 = arith.constant 128 : i32
      %mul3A_18 = arith.muli %add3A_16, %mul3A_17 : i32
      "tpu.region"() ({
        %run_scoped3A = tpu.sem_alloc : memref<!tpu.dma_semaphore, #tpu.memory_space<semaphore_mem>>
        %dma_start3A = arith.constant 0 : i32
        %dma_start3A_24 = tpu.memref_slice %arg7[%dma_start3A] : memref<14336xi32, #tpu.memory_space<vmem>> -> memref<6144xi32, #tpu.memory_space<vmem>>
        %dma_start3A_25 = tpu.memref_slice %arg3[%mul3A_18] : memref<327680xi32, #tpu.memory_space<hbm>> -> memref<6144xi32, #tpu.memory_space<hbm>>
        %dma_start3A_26 = arith.constant 0 : i32
        %dma_start3A_27 = tpu.memref_slice %arg7[%dma_start3A_26] : memref<14336xi32, #tpu.memory_space<vmem>> -> memref<6144xi32, #tpu.memory_space<vmem>>
        %dma_start3A_28 = tpu.memref_slice %arg3[%mul3A_18] : memref<327680xi32, #tpu.memory_space<hbm>> -> memref<6144xi32, #tpu.memory_space<hbm>>
        tpu.enqueue_dma source(%dma_start3A_28 : memref<6144xi32, #tpu.memory_space<hbm>>) target(%dma_start3A_27 : memref<6144xi32, #tpu.memory_space<vmem>>) target_semaphore(%run_scoped3A : memref<!tpu.dma_semaphore, #tpu.memory_space<semaphore_mem>>)
        %dma_wait3A = arith.constant 0 : i32
        %dma_wait3A_29 = tpu.memref_slice %arg7[%dma_wait3A] : memref<14336xi32, #tpu.memory_space<vmem>> -> memref<6144xi32, #tpu.memory_space<vmem>>
        %dma_wait3A_30 = tpu.memref_slice %arg3[%mul3A_18] : memref<327680xi32, #tpu.memory_space<hbm>> -> memref<6144xi32, #tpu.memory_space<hbm>>
        %dma_wait3A_31 = arith.constant 0 : i32
        %dma_wait3A_32 = tpu.memref_slice %arg7[%dma_wait3A_31] : memref<14336xi32, #tpu.memory_space<vmem>> -> memref<6144xi32, #tpu.memory_space<vmem>>
        %dma_wait3A_33 = tpu.memref_slice %arg3[%mul3A_18] : memref<327680xi32, #tpu.memory_space<hbm>> -> memref<6144xi32, #tpu.memory_space<hbm>>
        tpu.wait_dma2 semaphore(%run_scoped3A : memref<!tpu.dma_semaphore, #tpu.memory_space<semaphore_mem>>) src(%dma_wait3A_33 : memref<6144xi32, #tpu.memory_space<hbm>>) dst(%dma_wait3A_32 : memref<6144xi32, #tpu.memory_space<vmem>>)
        tpu.yield
      }) : () -> ()
      %scan3A = arith.constant 0 : i32
      %scan3A_19 = arith.constant 0 : i32
      %scan3A_20 = arith.constant 12 : i32
      %scan3A_21 = arith.addi %scan3A_19, %scan3A_20 : i32
      %scan3A_22 = arith.constant 1 : i32
      scf.for %scan3A_24 = %scan3A_19 to %scan3A_21 step %scan3A_22  : i32 {
        %mul3A_25 = arith.constant 4 : i32
        %mul3A_26 = arith.muli %mul3A_25, %scan3A_24 : i32
        %add3A_27 = arith.constant 0 : i32
        %add3A_28 = arith.addi %mul3A_26, %add3A_27 : i32
        %mul3A_29 = arith.constant 128 : i32
        %mul3A_30 = arith.muli %add3A_28, %mul3A_29 : i32
        %dma_start3A = tpu.memref_slice %arg7[%mul3A_30] : memref<14336xi32, #tpu.memory_space<vmem>> -> memref<128xi32, #tpu.memory_space<vmem>>
        %dma_start3A_31 = arith.constant 0 : i32
        %dma_start3A_32 = arith.constant 0 : i32
        %dma_start3A_33 = tpu.memref_slice %arg2[%dma_start3A_31, %dma_start3A_32] : memref<10112x64xf32, #tpu.memory_space<hbm>> -> memref<10112x64xf32, #tpu.memory_space<hbm>>
        tpu.enqueue_indirect_dma source(%dma_start3A_33 : memref<10112x64xf32, #tpu.memory_space<hbm>>) target(%arg12 : memref<128x64xf32, #tpu.memory_space<vmem>>) offsets(%dma_start3A : memref<128xi32, #tpu.memory_space<vmem>>) semaphore(%arg17 : memref<!tpu.dma_semaphore, #tpu.memory_space<semaphore_mem>>)
        %add3A_34 = arith.constant 1 : i32
        %add3A_35 = arith.addi %mul3A_26, %add3A_34 : i32
        %mul3A_36 = arith.constant 128 : i32
        %mul3A_37 = arith.muli %add3A_35, %mul3A_36 : i32
        %dma_start3A_38 = tpu.memref_slice %arg7[%mul3A_37] : memref<14336xi32, #tpu.memory_space<vmem>> -> memref<128xi32, #tpu.memory_space<vmem>>
        %dma_start3A_39 = arith.constant 0 : i32
        %dma_start3A_40 = arith.constant 0 : i32
        %dma_start3A_41 = tpu.memref_slice %arg2[%dma_start3A_39, %dma_start3A_40] : memref<10112x64xf32, #tpu.memory_space<hbm>> -> memref<10112x64xf32, #tpu.memory_space<hbm>>
        tpu.enqueue_indirect_dma source(%dma_start3A_41 : memref<10112x64xf32, #tpu.memory_space<hbm>>) target(%arg13 : memref<128x64xf32, #tpu.memory_space<vmem>>) offsets(%dma_start3A_38 : memref<128xi32, #tpu.memory_space<vmem>>) semaphore(%arg18 : memref<!tpu.dma_semaphore, #tpu.memory_space<semaphore_mem>>)
        %add3A_42 = arith.constant 2 : i32
        %add3A_43 = arith.addi %mul3A_26, %add3A_42 : i32
        %mul3A_44 = arith.constant 128 : i32
        %mul3A_45 = arith.muli %add3A_43, %mul3A_44 : i32
        %dma_start3A_46 = tpu.memref_slice %arg7[%mul3A_45] : memref<14336xi32, #tpu.memory_space<vmem>> -> memref<128xi32, #tpu.memory_space<vmem>>
        %dma_start3A_47 = arith.constant 0 : i32
        %dma_start3A_48 = arith.constant 0 : i32
        %dma_start3A_49 = tpu.memref_slice %arg2[%dma_start3A_47, %dma_start3A_48] : memref<10112x64xf32, #tpu.memory_space<hbm>> -> memref<10112x64xf32, #tpu.memory_space<hbm>>
        tpu.enqueue_indirect_dma source(%dma_start3A_49 : memref<10112x64xf32, #tpu.memory_space<hbm>>) target(%arg14 : memref<128x64xf32, #tpu.memory_space<vmem>>) offsets(%dma_start3A_46 : memref<128xi32, #tpu.memory_space<vmem>>) semaphore(%arg19 : memref<!tpu.dma_semaphore, #tpu.memory_space<semaphore_mem>>)
        %add3A_50 = arith.constant 3 : i32
        %add3A_51 = arith.addi %mul3A_26, %add3A_50 : i32
        %mul3A_52 = arith.constant 128 : i32
        %mul3A_53 = arith.muli %add3A_51, %mul3A_52 : i32
        %dma_start3A_54 = tpu.memref_slice %arg7[%mul3A_53] : memref<14336xi32, #tpu.memory_space<vmem>> -> memref<128xi32, #tpu.memory_space<vmem>>
        %dma_start3A_55 = arith.constant 0 : i32
        %dma_start3A_56 = arith.constant 0 : i32
        %dma_start3A_57 = tpu.memref_slice %arg2[%dma_start3A_55, %dma_start3A_56] : memref<10112x64xf32, #tpu.memory_space<hbm>> -> memref<10112x64xf32, #tpu.memory_space<hbm>>
        tpu.enqueue_indirect_dma source(%dma_start3A_57 : memref<10112x64xf32, #tpu.memory_space<hbm>>) target(%arg15 : memref<128x64xf32, #tpu.memory_space<vmem>>) offsets(%dma_start3A_54 : memref<128xi32, #tpu.memory_space<vmem>>) semaphore(%arg20 : memref<!tpu.dma_semaphore, #tpu.memory_space<semaphore_mem>>)
        %add3A_58 = arith.addi %add3A_16, %mul3A_26 : i32
        %add3A_59 = arith.constant 0 : i32
        %add3A_60 = arith.addi %add3A_58, %add3A_59 : i32
        %dma_start3A_61 = arith.constant 0 : i32
        %dma_start3A_62 = tpu.memref_slice %arg4[%add3A_60, %dma_start3A_61] : memref<2560x128xi32, #tpu.memory_space<hbm>> -> memref<1x128xi32, #tpu.memory_space<hbm>>
        %dma_start3A_63 = tpu.memref_squeeze %dma_start3A_62 : memref<1x128xi32, #tpu.memory_space<hbm>> -> memref<128xi32, #tpu.memory_space<hbm>>
        %dma_start3A_64 = arith.constant 0 : i32
        %dma_start3A_65 = tpu.memref_slice %arg4[%add3A_60, %dma_start3A_64] : memref<2560x128xi32, #tpu.memory_space<hbm>> -> memref<1x128xi32, #tpu.memory_space<hbm>>
        %dma_start3A_66 = tpu.memref_squeeze %dma_start3A_65 : memref<1x128xi32, #tpu.memory_space<hbm>> -> memref<128xi32, #tpu.memory_space<hbm>>
        tpu.enqueue_dma source(%dma_start3A_66 : memref<128xi32, #tpu.memory_space<hbm>>) target(%arg8 : memref<128xi32, #tpu.memory_space<vmem>>) target_semaphore(%arg21 : memref<!tpu.dma_semaphore, #tpu.memory_space<semaphore_mem>>)
        %add3A_67 = arith.addi %add3A_16, %mul3A_26 : i32
        %add3A_68 = arith.constant 1 : i32
        %add3A_69 = arith.addi %add3A_67, %add3A_68 : i32
        %dma_start3A_70 = arith.constant 0 : i32
        %dma_start3A_71 = tpu.memref_slice %arg4[%add3A_69, %dma_start3A_70] : memref<2560x128xi32, #tpu.memory_space<hbm>> -> memref<1x128xi32, #tpu.memory_space<hbm>>
        %dma_start3A_72 = tpu.memref_squeeze %dma_start3A_71 : memref<1x128xi32, #tpu.memory_space<hbm>> -> memref<128xi32, #tpu.memory_space<hbm>>
        %dma_start3A_73 = arith.constant 0 : i32
        %dma_start3A_74 = tpu.memref_slice %arg4[%add3A_69, %dma_start3A_73] : memref<2560x128xi32, #tpu.memory_space<hbm>> -> memref<1x128xi32, #tpu.memory_space<hbm>>
        %dma_start3A_75 = tpu.memref_squeeze %dma_start3A_74 : memref<1x128xi32, #tpu.memory_space<hbm>> -> memref<128xi32, #tpu.memory_space<hbm>>
        tpu.enqueue_dma source(%dma_start3A_75 : memref<128xi32, #tpu.memory_space<hbm>>) target(%arg9 : memref<128xi32, #tpu.memory_space<vmem>>) target_semaphore(%arg22 : memref<!tpu.dma_semaphore, #tpu.memory_space<semaphore_mem>>)
        %add3A_76 = arith.addi %add3A_16, %mul3A_26 : i32
        %add3A_77 = arith.constant 2 : i32
        %add3A_78 = arith.addi %add3A_76, %add3A_77 : i32
        %dma_start3A_79 = arith.constant 0 : i32
        %dma_start3A_80 = tpu.memref_slice %arg4[%add3A_78, %dma_start3A_79] : memref<2560x128xi32, #tpu.memory_space<hbm>> -> memref<1x128xi32, #tpu.memory_space<hbm>>
        %dma_start3A_81 = tpu.memref_squeeze %dma_start3A_80 : memref<1x128xi32, #tpu.memory_space<hbm>> -> memref<128xi32, #tpu.memory_space<hbm>>
        %dma_start3A_82 = arith.constant 0 : i32
        %dma_start3A_83 = tpu.memref_slice %arg4[%add3A_78, %dma_start3A_82] : memref<2560x128xi32, #tpu.memory_space<hbm>> -> memref<1x128xi32, #tpu.memory_space<hbm>>
        %dma_start3A_84 = tpu.memref_squeeze %dma_start3A_83 : memref<1x128xi32, #tpu.memory_space<hbm>> -> memref<128xi32, #tpu.memory_space<hbm>>
        tpu.enqueue_dma source(%dma_start3A_84 : memref<128xi32, #tpu.memory_space<hbm>>) target(%arg10 : memref<128xi32, #tpu.memory_space<vmem>>) target_semaphore(%arg23 : memref<!tpu.dma_semaphore, #tpu.memory_space<semaphore_mem>>)
        %add3A_85 = arith.addi %add3A_16, %mul3A_26 : i32
        %add3A_86 = arith.constant 3 : i32
        %add3A_87 = arith.addi %add3A_85, %add3A_86 : i32
        %dma_start3A_88 = arith.constant 0 : i32
        %dma_start3A_89 = tpu.memref_slice %arg4[%add3A_87, %dma_start3A_88] : memref<2560x128xi32, #tpu.memory_space<hbm>> -> memref<1x128xi32, #tpu.memory_space<hbm>>
        %dma_start3A_90 = tpu.memref_squeeze %dma_start3A_89 : memref<1x128xi32, #tpu.memory_space<hbm>> -> memref<128xi32, #tpu.memory_space<hbm>>
        %dma_start3A_91 = arith.constant 0 : i32
        %dma_start3A_92 = tpu.memref_slice %arg4[%add3A_87, %dma_start3A_91] : memref<2560x128xi32, #tpu.memory_space<hbm>> -> memref<1x128xi32, #tpu.memory_space<hbm>>
        %dma_start3A_93 = tpu.memref_squeeze %dma_start3A_92 : memref<1x128xi32, #tpu.memory_space<hbm>> -> memref<128xi32, #tpu.memory_space<hbm>>
        tpu.enqueue_dma source(%dma_start3A_93 : memref<128xi32, #tpu.memory_space<hbm>>) target(%arg11 : memref<128xi32, #tpu.memory_space<vmem>>) target_semaphore(%arg24 : memref<!tpu.dma_semaphore, #tpu.memory_space<semaphore_mem>>)
        %dma_wait3A = tpu.memref_slice %arg7[%mul3A_30] : memref<14336xi32, #tpu.memory_space<vmem>> -> memref<128xi32, #tpu.memory_space<vmem>>
        %dma_wait3A_94 = arith.constant 0 : i32
        %dma_wait3A_95 = arith.constant 0 : i32
        %dma_wait3A_96 = tpu.memref_slice %arg2[%dma_wait3A_94, %dma_wait3A_95] : memref<10112x64xf32, #tpu.memory_space<hbm>> -> memref<10112x64xf32, #tpu.memory_space<hbm>>
        tpu.wait_indirect_dma semaphore(%arg17 : memref<!tpu.dma_semaphore, #tpu.memory_space<semaphore_mem>>) src(%dma_wait3A_96 : memref<10112x64xf32, #tpu.memory_space<hbm>>) dst(%arg12 : memref<128x64xf32, #tpu.memory_space<vmem>>)
        %dma_wait3A_97 = arith.constant 0 : i32
        %dma_wait3A_98 = tpu.memref_slice %arg4[%add3A_60, %dma_wait3A_97] : memref<2560x128xi32, #tpu.memory_space<hbm>> -> memref<1x128xi32, #tpu.memory_space<hbm>>
        %dma_wait3A_99 = tpu.memref_squeeze %dma_wait3A_98 : memref<1x128xi32, #tpu.memory_space<hbm>> -> memref<128xi32, #tpu.memory_space<hbm>>
        %dma_wait3A_100 = arith.constant 0 : i32
        %dma_wait3A_101 = tpu.memref_slice %arg4[%add3A_60, %dma_wait3A_100] : memref<2560x128xi32, #tpu.memory_space<hbm>> -> memref<1x128xi32, #tpu.memory_space<hbm>>
        %dma_wait3A_102 = tpu.memref_squeeze %dma_wait3A_101 : memref<1x128xi32, #tpu.memory_space<hbm>> -> memref<128xi32, #tpu.memory_space<hbm>>
        tpu.wait_dma2 semaphore(%arg21 : memref<!tpu.dma_semaphore, #tpu.memory_space<semaphore_mem>>) src(%dma_wait3A_102 : memref<128xi32, #tpu.memory_space<hbm>>) dst(%arg8 : memref<128xi32, #tpu.memory_space<vmem>>)
        %dma_start3A_103 = arith.constant 0 : i32
        %dma_start3A_104 = arith.constant 0 : i32
        %dma_start3A_105 = tpu.memref_slice %arg16[%dma_start3A_103, %dma_start3A_104] : memref<10112x64xf32, #tpu.memory_space<vmem_shared>> -> memref<10112x64xf32, #tpu.memory_space<vmem_shared>>
        tpu.enqueue_indirect_dma source(%arg12 : memref<128x64xf32, #tpu.memory_space<vmem>>) target(%dma_start3A_105 : memref<10112x64xf32, #tpu.memory_space<vmem_shared>>) offsets(%arg8 : memref<128xi32, #tpu.memory_space<vmem>>) semaphore(%arg25 : memref<!tpu.dma_semaphore, #tpu.memory_space<semaphore_mem>>) {add = true}
        %dma_wait3A_106 = tpu.memref_slice %arg7[%mul3A_37] : memref<14336xi32, #tpu.memory_space<vmem>> -> memref<128xi32, #tpu.memory_space<vmem>>
        %dma_wait3A_107 = arith.constant 0 : i32
        %dma_wait3A_108 = arith.constant 0 : i32
        %dma_wait3A_109 = tpu.memref_slice %arg2[%dma_wait3A_107, %dma_wait3A_108] : memref<10112x64xf32, #tpu.memory_space<hbm>> -> memref<10112x64xf32, #tpu.memory_space<hbm>>
        tpu.wait_indirect_dma semaphore(%arg18 : memref<!tpu.dma_semaphore, #tpu.memory_space<semaphore_mem>>) src(%dma_wait3A_109 : memref<10112x64xf32, #tpu.memory_space<hbm>>) dst(%arg13 : memref<128x64xf32, #tpu.memory_space<vmem>>)
        %dma_wait3A_110 = arith.constant 0 : i32
        %dma_wait3A_111 = tpu.memref_slice %arg4[%add3A_69, %dma_wait3A_110] : memref<2560x128xi32, #tpu.memory_space<hbm>> -> memref<1x128xi32, #tpu.memory_space<hbm>>
        %dma_wait3A_112 = tpu.memref_squeeze %dma_wait3A_111 : memref<1x128xi32, #tpu.memory_space<hbm>> -> memref<128xi32, #tpu.memory_space<hbm>>
        %dma_wait3A_113 = arith.constant 0 : i32
        %dma_wait3A_114 = tpu.memref_slice %arg4[%add3A_69, %dma_wait3A_113] : memref<2560x128xi32, #tpu.memory_space<hbm>> -> memref<1x128xi32, #tpu.memory_space<hbm>>
        %dma_wait3A_115 = tpu.memref_squeeze %dma_wait3A_114 : memref<1x128xi32, #tpu.memory_space<hbm>> -> memref<128xi32, #tpu.memory_space<hbm>>
        tpu.wait_dma2 semaphore(%arg22 : memref<!tpu.dma_semaphore, #tpu.memory_space<semaphore_mem>>) src(%dma_wait3A_115 : memref<128xi32, #tpu.memory_space<hbm>>) dst(%arg9 : memref<128xi32, #tpu.memory_space<vmem>>)
        %dma_start3A_116 = arith.constant 0 : i32
        %dma_start3A_117 = arith.constant 0 : i32
        %dma_start3A_118 = tpu.memref_slice %arg16[%dma_start3A_116, %dma_start3A_117] : memref<10112x64xf32, #tpu.memory_space<vmem_shared>> -> memref<10112x64xf32, #tpu.memory_space<vmem_shared>>
        tpu.enqueue_indirect_dma source(%arg13 : memref<128x64xf32, #tpu.memory_space<vmem>>) target(%dma_start3A_118 : memref<10112x64xf32, #tpu.memory_space<vmem_shared>>) offsets(%arg9 : memref<128xi32, #tpu.memory_space<vmem>>) semaphore(%arg25 : memref<!tpu.dma_semaphore, #tpu.memory_space<semaphore_mem>>) {add = true}
        %dma_wait3A_119 = tpu.memref_slice %arg7[%mul3A_45] : memref<14336xi32, #tpu.memory_space<vmem>> -> memref<128xi32, #tpu.memory_space<vmem>>
        %dma_wait3A_120 = arith.constant 0 : i32
        %dma_wait3A_121 = arith.constant 0 : i32
        %dma_wait3A_122 = tpu.memref_slice %arg2[%dma_wait3A_120, %dma_wait3A_121] : memref<10112x64xf32, #tpu.memory_space<hbm>> -> memref<10112x64xf32, #tpu.memory_space<hbm>>
        tpu.wait_indirect_dma semaphore(%arg19 : memref<!tpu.dma_semaphore, #tpu.memory_space<semaphore_mem>>) src(%dma_wait3A_122 : memref<10112x64xf32, #tpu.memory_space<hbm>>) dst(%arg14 : memref<128x64xf32, #tpu.memory_space<vmem>>)
        %dma_wait3A_123 = arith.constant 0 : i32
        %dma_wait3A_124 = tpu.memref_slice %arg4[%add3A_78, %dma_wait3A_123] : memref<2560x128xi32, #tpu.memory_space<hbm>> -> memref<1x128xi32, #tpu.memory_space<hbm>>
        %dma_wait3A_125 = tpu.memref_squeeze %dma_wait3A_124 : memref<1x128xi32, #tpu.memory_space<hbm>> -> memref<128xi32, #tpu.memory_space<hbm>>
        %dma_wait3A_126 = arith.constant 0 : i32
        %dma_wait3A_127 = tpu.memref_slice %arg4[%add3A_78, %dma_wait3A_126] : memref<2560x128xi32, #tpu.memory_space<hbm>> -> memref<1x128xi32, #tpu.memory_space<hbm>>
        %dma_wait3A_128 = tpu.memref_squeeze %dma_wait3A_127 : memref<1x128xi32, #tpu.memory_space<hbm>> -> memref<128xi32, #tpu.memory_space<hbm>>
        tpu.wait_dma2 semaphore(%arg23 : memref<!tpu.dma_semaphore, #tpu.memory_space<semaphore_mem>>) src(%dma_wait3A_128 : memref<128xi32, #tpu.memory_space<hbm>>) dst(%arg10 : memref<128xi32, #tpu.memory_space<vmem>>)
        %dma_start3A_129 = arith.constant 0 : i32
        %dma_start3A_130 = arith.constant 0 : i32
        %dma_start3A_131 = tpu.memref_slice %arg16[%dma_start3A_129, %dma_start3A_130] : memref<10112x64xf32, #tpu.memory_space<vmem_shared>> -> memref<10112x64xf32, #tpu.memory_space<vmem_shared>>
        tpu.enqueue_indirect_dma source(%arg14 : memref<128x64xf32, #tpu.memory_space<vmem>>) target(%dma_start3A_131 : memref<10112x64xf32, #tpu.memory_space<vmem_shared>>) offsets(%arg10 : memref<128xi32, #tpu.memory_space<vmem>>) semaphore(%arg25 : memref<!tpu.dma_semaphore, #tpu.memory_space<semaphore_mem>>) {add = true}
        %dma_wait3A_132 = tpu.memref_slice %arg7[%mul3A_53] : memref<14336xi32, #tpu.memory_space<vmem>> -> memref<128xi32, #tpu.memory_space<vmem>>
        %dma_wait3A_133 = arith.constant 0 : i32
        %dma_wait3A_134 = arith.constant 0 : i32
        %dma_wait3A_135 = tpu.memref_slice %arg2[%dma_wait3A_133, %dma_wait3A_134] : memref<10112x64xf32, #tpu.memory_space<hbm>> -> memref<10112x64xf32, #tpu.memory_space<hbm>>
        tpu.wait_indirect_dma semaphore(%arg20 : memref<!tpu.dma_semaphore, #tpu.memory_space<semaphore_mem>>) src(%dma_wait3A_135 : memref<10112x64xf32, #tpu.memory_space<hbm>>) dst(%arg15 : memref<128x64xf32, #tpu.memory_space<vmem>>)
        %dma_wait3A_136 = arith.constant 0 : i32
        %dma_wait3A_137 = tpu.memref_slice %arg4[%add3A_87, %dma_wait3A_136] : memref<2560x128xi32, #tpu.memory_space<hbm>> -> memref<1x128xi32, #tpu.memory_space<hbm>>
        %dma_wait3A_138 = tpu.memref_squeeze %dma_wait3A_137 : memref<1x128xi32, #tpu.memory_space<hbm>> -> memref<128xi32, #tpu.memory_space<hbm>>
        %dma_wait3A_139 = arith.constant 0 : i32
        %dma_wait3A_140 = tpu.memref_slice %arg4[%add3A_87, %dma_wait3A_139] : memref<2560x128xi32, #tpu.memory_space<hbm>> -> memref<1x128xi32, #tpu.memory_space<hbm>>
        %dma_wait3A_141 = tpu.memref_squeeze %dma_wait3A_140 : memref<1x128xi32, #tpu.memory_space<hbm>> -> memref<128xi32, #tpu.memory_space<hbm>>
        tpu.wait_dma2 semaphore(%arg24 : memref<!tpu.dma_semaphore, #tpu.memory_space<semaphore_mem>>) src(%dma_wait3A_141 : memref<128xi32, #tpu.memory_space<hbm>>) dst(%arg11 : memref<128xi32, #tpu.memory_space<vmem>>)
        %dma_start3A_142 = arith.constant 0 : i32
        %dma_start3A_143 = arith.constant 0 : i32
        %dma_start3A_144 = tpu.memref_slice %arg16[%dma_start3A_142, %dma_start3A_143] : memref<10112x64xf32, #tpu.memory_space<vmem_shared>> -> memref<10112x64xf32, #tpu.memory_space<vmem_shared>>
        tpu.enqueue_indirect_dma source(%arg15 : memref<128x64xf32, #tpu.memory_space<vmem>>) target(%dma_start3A_144 : memref<10112x64xf32, #tpu.memory_space<vmem_shared>>) offsets(%arg11 : memref<128xi32, #tpu.memory_space<vmem>>) semaphore(%arg25 : memref<!tpu.dma_semaphore, #tpu.memory_space<semaphore_mem>>) {add = true}
        %dma_wait3A_145 = arith.constant 0 : i32
        %dma_wait3A_146 = arith.constant 0 : i32
        %dma_wait3A_147 = tpu.memref_slice %arg16[%dma_wait3A_145, %dma_wait3A_146] : memref<10112x64xf32, #tpu.memory_space<vmem_shared>> -> memref<10112x64xf32, #tpu.memory_space<vmem_shared>>
        tpu.wait_indirect_dma semaphore(%arg25 : memref<!tpu.dma_semaphore, #tpu.memory_space<semaphore_mem>>) src(%arg12 : memref<128x64xf32, #tpu.memory_space<vmem>>) dst(%dma_wait3A_147 : memref<10112x64xf32, #tpu.memory_space<vmem_shared>>)
        %dma_wait3A_148 = arith.constant 0 : i32
        %dma_wait3A_149 = arith.constant 0 : i32
        %dma_wait3A_150 = tpu.memref_slice %arg16[%dma_wait3A_148, %dma_wait3A_149] : memref<10112x64xf32, #tpu.memory_space<vmem_shared>> -> memref<10112x64xf32, #tpu.memory_space<vmem_shared>>
        tpu.wait_indirect_dma semaphore(%arg25 : memref<!tpu.dma_semaphore, #tpu.memory_space<semaphore_mem>>) src(%arg13 : memref<128x64xf32, #tpu.memory_space<vmem>>) dst(%dma_wait3A_150 : memref<10112x64xf32, #tpu.memory_space<vmem_shared>>)
        %dma_wait3A_151 = arith.constant 0 : i32
        %dma_wait3A_152 = arith.constant 0 : i32
        %dma_wait3A_153 = tpu.memref_slice %arg16[%dma_wait3A_151, %dma_wait3A_152] : memref<10112x64xf32, #tpu.memory_space<vmem_shared>> -> memref<10112x64xf32, #tpu.memory_space<vmem_shared>>
        tpu.wait_indirect_dma semaphore(%arg25 : memref<!tpu.dma_semaphore, #tpu.memory_space<semaphore_mem>>) src(%arg14 : memref<128x64xf32, #tpu.memory_space<vmem>>) dst(%dma_wait3A_153 : memref<10112x64xf32, #tpu.memory_space<vmem_shared>>)
        %dma_wait3A_154 = arith.constant 0 : i32
        %dma_wait3A_155 = arith.constant 0 : i32
        %dma_wait3A_156 = tpu.memref_slice %arg16[%dma_wait3A_154, %dma_wait3A_155] : memref<10112x64xf32, #tpu.memory_space<vmem_shared>> -> memref<10112x64xf32, #tpu.memory_space<vmem_shared>>
        tpu.wait_indirect_dma semaphore(%arg25 : memref<!tpu.dma_semaphore, #tpu.memory_space<semaphore_mem>>) src(%arg15 : memref<128x64xf32, #tpu.memory_space<vmem>>) dst(%dma_wait3A_156 : memref<10112x64xf32, #tpu.memory_space<vmem_shared>>)
      }
      %scan3A_23 = arith.constant 12 : i32
    } else {
    }
    %barrier3A_9 = arith.constant 0 : index
    tpu.barrier barrier_id(%barrier3A_9)
    %mul3A_10 = arith.constant 632 : i32
    %mul3A_11 = arith.muli %arg1, %mul3A_10 : i32
    %mul3A_12 = arith.constant 632 : i32
    %mul3A_13 = arith.muli %arg1, %mul3A_12 : i32
    "tpu.region"() ({
      %run_scoped3A = tpu.sem_alloc : memref<!tpu.dma_semaphore, #tpu.memory_space<semaphore_mem>>
      %dma_start3A = arith.constant 0 : i32
      %dma_start3A_14 = tpu.memref_slice %arg6[%arg0, %mul3A_13, %dma_start3A] : memref<2x10112x64xf32, #tpu.memory_space<hbm>> -> memref<1x632x64xf32, #tpu.memory_space<hbm>>
      %dma_start3A_15 = tpu.memref_squeeze %dma_start3A_14 : memref<1x632x64xf32, #tpu.memory_space<hbm>> -> memref<632x64xf32, #tpu.memory_space<hbm>>
      %dma_start3A_16 = arith.constant 0 : i32
      %dma_start3A_17 = tpu.memref_slice %arg16[%mul3A_11, %dma_start3A_16] : memref<10112x64xf32, #tpu.memory_space<vmem_shared>> -> memref<632x64xf32, #tpu.memory_space<vmem_shared>>
      tpu.enqueue_dma source(%dma_start3A_17 : memref<632x64xf32, #tpu.memory_space<vmem_shared>>) target(%dma_start3A_15 : memref<632x64xf32, #tpu.memory_space<hbm>>) target_semaphore(%run_scoped3A : memref<!tpu.dma_semaphore, #tpu.memory_space<semaphore_mem>>)
      %dma_wait3A = arith.constant 0 : i32
      %dma_wait3A_18 = tpu.memref_slice %arg6[%arg0, %mul3A_13, %dma_wait3A] : memref<2x10112x64xf32, #tpu.memory_space<hbm>> -> memref<1x632x64xf32, #tpu.memory_space<hbm>>
      %dma_wait3A_19 = tpu.memref_squeeze %dma_wait3A_18 : memref<1x632x64xf32, #tpu.memory_space<hbm>> -> memref<632x64xf32, #tpu.memory_space<hbm>>
      %dma_wait3A_20 = arith.constant 0 : i32
      %dma_wait3A_21 = tpu.memref_slice %arg16[%mul3A_11, %dma_wait3A_20] : memref<10112x64xf32, #tpu.memory_space<vmem_shared>> -> memref<632x64xf32, #tpu.memory_space<vmem_shared>>
      tpu.wait_dma2 semaphore(%run_scoped3A : memref<!tpu.dma_semaphore, #tpu.memory_space<semaphore_mem>>) src(%dma_wait3A_21 : memref<632x64xf32, #tpu.memory_space<vmem_shared>>) dst(%dma_wait3A_19 : memref<632x64xf32, #tpu.memory_space<hbm>>)
      tpu.yield
    }) : () -> ()
    return
  }
}

#map = affine_map<(d0, d1) -> (0, 0)>
#map1 = affine_map<(d0, d1) -> (0, 0, 0)>
module attributes {stable_mosaic.version = 14 : i64} {
  func.func @_sc_deg(%arg0: i32, %arg1: i32, %arg2: memref<2560x128xi32, #tpu.memory_space<hbm>>, %arg3: memref<128x16xf32, #tpu.memory_space<hbm>>, %arg4: memref<10112x16xf32, #tpu.memory_space<hbm>>, %arg5: memref<2x10112x16xf32, #tpu.memory_space<hbm>>, %arg6: memref<80x128xi32, #tpu.memory_space<vmem>>, %arg7: memref<128x16xf32, #tpu.memory_space<vmem>>, %arg8: memref<10112x16xf32, #tpu.memory_space<vmem_shared>>, %arg9: memref<!tpu.dma_semaphore, #tpu.memory_space<semaphore_mem>>) attributes {dimension_semantics = [#tpu.dimension_semantics<core_parallel>, #tpu.dimension_semantics<subcore_parallel>], iteration_bounds = array<i64: 2, 16>, scalar_prefetch = 0 : i64, scratch_operands = 4 : i64, tpu.core_type = #tpu.core_type<sc_vector_subcore>, window_params = [{transform_indices = #map}, {transform_indices = #map}, {transform_indices = #map}, {transform_indices = #map1}]} {
    %mul3A = arith.constant 2 : i32
    %mul3A_0 = arith.muli %arg1, %mul3A : i32
    %add3A = arith.addi %mul3A_0, %arg0 : i32
    %mul3A_1 = arith.constant 80 : i32
    %mul3A_2 = arith.muli %add3A, %mul3A_1 : i32
    "tpu.region"() ({
      %run_scoped3A = tpu.sem_alloc : memref<!tpu.dma_semaphore, #tpu.memory_space<semaphore_mem>>
      %dma_start3A = arith.constant 0 : i32
      %dma_start3A_17 = tpu.memref_slice %arg2[%mul3A_2, %dma_start3A] : memref<2560x128xi32, #tpu.memory_space<hbm>> -> memref<80x128xi32, #tpu.memory_space<hbm>>
      %dma_start3A_18 = arith.constant 0 : i32
      %dma_start3A_19 = tpu.memref_slice %arg2[%mul3A_2, %dma_start3A_18] : memref<2560x128xi32, #tpu.memory_space<hbm>> -> memref<80x128xi32, #tpu.memory_space<hbm>>
      tpu.enqueue_dma source(%dma_start3A_19 : memref<80x128xi32, #tpu.memory_space<hbm>>) target(%arg6 : memref<80x128xi32, #tpu.memory_space<vmem>>) target_semaphore(%run_scoped3A : memref<!tpu.dma_semaphore, #tpu.memory_space<semaphore_mem>>)
      %dma_wait3A = arith.constant 0 : i32
      %dma_wait3A_20 = tpu.memref_slice %arg2[%mul3A_2, %dma_wait3A] : memref<2560x128xi32, #tpu.memory_space<hbm>> -> memref<80x128xi32, #tpu.memory_space<hbm>>
      %dma_wait3A_21 = arith.constant 0 : i32
      %dma_wait3A_22 = tpu.memref_slice %arg2[%mul3A_2, %dma_wait3A_21] : memref<2560x128xi32, #tpu.memory_space<hbm>> -> memref<80x128xi32, #tpu.memory_space<hbm>>
      tpu.wait_dma2 semaphore(%run_scoped3A : memref<!tpu.dma_semaphore, #tpu.memory_space<semaphore_mem>>) src(%dma_wait3A_22 : memref<80x128xi32, #tpu.memory_space<hbm>>) dst(%arg6 : memref<80x128xi32, #tpu.memory_space<vmem>>)
      tpu.yield
    }) : () -> ()
    "tpu.region"() ({
      %run_scoped3A = tpu.sem_alloc : memref<!tpu.dma_semaphore, #tpu.memory_space<semaphore_mem>>
      tpu.enqueue_dma source(%arg3 : memref<128x16xf32, #tpu.memory_space<hbm>>) target(%arg7 : memref<128x16xf32, #tpu.memory_space<vmem>>) target_semaphore(%run_scoped3A : memref<!tpu.dma_semaphore, #tpu.memory_space<semaphore_mem>>)
      tpu.wait_dma2 semaphore(%run_scoped3A : memref<!tpu.dma_semaphore, #tpu.memory_space<semaphore_mem>>) src(%arg3 : memref<128x16xf32, #tpu.memory_space<hbm>>) dst(%arg7 : memref<128x16xf32, #tpu.memory_space<vmem>>)
      tpu.yield
    }) : () -> ()
    %mul3A_3 = arith.constant 632 : i32
    %mul3A_4 = arith.muli %arg1, %mul3A_3 : i32
    %mul3A_5 = arith.constant 632 : i32
    %mul3A_6 = arith.muli %arg1, %mul3A_5 : i32
    "tpu.region"() ({
      %run_scoped3A = tpu.sem_alloc : memref<!tpu.dma_semaphore, #tpu.memory_space<semaphore_mem>>
      %dma_start3A = arith.constant 0 : i32
      %dma_start3A_17 = tpu.memref_slice %arg8[%mul3A_6, %dma_start3A] : memref<10112x16xf32, #tpu.memory_space<vmem_shared>> -> memref<632x16xf32, #tpu.memory_space<vmem_shared>>
      %dma_start3A_18 = arith.constant 0 : i32
      %dma_start3A_19 = tpu.memref_slice %arg4[%mul3A_4, %dma_start3A_18] : memref<10112x16xf32, #tpu.memory_space<hbm>> -> memref<632x16xf32, #tpu.memory_space<hbm>>
      tpu.enqueue_dma source(%dma_start3A_19 : memref<632x16xf32, #tpu.memory_space<hbm>>) target(%dma_start3A_17 : memref<632x16xf32, #tpu.memory_space<vmem_shared>>) target_semaphore(%run_scoped3A : memref<!tpu.dma_semaphore, #tpu.memory_space<semaphore_mem>>)
      %dma_wait3A = arith.constant 0 : i32
      %dma_wait3A_20 = tpu.memref_slice %arg8[%mul3A_6, %dma_wait3A] : memref<10112x16xf32, #tpu.memory_space<vmem_shared>> -> memref<632x16xf32, #tpu.memory_space<vmem_shared>>
      %dma_wait3A_21 = arith.constant 0 : i32
      %dma_wait3A_22 = tpu.memref_slice %arg4[%mul3A_4, %dma_wait3A_21] : memref<10112x16xf32, #tpu.memory_space<hbm>> -> memref<632x16xf32, #tpu.memory_space<hbm>>
      tpu.wait_dma2 semaphore(%run_scoped3A : memref<!tpu.dma_semaphore, #tpu.memory_space<semaphore_mem>>) src(%dma_wait3A_22 : memref<632x16xf32, #tpu.memory_space<hbm>>) dst(%dma_wait3A_20 : memref<632x16xf32, #tpu.memory_space<vmem_shared>>)
      tpu.yield
    }) : () -> ()
    %barrier3A = arith.constant 0 : index
    tpu.barrier barrier_id(%barrier3A)
    %scan3A = arith.constant 0 : i32
    %scan3A_7 = arith.constant 0 : i32
    %scan3A_8 = arith.constant 20 : i32
    %scan3A_9 = arith.addi %scan3A_7, %scan3A_8 : i32
    %scan3A_10 = arith.constant 1 : i32
    scf.for %scan3A_17 = %scan3A_7 to %scan3A_9 step %scan3A_10  : i32 {
      %mul3A_18 = arith.constant 4 : i32
      %mul3A_19 = arith.muli %mul3A_18, %scan3A_17 : i32
      %add3A_20 = arith.constant 0 : i32
      %add3A_21 = arith.addi %mul3A_19, %add3A_20 : i32
      %dma_start3A = arith.constant 0 : i32
      %dma_start3A_22 = tpu.memref_slice %arg6[%add3A_21, %dma_start3A] : memref<80x128xi32, #tpu.memory_space<vmem>> -> memref<1x128xi32, #tpu.memory_space<vmem>>
      %dma_start3A_23 = tpu.memref_squeeze %dma_start3A_22 : memref<1x128xi32, #tpu.memory_space<vmem>> -> memref<128xi32, #tpu.memory_space<vmem>>
      %dma_start3A_24 = arith.constant 0 : i32
      %dma_start3A_25 = arith.constant 0 : i32
      %dma_start3A_26 = tpu.memref_slice %arg8[%dma_start3A_24, %dma_start3A_25] : memref<10112x16xf32, #tpu.memory_space<vmem_shared>> -> memref<10112x16xf32, #tpu.memory_space<vmem_shared>>
      tpu.enqueue_indirect_dma source(%arg7 : memref<128x16xf32, #tpu.memory_space<vmem>>) target(%dma_start3A_26 : memref<10112x16xf32, #tpu.memory_space<vmem_shared>>) offsets(%dma_start3A_23 : memref<128xi32, #tpu.memory_space<vmem>>) semaphore(%arg9 : memref<!tpu.dma_semaphore, #tpu.memory_space<semaphore_mem>>) {add = true}
      %add3A_27 = arith.constant 1 : i32
      %add3A_28 = arith.addi %mul3A_19, %add3A_27 : i32
      %dma_start3A_29 = arith.constant 0 : i32
      %dma_start3A_30 = tpu.memref_slice %arg6[%add3A_28, %dma_start3A_29] : memref<80x128xi32, #tpu.memory_space<vmem>> -> memref<1x128xi32, #tpu.memory_space<vmem>>
      %dma_start3A_31 = tpu.memref_squeeze %dma_start3A_30 : memref<1x128xi32, #tpu.memory_space<vmem>> -> memref<128xi32, #tpu.memory_space<vmem>>
      %dma_start3A_32 = arith.constant 0 : i32
      %dma_start3A_33 = arith.constant 0 : i32
      %dma_start3A_34 = tpu.memref_slice %arg8[%dma_start3A_32, %dma_start3A_33] : memref<10112x16xf32, #tpu.memory_space<vmem_shared>> -> memref<10112x16xf32, #tpu.memory_space<vmem_shared>>
      tpu.enqueue_indirect_dma source(%arg7 : memref<128x16xf32, #tpu.memory_space<vmem>>) target(%dma_start3A_34 : memref<10112x16xf32, #tpu.memory_space<vmem_shared>>) offsets(%dma_start3A_31 : memref<128xi32, #tpu.memory_space<vmem>>) semaphore(%arg9 : memref<!tpu.dma_semaphore, #tpu.memory_space<semaphore_mem>>) {add = true}
      %add3A_35 = arith.constant 2 : i32
      %add3A_36 = arith.addi %mul3A_19, %add3A_35 : i32
      %dma_start3A_37 = arith.constant 0 : i32
      %dma_start3A_38 = tpu.memref_slice %arg6[%add3A_36, %dma_start3A_37] : memref<80x128xi32, #tpu.memory_space<vmem>> -> memref<1x128xi32, #tpu.memory_space<vmem>>
      %dma_start3A_39 = tpu.memref_squeeze %dma_start3A_38 : memref<1x128xi32, #tpu.memory_space<vmem>> -> memref<128xi32, #tpu.memory_space<vmem>>
      %dma_start3A_40 = arith.constant 0 : i32
      %dma_start3A_41 = arith.constant 0 : i32
      %dma_start3A_42 = tpu.memref_slice %arg8[%dma_start3A_40, %dma_start3A_41] : memref<10112x16xf32, #tpu.memory_space<vmem_shared>> -> memref<10112x16xf32, #tpu.memory_space<vmem_shared>>
      tpu.enqueue_indirect_dma source(%arg7 : memref<128x16xf32, #tpu.memory_space<vmem>>) target(%dma_start3A_42 : memref<10112x16xf32, #tpu.memory_space<vmem_shared>>) offsets(%dma_start3A_39 : memref<128xi32, #tpu.memory_space<vmem>>) semaphore(%arg9 : memref<!tpu.dma_semaphore, #tpu.memory_space<semaphore_mem>>) {add = true}
      %add3A_43 = arith.constant 3 : i32
      %add3A_44 = arith.addi %mul3A_19, %add3A_43 : i32
      %dma_start3A_45 = arith.constant 0 : i32
      %dma_start3A_46 = tpu.memref_slice %arg6[%add3A_44, %dma_start3A_45] : memref<80x128xi32, #tpu.memory_space<vmem>> -> memref<1x128xi32, #tpu.memory_space<vmem>>
      %dma_start3A_47 = tpu.memref_squeeze %dma_start3A_46 : memref<1x128xi32, #tpu.memory_space<vmem>> -> memref<128xi32, #tpu.memory_space<vmem>>
      %dma_start3A_48 = arith.constant 0 : i32
      %dma_start3A_49 = arith.constant 0 : i32
      %dma_start3A_50 = tpu.memref_slice %arg8[%dma_start3A_48, %dma_start3A_49] : memref<10112x16xf32, #tpu.memory_space<vmem_shared>> -> memref<10112x16xf32, #tpu.memory_space<vmem_shared>>
      tpu.enqueue_indirect_dma source(%arg7 : memref<128x16xf32, #tpu.memory_space<vmem>>) target(%dma_start3A_50 : memref<10112x16xf32, #tpu.memory_space<vmem_shared>>) offsets(%dma_start3A_47 : memref<128xi32, #tpu.memory_space<vmem>>) semaphore(%arg9 : memref<!tpu.dma_semaphore, #tpu.memory_space<semaphore_mem>>) {add = true}
      %dma_wait3A = arith.constant 0 : i32
      %dma_wait3A_51 = tpu.memref_slice %arg6[%add3A_21, %dma_wait3A] : memref<80x128xi32, #tpu.memory_space<vmem>> -> memref<1x128xi32, #tpu.memory_space<vmem>>
      %dma_wait3A_52 = tpu.memref_squeeze %dma_wait3A_51 : memref<1x128xi32, #tpu.memory_space<vmem>> -> memref<128xi32, #tpu.memory_space<vmem>>
      %dma_wait3A_53 = arith.constant 0 : i32
      %dma_wait3A_54 = arith.constant 0 : i32
      %dma_wait3A_55 = tpu.memref_slice %arg8[%dma_wait3A_53, %dma_wait3A_54] : memref<10112x16xf32, #tpu.memory_space<vmem_shared>> -> memref<10112x16xf32, #tpu.memory_space<vmem_shared>>
      tpu.wait_indirect_dma semaphore(%arg9 : memref<!tpu.dma_semaphore, #tpu.memory_space<semaphore_mem>>) src(%arg7 : memref<128x16xf32, #tpu.memory_space<vmem>>) dst(%dma_wait3A_55 : memref<10112x16xf32, #tpu.memory_space<vmem_shared>>)
      %dma_wait3A_56 = arith.constant 0 : i32
      %dma_wait3A_57 = tpu.memref_slice %arg6[%add3A_28, %dma_wait3A_56] : memref<80x128xi32, #tpu.memory_space<vmem>> -> memref<1x128xi32, #tpu.memory_space<vmem>>
      %dma_wait3A_58 = tpu.memref_squeeze %dma_wait3A_57 : memref<1x128xi32, #tpu.memory_space<vmem>> -> memref<128xi32, #tpu.memory_space<vmem>>
      %dma_wait3A_59 = arith.constant 0 : i32
      %dma_wait3A_60 = arith.constant 0 : i32
      %dma_wait3A_61 = tpu.memref_slice %arg8[%dma_wait3A_59, %dma_wait3A_60] : memref<10112x16xf32, #tpu.memory_space<vmem_shared>> -> memref<10112x16xf32, #tpu.memory_space<vmem_shared>>
      tpu.wait_indirect_dma semaphore(%arg9 : memref<!tpu.dma_semaphore, #tpu.memory_space<semaphore_mem>>) src(%arg7 : memref<128x16xf32, #tpu.memory_space<vmem>>) dst(%dma_wait3A_61 : memref<10112x16xf32, #tpu.memory_space<vmem_shared>>)
      %dma_wait3A_62 = arith.constant 0 : i32
      %dma_wait3A_63 = tpu.memref_slice %arg6[%add3A_36, %dma_wait3A_62] : memref<80x128xi32, #tpu.memory_space<vmem>> -> memref<1x128xi32, #tpu.memory_space<vmem>>
      %dma_wait3A_64 = tpu.memref_squeeze %dma_wait3A_63 : memref<1x128xi32, #tpu.memory_space<vmem>> -> memref<128xi32, #tpu.memory_space<vmem>>
      %dma_wait3A_65 = arith.constant 0 : i32
      %dma_wait3A_66 = arith.constant 0 : i32
      %dma_wait3A_67 = tpu.memref_slice %arg8[%dma_wait3A_65, %dma_wait3A_66] : memref<10112x16xf32, #tpu.memory_space<vmem_shared>> -> memref<10112x16xf32, #tpu.memory_space<vmem_shared>>
      tpu.wait_indirect_dma semaphore(%arg9 : memref<!tpu.dma_semaphore, #tpu.memory_space<semaphore_mem>>) src(%arg7 : memref<128x16xf32, #tpu.memory_space<vmem>>) dst(%dma_wait3A_67 : memref<10112x16xf32, #tpu.memory_space<vmem_shared>>)
      %dma_wait3A_68 = arith.constant 0 : i32
      %dma_wait3A_69 = tpu.memref_slice %arg6[%add3A_44, %dma_wait3A_68] : memref<80x128xi32, #tpu.memory_space<vmem>> -> memref<1x128xi32, #tpu.memory_space<vmem>>
      %dma_wait3A_70 = tpu.memref_squeeze %dma_wait3A_69 : memref<1x128xi32, #tpu.memory_space<vmem>> -> memref<128xi32, #tpu.memory_space<vmem>>
      %dma_wait3A_71 = arith.constant 0 : i32
      %dma_wait3A_72 = arith.constant 0 : i32
      %dma_wait3A_73 = tpu.memref_slice %arg8[%dma_wait3A_71, %dma_wait3A_72] : memref<10112x16xf32, #tpu.memory_space<vmem_shared>> -> memref<10112x16xf32, #tpu.memory_space<vmem_shared>>
      tpu.wait_indirect_dma semaphore(%arg9 : memref<!tpu.dma_semaphore, #tpu.memory_space<semaphore_mem>>) src(%arg7 : memref<128x16xf32, #tpu.memory_space<vmem>>) dst(%dma_wait3A_73 : memref<10112x16xf32, #tpu.memory_space<vmem_shared>>)
    }
    %scan3A_11 = arith.constant 20 : i32
    %barrier3A_12 = arith.constant 0 : index
    tpu.barrier barrier_id(%barrier3A_12)
    %mul3A_13 = arith.constant 632 : i32
    %mul3A_14 = arith.muli %arg1, %mul3A_13 : i32
    %mul3A_15 = arith.constant 632 : i32
    %mul3A_16 = arith.muli %arg1, %mul3A_15 : i32
    "tpu.region"() ({
      %run_scoped3A = tpu.sem_alloc : memref<!tpu.dma_semaphore, #tpu.memory_space<semaphore_mem>>
      %dma_start3A = arith.constant 0 : i32
      %dma_start3A_17 = tpu.memref_slice %arg5[%arg0, %mul3A_16, %dma_start3A] : memref<2x10112x16xf32, #tpu.memory_space<hbm>> -> memref<1x632x16xf32, #tpu.memory_space<hbm>>
      %dma_start3A_18 = tpu.memref_squeeze %dma_start3A_17 : memref<1x632x16xf32, #tpu.memory_space<hbm>> -> memref<632x16xf32, #tpu.memory_space<hbm>>
      %dma_start3A_19 = arith.constant 0 : i32
      %dma_start3A_20 = tpu.memref_slice %arg8[%mul3A_14, %dma_start3A_19] : memref<10112x16xf32, #tpu.memory_space<vmem_shared>> -> memref<632x16xf32, #tpu.memory_space<vmem_shared>>
      tpu.enqueue_dma source(%dma_start3A_20 : memref<632x16xf32, #tpu.memory_space<vmem_shared>>) target(%dma_start3A_18 : memref<632x16xf32, #tpu.memory_space<hbm>>) target_semaphore(%run_scoped3A : memref<!tpu.dma_semaphore, #tpu.memory_space<semaphore_mem>>)
      %dma_wait3A = arith.constant 0 : i32
      %dma_wait3A_21 = tpu.memref_slice %arg5[%arg0, %mul3A_16, %dma_wait3A] : memref<2x10112x16xf32, #tpu.memory_space<hbm>> -> memref<1x632x16xf32, #tpu.memory_space<hbm>>
      %dma_wait3A_22 = tpu.memref_squeeze %dma_wait3A_21 : memref<1x632x16xf32, #tpu.memory_space<hbm>> -> memref<632x16xf32, #tpu.memory_space<hbm>>
      %dma_wait3A_23 = arith.constant 0 : i32
      %dma_wait3A_24 = tpu.memref_slice %arg8[%mul3A_14, %dma_wait3A_23] : memref<10112x16xf32, #tpu.memory_space<vmem_shared>> -> memref<632x16xf32, #tpu.memory_space<vmem_shared>>
      tpu.wait_dma2 semaphore(%run_scoped3A : memref<!tpu.dma_semaphore, #tpu.memory_space<semaphore_mem>>) src(%dma_wait3A_24 : memref<632x16xf32, #tpu.memory_space<vmem_shared>>) dst(%dma_wait3A_22 : memref<632x16xf32, #tpu.memory_space<hbm>>)
      tpu.yield
    }) : () -> ()
    return
  }
}

module attributes {stable_mosaic.version = 14 : i64} {
  func.func @_tc1_body(%arg0: memref<10000x128xf32, #tpu.memory_space<vmem>>, %arg1: memref<128x128xf32, #tpu.memory_space<vmem>>, %arg2: memref<2x10112x16xf32, #tpu.memory_space<vmem>>, %arg3: memref<10112x128xf32, #tpu.memory_space<vmem>>, %arg4: memref<10000x1xf32, #tpu.memory_space<vmem>>) attributes {dimension_semantics = [], scalar_prefetch = 0 : i64, scratch_operands = 0 : i64, tpu.core_type = #tpu.core_type<tc>} {
    %get3A = arith.constant 0 : index
    %get3A_0 = arith.constant 0 : index
    %get3A_1 = arith.constant 0 : index
    %get3A_2 = vector.load %arg2[%get3A, %get3A_0, %get3A_1] : memref<2x10112x16xf32, #tpu.memory_space<vmem>>, vector<1x10000x1xf32>
    %get3A_3 = vector.shape_cast %get3A_2 : vector<1x10000x1xf32> to vector<10000x1xf32>
    %get3A_4 = arith.constant 1 : index
    %get3A_5 = arith.constant 0 : index
    %get3A_6 = arith.constant 0 : index
    %get3A_7 = vector.load %arg2[%get3A_4, %get3A_5, %get3A_6] : memref<2x10112x16xf32, #tpu.memory_space<vmem>>, vector<1x10000x1xf32>
    %get3A_8 = vector.shape_cast %get3A_7 : vector<1x10000x1xf32> to vector<10000x1xf32>
    %add3A = arith.addf %get3A_3, %get3A_8 : vector<10000x1xf32>
    %add3A_9 = arith.constant 1.000000e+00 : f32
    %add3A_10 = vector.broadcast %add3A_9 : f32 to vector<10000x1xf32>
    %add3A_11 = arith.addf %add3A, %add3A_10 : vector<10000x1xf32>
    %rsqrt3A = math.rsqrt %add3A_11 : vector<10000x1xf32>
    %get3A_12 = arith.constant 0 : index
    %get3A_13 = arith.constant 0 : index
    %get3A_14 = vector.load %arg0[%get3A_12, %get3A_13] : memref<10000x128xf32, #tpu.memory_space<vmem>>, vector<10000x128xf32>
    %get3A_15 = arith.constant 0 : index
    %get3A_16 = arith.constant 0 : index
    %get3A_17 = vector.load %arg1[%get3A_15, %get3A_16] : memref<128x128xf32, #tpu.memory_space<vmem>>, vector<128x128xf32>
    %dot_general3A = arith.constant dense<0.000000e+00> : vector<10000x128xf32>
    %dot_general3A_18 = tpu.matmul %get3A_14, %get3A_17, %dot_general3A {dimension_numbers = #tpu.dot_dimension_numbers<[1], [0], [0], [1], [0, 0, 1, 1], [], []>, transpose_lhs_hint = false} : vector<10000x128xf32>, vector<128x128xf32>, vector<10000x128xf32> -> vector<10000x128xf32>
    %mul3A = vector.broadcast %rsqrt3A : vector<10000x1xf32> to vector<10000x128xf32>
    %mul3A_19 = arith.mulf %dot_general3A_18, %mul3A : vector<10000x128xf32>
    %swap3A = arith.constant 0 : index
    %swap3A_20 = arith.constant 0 : index
    %swap3A_21 = vector.load %arg3[%swap3A, %swap3A_20] : memref<10112x128xf32, #tpu.memory_space<vmem>>, vector<10000x128xf32>
    tpu.vector_store %arg3[%swap3A, %swap3A_20], %mul3A_19 {strides = array<i32>} : memref<10112x128xf32, #tpu.memory_space<vmem>>, vector<10000x128xf32>,
    %broadcast_in_dim3A = arith.constant 0.000000e+00 : f32
    %broadcast_in_dim3A_22 = vector.broadcast %broadcast_in_dim3A : f32 to vector<112x128xf32>
    %swap3A_23 = arith.constant 10000 : index
    %swap3A_24 = arith.constant 0 : index
    %swap3A_25 = vector.load %arg3[%swap3A_23, %swap3A_24] : memref<10112x128xf32, #tpu.memory_space<vmem>>, vector<112x128xf32>
    tpu.vector_store %arg3[%swap3A_23, %swap3A_24], %broadcast_in_dim3A_22 {strides = array<i32>} : memref<10112x128xf32, #tpu.memory_space<vmem>>, vector<112x128xf32>,
    %swap3A_26 = arith.constant 0 : index
    %swap3A_27 = arith.constant 0 : index
    %swap3A_28 = vector.load %arg4[%swap3A_26, %swap3A_27] : memref<10000x1xf32, #tpu.memory_space<vmem>>, vector<10000x1xf32>
    tpu.vector_store %arg4[%swap3A_26, %swap3A_27], %rsqrt3A {strides = array<i32>} : memref<10000x1xf32, #tpu.memory_space<vmem>>, vector<10000x1xf32>,
    return
  }
}

module attributes {stable_mosaic.version = 14 : i64} {
  func.func @_tc2_body(%arg0: memref<10112x128xf32, #tpu.memory_space<vmem>>, %arg1: memref<2x10112x128xf32, #tpu.memory_space<vmem>>, %arg2: memref<10000x1xf32, #tpu.memory_space<vmem>>, %arg3: memref<1x128xf32, #tpu.memory_space<vmem>>, %arg4: memref<1x128xf32, #tpu.memory_space<vmem>>, %arg5: memref<1x128xf32, #tpu.memory_space<vmem>>, %arg6: memref<128x64xf32, #tpu.memory_space<vmem>>, %arg7: memref<10112x64xf32, #tpu.memory_space<vmem>>) attributes {dimension_semantics = [], scalar_prefetch = 0 : i64, scratch_operands = 0 : i64, tpu.core_type = #tpu.core_type<tc>} {
    %get3A = arith.constant 0 : index
    %get3A_0 = arith.constant 0 : index
    %get3A_1 = vector.load %arg2[%get3A, %get3A_0] : memref<10000x1xf32, #tpu.memory_space<vmem>>, vector<10000x1xf32>
    %get3A_2 = arith.constant 0 : index
    %get3A_3 = arith.constant 0 : index
    %get3A_4 = arith.constant 0 : index
    %get3A_5 = vector.load %arg1[%get3A_2, %get3A_3, %get3A_4] : memref<2x10112x128xf32, #tpu.memory_space<vmem>>, vector<1x10000x128xf32>
    %get3A_6 = vector.shape_cast %get3A_5 : vector<1x10000x128xf32> to vector<10000x128xf32>
    %get3A_7 = arith.constant 1 : index
    %get3A_8 = arith.constant 0 : index
    %get3A_9 = arith.constant 0 : index
    %get3A_10 = vector.load %arg1[%get3A_7, %get3A_8, %get3A_9] : memref<2x10112x128xf32, #tpu.memory_space<vmem>>, vector<1x10000x128xf32>
    %get3A_11 = vector.shape_cast %get3A_10 : vector<1x10000x128xf32> to vector<10000x128xf32>
    %add3A = arith.addf %get3A_6, %get3A_11 : vector<10000x128xf32>
    %get3A_12 = arith.constant 0 : index
    %get3A_13 = arith.constant 0 : index
    %get3A_14 = vector.load %arg0[%get3A_12, %get3A_13] : memref<10112x128xf32, #tpu.memory_space<vmem>>, vector<10000x128xf32>
    %add3A_15 = arith.addf %add3A, %get3A_14 : vector<10000x128xf32>
    %mul3A = vector.broadcast %get3A_1 : vector<10000x1xf32> to vector<10000x128xf32>
    %mul3A_16 = arith.mulf %mul3A, %add3A_15 : vector<10000x128xf32>
    %get3A_17 = arith.constant 0 : index
    %get3A_18 = arith.constant 0 : index
    %get3A_19 = vector.load %arg3[%get3A_17, %get3A_18] : memref<1x128xf32, #tpu.memory_space<vmem>>, vector<1x128xf32>
    %add3A_20 = vector.broadcast %get3A_19 : vector<1x128xf32> to vector<10000x128xf32>
    %add3A_21 = arith.addf %mul3A_16, %add3A_20 : vector<10000x128xf32>
    %reduce_sum3A = arith.constant dense<0.000000e+00> : vector<128xf32>
    %reduce_sum3A_22 = vector.multi_reduction <add>, %add3A_21, %reduce_sum3A [0] : vector<10000x128xf32> to vector<128xf32>
    %broadcast_in_dim3A = vector.shape_cast %reduce_sum3A_22 : vector<128xf32> to vector<1x128xf32>
    %div3A = arith.constant 1.000000e+04 : f32
    %div3A_23 = vector.broadcast %div3A : f32 to vector<1x128xf32>
    %div3A_24 = arith.divf %broadcast_in_dim3A, %div3A_23 : vector<1x128xf32>
    %sub3A = vector.broadcast %div3A_24 : vector<1x128xf32> to vector<10000x128xf32>
    %sub3A_25 = arith.subf %add3A_21, %sub3A : vector<10000x128xf32>
    %integer_pow3A = arith.mulf %sub3A_25, %sub3A_25 : vector<10000x128xf32>
    %reduce_sum3A_26 = arith.constant dense<0.000000e+00> : vector<128xf32>
    %reduce_sum3A_27 = vector.multi_reduction <add>, %integer_pow3A, %reduce_sum3A_26 [0] : vector<10000x128xf32> to vector<128xf32>
    %broadcast_in_dim3A_28 = vector.shape_cast %reduce_sum3A_27 : vector<128xf32> to vector<1x128xf32>
    %div3A_29 = arith.constant 1.000000e+04 : f32
    %div3A_30 = vector.broadcast %div3A_29 : f32 to vector<1x128xf32>
    %div3A_31 = arith.divf %broadcast_in_dim3A_28, %div3A_30 : vector<1x128xf32>
    %sub3A_32 = vector.broadcast %div3A_24 : vector<1x128xf32> to vector<10000x128xf32>
    %sub3A_33 = arith.subf %add3A_21, %sub3A_32 : vector<10000x128xf32>
    %add3A_34 = arith.constant 9.99999974E-6 : f32
    %add3A_35 = vector.broadcast %add3A_34 : f32 to vector<1x128xf32>
    %add3A_36 = arith.addf %div3A_31, %add3A_35 : vector<1x128xf32>
    %rsqrt3A = math.rsqrt %add3A_36 : vector<1x128xf32>
    %mul3A_37 = vector.broadcast %rsqrt3A : vector<1x128xf32> to vector<10000x128xf32>
    %mul3A_38 = arith.mulf %sub3A_33, %mul3A_37 : vector<10000x128xf32>
    %get3A_39 = arith.constant 0 : index
    %get3A_40 = arith.constant 0 : index
    %get3A_41 = vector.load %arg4[%get3A_39, %get3A_40] : memref<1x128xf32, #tpu.memory_space<vmem>>, vector<1x128xf32>
    %mul3A_42 = vector.broadcast %get3A_41 : vector<1x128xf32> to vector<10000x128xf32>
    %mul3A_43 = arith.mulf %mul3A_38, %mul3A_42 : vector<10000x128xf32>
    %get3A_44 = arith.constant 0 : index
    %get3A_45 = arith.constant 0 : index
    %get3A_46 = vector.load %arg5[%get3A_44, %get3A_45] : memref<1x128xf32, #tpu.memory_space<vmem>>, vector<1x128xf32>
    %add3A_47 = vector.broadcast %get3A_46 : vector<1x128xf32> to vector<10000x128xf32>
    %add3A_48 = arith.addf %mul3A_43, %add3A_47 : vector<10000x128xf32>
    %logistic3A = arith.negf %add3A_48 : vector<10000x128xf32>
    %logistic3A_49 = math.exp %logistic3A : vector<10000x128xf32>
    %logistic3A_50 = arith.constant 1.000000e+00 : f32
    %logistic3A_51 = vector.broadcast %logistic3A_50 : f32 to vector<10000x128xf32>
    %logistic3A_52 = arith.addf %logistic3A_51, %logistic3A_49 : vector<10000x128xf32>
    %logistic3A_53 = arith.divf %logistic3A_51, %logistic3A_52 : vector<10000x128xf32>
    %get3A_54 = arith.constant 0 : index
    %get3A_55 = arith.constant 0 : index
    %get3A_56 = vector.load %arg6[%get3A_54, %get3A_55] : memref<128x64xf32, #tpu.memory_space<vmem>>, vector<128x64xf32>
    %dot_general3A = arith.constant dense<0.000000e+00> : vector<10000x64xf32>
    %dot_general3A_57 = tpu.matmul %logistic3A_53, %get3A_56, %dot_general3A {dimension_numbers = #tpu.dot_dimension_numbers<[1], [0], [0], [1], [0, 0, 1, 1], [], []>, transpose_lhs_hint = false} : vector<10000x128xf32>, vector<128x64xf32>, vector<10000x64xf32> -> vector<10000x64xf32>
    %mul3A_58 = vector.broadcast %get3A_1 : vector<10000x1xf32> to vector<10000x64xf32>
    %mul3A_59 = arith.mulf %dot_general3A_57, %mul3A_58 : vector<10000x64xf32>
    %swap3A = arith.constant 0 : index
    %swap3A_60 = arith.constant 0 : index
    %swap3A_61 = vector.load %arg7[%swap3A, %swap3A_60] : memref<10112x64xf32, #tpu.memory_space<vmem>>, vector<10000x64xf32>
    tpu.vector_store %arg7[%swap3A, %swap3A_60], %mul3A_59 {strides = array<i32>} : memref<10112x64xf32, #tpu.memory_space<vmem>>, vector<10000x64xf32>,
    %broadcast_in_dim3A_62 = arith.constant 0.000000e+00 : f32
    %broadcast_in_dim3A_63 = vector.broadcast %broadcast_in_dim3A_62 : f32 to vector<112x64xf32>
    %swap3A_64 = arith.constant 10000 : index
    %swap3A_65 = arith.constant 0 : index
    %swap3A_66 = vector.load %arg7[%swap3A_64, %swap3A_65] : memref<10112x64xf32, #tpu.memory_space<vmem>>, vector<112x64xf32>
    tpu.vector_store %arg7[%swap3A_64, %swap3A_65], %broadcast_in_dim3A_63 {strides = array<i32>} : memref<10112x64xf32, #tpu.memory_space<vmem>>, vector<112x64xf32>,
    return
  }
}

module attributes {stable_mosaic.version = 14 : i64} {
  func.func @_tc3_body(%arg0: memref<10112x64xf32, #tpu.memory_space<vmem>>, %arg1: memref<2x10112x64xf32, #tpu.memory_space<vmem>>, %arg2: memref<10000x1xf32, #tpu.memory_space<vmem>>, %arg3: memref<1x64xf32, #tpu.memory_space<vmem>>, %arg4: memref<1x64xf32, #tpu.memory_space<vmem>>, %arg5: memref<1x64xf32, #tpu.memory_space<vmem>>, %arg6: memref<10000x64xf32, #tpu.memory_space<vmem>>) attributes {dimension_semantics = [], scalar_prefetch = 0 : i64, scratch_operands = 0 : i64, tpu.core_type = #tpu.core_type<tc>} {
    %get3A = arith.constant 0 : index
    %get3A_0 = arith.constant 0 : index
    %get3A_1 = vector.load %arg2[%get3A, %get3A_0] : memref<10000x1xf32, #tpu.memory_space<vmem>>, vector<10000x1xf32>
    %get3A_2 = arith.constant 0 : index
    %get3A_3 = arith.constant 0 : index
    %get3A_4 = arith.constant 0 : index
    %get3A_5 = vector.load %arg1[%get3A_2, %get3A_3, %get3A_4] : memref<2x10112x64xf32, #tpu.memory_space<vmem>>, vector<1x10000x64xf32>
    %get3A_6 = vector.shape_cast %get3A_5 : vector<1x10000x64xf32> to vector<10000x64xf32>
    %get3A_7 = arith.constant 1 : index
    %get3A_8 = arith.constant 0 : index
    %get3A_9 = arith.constant 0 : index
    %get3A_10 = vector.load %arg1[%get3A_7, %get3A_8, %get3A_9] : memref<2x10112x64xf32, #tpu.memory_space<vmem>>, vector<1x10000x64xf32>
    %get3A_11 = vector.shape_cast %get3A_10 : vector<1x10000x64xf32> to vector<10000x64xf32>
    %add3A = arith.addf %get3A_6, %get3A_11 : vector<10000x64xf32>
    %get3A_12 = arith.constant 0 : index
    %get3A_13 = arith.constant 0 : index
    %get3A_14 = vector.load %arg0[%get3A_12, %get3A_13] : memref<10112x64xf32, #tpu.memory_space<vmem>>, vector<10000x64xf32>
    %add3A_15 = arith.addf %add3A, %get3A_14 : vector<10000x64xf32>
    %mul3A = vector.broadcast %get3A_1 : vector<10000x1xf32> to vector<10000x64xf32>
    %mul3A_16 = arith.mulf %mul3A, %add3A_15 : vector<10000x64xf32>
    %get3A_17 = arith.constant 0 : index
    %get3A_18 = arith.constant 0 : index
    %get3A_19 = vector.load %arg3[%get3A_17, %get3A_18] : memref<1x64xf32, #tpu.memory_space<vmem>>, vector<1x64xf32>
    %add3A_20 = vector.broadcast %get3A_19 : vector<1x64xf32> to vector<10000x64xf32>
    %add3A_21 = arith.addf %mul3A_16, %add3A_20 : vector<10000x64xf32>
    %reduce_sum3A = arith.constant dense<0.000000e+00> : vector<64xf32>
    %reduce_sum3A_22 = vector.multi_reduction <add>, %add3A_21, %reduce_sum3A [0] : vector<10000x64xf32> to vector<64xf32>
    %broadcast_in_dim3A = vector.shape_cast %reduce_sum3A_22 : vector<64xf32> to vector<1x64xf32>
    %div3A = arith.constant 1.000000e+04 : f32
    %div3A_23 = vector.broadcast %div3A : f32 to vector<1x64xf32>
    %div3A_24 = arith.divf %broadcast_in_dim3A, %div3A_23 : vector<1x64xf32>
    %sub3A = vector.broadcast %div3A_24 : vector<1x64xf32> to vector<10000x64xf32>
    %sub3A_25 = arith.subf %add3A_21, %sub3A : vector<10000x64xf32>
    %integer_pow3A = arith.mulf %sub3A_25, %sub3A_25 : vector<10000x64xf32>
    %reduce_sum3A_26 = arith.constant dense<0.000000e+00> : vector<64xf32>
    %reduce_sum3A_27 = vector.multi_reduction <add>, %integer_pow3A, %reduce_sum3A_26 [0] : vector<10000x64xf32> to vector<64xf32>
    %broadcast_in_dim3A_28 = vector.shape_cast %reduce_sum3A_27 : vector<64xf32> to vector<1x64xf32>
    %div3A_29 = arith.constant 1.000000e+04 : f32
    %div3A_30 = vector.broadcast %div3A_29 : f32 to vector<1x64xf32>
    %div3A_31 = arith.divf %broadcast_in_dim3A_28, %div3A_30 : vector<1x64xf32>
    %sub3A_32 = vector.broadcast %div3A_24 : vector<1x64xf32> to vector<10000x64xf32>
    %sub3A_33 = arith.subf %add3A_21, %sub3A_32 : vector<10000x64xf32>
    %add3A_34 = arith.constant 9.99999974E-6 : f32
    %add3A_35 = vector.broadcast %add3A_34 : f32 to vector<1x64xf32>
    %add3A_36 = arith.addf %div3A_31, %add3A_35 : vector<1x64xf32>
    %rsqrt3A = math.rsqrt %add3A_36 : vector<1x64xf32>
    %mul3A_37 = vector.broadcast %rsqrt3A : vector<1x64xf32> to vector<10000x64xf32>
    %mul3A_38 = arith.mulf %sub3A_33, %mul3A_37 : vector<10000x64xf32>
    %get3A_39 = arith.constant 0 : index
    %get3A_40 = arith.constant 0 : index
    %get3A_41 = vector.load %arg4[%get3A_39, %get3A_40] : memref<1x64xf32, #tpu.memory_space<vmem>>, vector<1x64xf32>
    %mul3A_42 = vector.broadcast %get3A_41 : vector<1x64xf32> to vector<10000x64xf32>
    %mul3A_43 = arith.mulf %mul3A_38, %mul3A_42 : vector<10000x64xf32>
    %get3A_44 = arith.constant 0 : index
    %get3A_45 = arith.constant 0 : index
    %get3A_46 = vector.load %arg5[%get3A_44, %get3A_45] : memref<1x64xf32, #tpu.memory_space<vmem>>, vector<1x64xf32>
    %add3A_47 = vector.broadcast %get3A_46 : vector<1x64xf32> to vector<10000x64xf32>
    %add3A_48 = arith.addf %mul3A_43, %add3A_47 : vector<10000x64xf32>
    %swap3A = arith.constant 0 : index
    %swap3A_49 = arith.constant 0 : index
    %swap3A_50 = vector.load %arg6[%swap3A, %swap3A_49] : memref<10000x64xf32, #tpu.memory_space<vmem>>, vector<10000x64xf32>
    tpu.vector_store %arg6[%swap3A, %swap3A_49], %add3A_48 {strides = array<i32>} : memref<10000x64xf32, #tpu.memory_space<vmem>>, vector<10000x64xf32>,
    return
  }
}

</mosaic_0001>

<sc_bundles>
// kernel: kernel.11.cloned.1.call-start
scs
__scs_entry_jumppad:
0x0: {  	(pc) =	sbr.rel $0x88, $3  }
0x1: {  	(tag) =	ssettag $0x0;
	lr =	simm.s32 $0x1  }
0x2: {  	[smem:$0x3F97] =	sst lr;
	_ =	strace $0xD0000000  }
0x3: {  	_ = 	snop  }
0x4: {  	_ = 	snop  }
0x5: {  	_ = 	snop  }
0x6: {  	_ = 	snop  }
0x7: {  	_ = 	snop  }
__scs_overlays_trampoline_lowered:
0x8: {  	[smem:$0x3FA6] =	sst s0  }
0x9: {  	[smem:$0x3FA7] =	sst s1  }
0xa: {  	[smem:$0x3FA8] =	sst s2  }
0xb: {  	[smem:$0x3FA9] =	sst s3  }
0xc: {  	[smem:$0x3FAA] =	sst s4  }
0xd: {  	[smem:$0x3FAB] =	sst s5  }
0xe: {  	[smem:$0x3FAC] =	sst s6  }
0xf: {  	[smem:$0x3FAD] =	sst s7  }
0x10: {  	[smem:$0x3FAE] =	sst s8  }
0x11: {  	[smem:$0x3FAF] =	sst s9;
	s0 =	simm.s32 @!p0 $0x0  }
0x12: {  	s1 =	sld [smem:$0x3F95];
	s0 =	simm.s32 @p0 $0x1  }
0x13: {  	[smem:$0x3FB0] =	sst s0;
	s0 =	simm.s32 @!p1 $0x0  }
0x14: {  	s2 =	sld [smem:$0x3F94];
	s0 =	simm.s32 @p1 $0x1  }
0x15: {  	[smem:$0x3FB1] =	sst s0;
	s0 =	simm.s32 @!p2 $0x0  }
0x16: {  	s3 =	sld [smem:$0x3FDB];
	s0 =	simm.s32 @p2 $0x1  }
0x17: {  	s4 =	simm.s32 $0x1BF5;
	[smem:$0x3FB3] =	sst s0  }
0x18: {  	s0 =	sld [smem:$0x3F96];
	_ =	swait.ge [sflag:s4], $0x0  }
0x19: {  	s7 =	sld [smem:$0x3F97]  }
0x1a: {  	s8 =	sadd.s32 $0xFFFFE003, lr  }
0x1b: {  	s9 =	sadd.s32 $0xFFFFFEF7, lr;
	s5 =	simm.s32 $0xFFFFFFFF;
	p2 =	slt.u32 s8, $0xFFFFF086  }
0x1c: {  	p1 =	slt.u32 s9, $0xF7A;
	s5 =	simm.s32 @!p2 $0x0  }
0x1d: {  	s5 =	simm.s32 @p1 $0x1;
	p0 =	seq.s32 s7, s2  }
0x1e: {  	s7 =	smul.u32 @!p0 $0xF7A, s2;
	p2 =	seq.s32 @!p0 s5, $0x0  }
0x1f: {  	s9 =	smul.u32 $0xF7A, s1;
	s8 =	simm.s32 @!p0 $0x1BF5;
	p2 =	por !p2, p0  }
0x20: {  	[sflag:s8] =	ssyncset.s32 @!p0 $0xFFFFF086;
	s6 =	sadd.s32 @!p0 s3, s7;
	s7 =	simm.s32 @!p0 $0x108  }
0x21: {  	s3 =	sadd.s32 s3, s9;
	s6 =	sadd.s32 @!p0 $0x88, s6;
	s7 =	simm.s32 @p2 $0x1082  }
0x22: {  	[simem:s7], [sflag:s8] =	dma.local @!p0 [hbm:s6], $0xF7A  }
0x23: {  	s9 =	sor.u32 $0xD0000000, s2;
	s6 =	simm.s32 $0x108;
	_ =	swait.ge @!p0 [sflag:s8], $0x0  }
0x24: {  	s3 =	sadd.s32 $0x88, s3;
	s6 =	simm.s32 @!p1 $0x1082;
	[sflag:s4] =	ssyncset.s32 $0xFFFFF086  }
0x25: {  	[simem:s6], [sflag:s4] =	dma.local [hbm:s3], $0xF7A  }
0x26: {  	[smem:$0x3F97] =	sst s1;
	(tag) =	ssettag s2;
	_ =	strace s9  }
0x27: {  	s1 =	sld [smem:$0x3FA7]  }
0x28: {  	s2 =	sld [smem:$0x3FA8]  }
0x29: {  	s4 =	sld [smem:$0x3FAA]  }
0x2a: {  	p0 =	seq.s32 s5, $0x0;
	s5 =	sld [smem:$0x3FAB]  }
0x2b: {  	s6 =	sld [smem:$0x3FAC]  }
0x2c: {  	s7 =	sld [smem:$0x3FAD]  }
0x2d: {  	s3 =	simm.s32 $0x108;
	s8 =	sld [smem:$0x3FAE]  }
0x2e: {  	s3 =	simm.s32 @!p0 $0x1082;
	s9 =	sld [smem:$0x3FAF]  }
0x2f: {  	lr =	sadd.s32 s0, s3;
	s0 =	sld [smem:$0x3FA6]  }
0x30: {  	s3 =	sld [smem:$0x3FA9]  }
0x31: {  	[smem:$0x3FB2] =	sst s10  }
0x32: {  	s10 =	sld [smem:$0x3FB0];
	_ =	sdelay $0x3  }
0x33: {  	p0 =	seq.s32 s10, $0x1;
	s10 =	sld [smem:$0x3FB2];
	_ =	sdelay $0x3  }
0x34: {  	[smem:$0x3FB2] =	sst s10  }
0x35: {  	s10 =	sld [smem:$0x3FB1];
	_ =	sdelay $0x3  }
0x36: {  	p1 =	seq.s32 s10, $0x1;
	s10 =	sld [smem:$0x3FB2];
	_ =	sdelay $0x3  }
0x37: {  	[smem:$0x3FB2] =	sst s10  }
0x38: {  	s10 =	sld [smem:$0x3FB3]  }
0x39: {  	_ = 	snop;
	(pc) =	sbr.ind lr, $3  }
0x3a: {  	_ = 	snop  }
0x3b: {  	_ = 	snop  }
0x3c: {  	p2 =	seq.s32 s10, $0x1;
	s10 =	sld [smem:$0x3FB2]  }
0x3d: {  	_ =	shalt  }
0x3e: {  	_ =	shalt  }
0x3f: {  	_ =	shalt  }
0x40: {  	_ =	shalt  }
0x41: {  	_ =	shalt  }
0x42: {  	_ =	shalt  }
0x43: {  	_ =	shalt  }
0x44: {  	_ =	shalt  }
0x45: {  	_ =	shalt  }
0x46: {  	_ =	shalt  }
0x47: {  	_ =	shalt  }
0x48: {  	_ =	shalt  }
0x49: {  	_ =	shalt  }
0x4a: {  	_ =	shalt  }
0x4b: {  	_ =	shalt  }
0x4c: {  	_ =	shalt  }
0x4d: {  	_ =	shalt  }
0x4e: {  	_ =	shalt  }
0x4f: {  	_ =	shalt  }
0x50: {  	_ =	shalt  }
0x51: {  	_ =	shalt  }
0x52: {  	_ =	shalt  }
0x53: {  	_ =	shalt  }
0x54: {  	_ =	shalt  }
0x55: {  	_ =	shalt  }
0x56: {  	_ =	shalt  }
0x57: {  	_ =	shalt  }
0x58: {  	_ =	shalt  }
0x59: {  	_ =	shalt  }
0x5a: {  	_ =	shalt  }
0x5b: {  	_ =	shalt  }
0x5c: {  	_ =	shalt  }
0x5d: {  	_ =	shalt  }
0x5e: {  	_ =	shalt  }
0x5f: {  	_ =	shalt  }
0x60: {  	_ =	shalt  }
0x61: {  	_ =	shalt  }
0x62: {  	_ =	shalt  }
0x63: {  	_ =	shalt  }
0x64: {  	_ =	shalt  }
0x65: {  	_ =	shalt  }
0x66: {  	_ =	shalt  }
0x67: {  	_ =	shalt  }
0x68: {  	_ =	shalt  }
0x69: {  	_ =	shalt  }
0x6a: {  	_ =	shalt  }
0x6b: {  	_ =	shalt  }
0x6c: {  	_ =	shalt  }
0x6d: {  	_ =	shalt  }
0x6e: {  	_ =	shalt  }
0x6f: {  	_ =	shalt  }
0x70: {  	_ =	shalt  }
0x71: {  	_ =	shalt  }
0x72: {  	_ =	shalt  }
0x73: {  	_ =	shalt  }
0x74: {  	_ =	shalt  }
0x75: {  	_ =	shalt  }
0x76: {  	_ =	shalt  }
0x77: {  	_ =	shalt  }
0x78: {  	_ =	shalt  }
0x79: {  	_ =	shalt  }
0x7a: {  	_ =	shalt  }
0x7b: {  	_ =	shalt  }
0x7c: {  	_ =	shalt  }
0x7d: {  	_ =	shalt  }
0x7e: {  	_ =	shalt  }
0x7f: {  	_ =	shalt  }
0x80: {  	_ =	shalt  }
0x81: {  	_ =	shalt  }
0x82: {  	_ =	shalt  }
0x83: {  	_ =	shalt  }
0x84: {  	_ =	shalt  }
0x85: {  	_ =	shalt  }
0x86: {  	_ =	shalt  }
0x87: {  	_ =	shalt  }
.Lfunc_end0:
.L_simem_size_0:
called_computation.1_lowered:
.L_overlay_start_0:
0x88: {  	s2 =	sld [smem:$0x3FD9]  }
0x89: {  	s3 =	sld [smem:$0x3FFE];
	_ =	sdelay $0x1  }
0x8a: {  	s1 =	srdreg.scid  }
0x8b: {  	s0 =	sand.u32 $0x1, s1  }
0x8c: {  	s16 =	sshll.u32 s0, $0xA;
	s2 =	sadd.s32 s3, s2  }
0x8d: {  	s2 =	sadd.s32 s2, s16  }
0x8e: {  	[smem:$0x3FBE] =	sst s2  }
0x8f: {  	_ = 	snop  }
0x90: {  	(tm) =	ssettm $0x1  }
0x91: {  	s17 =	sld [smem:$0x3FFB];
	_ =	sdelay $0x3  }
0x92: {  	_ =	strace s17  }
0x93: {  	s2 =	sld [smem:$0x3FFC];
	_ =	sdelay $0x3  }
0x94: {  	_ =	strace s2  }
0x95: {  	s2 =	sld [smem:$0x3FFD];
	_ =	sdelay $0x3  }
0x96: {  	_ =	strace s2  }
0x97: {  	_ =	strace $0x8FFFFFFF  }
0x98: {  	s18 =	sld [smem:$0x3FDB];
	_ =	sdelay $0x1  }
0x99: {  	s19 =	simm.s32 $_scs_section_size  }
0x9a: {  	s4 =	simm.s32 $_size__tile_overlayer_lowered;
	s5 =	simm.s32 $_tile_overlayer_lowered  }
0x9b: {  	s22 =	simm.s32 $0x1BFF;
	s21 =	sshll.u32 s5, $0x1;
	s2 =	sadd.s32 s19, s18  }
0x9c: {  	s6 =	simm.s32 $0x0;
	s20 =	sshll.u32 s4, $0x1;
	s4 =	sadd.s32 s21, s2  }
0x9d: {  	[timem:s6], [sflag:s22] =	dma.local [hbm:s4], s20  }
0x9e: {  	_ =	swait.ge [sflag:s22], s20  }
0x9f: {  	s3 =	ssub.s32 $0x0, s20;
	[sflag:s22] =	ssyncset.done $0x0  }
0xa0: {  	[sflag:s22] =	ssyncadd.s32 s3;
	_ =	sdelay $0x1  }
0xa1: {  	s23 =	simm.s32 $0x1B8B  }
0xa2: {  	_ =	swait.ge [sflag:s23], $0x1  }
0xa3: {  	[sflag:s23] =	ssyncset.done $0x0  }
0xa4: {  	s25 =	simm.s32 $0x1B8E;
	s24 =	sld [smem:$0x3FFE];
	[sflag:s23] =	ssyncadd.s32 $0xFFFFFFFF  }
0xa5: {  	s26 =	simm.s32 $execute0_lowered;
	[smem:$0x3FD2] =	sst s25  }
0xa6: {  	s4 =	sshll.u32 s26, $0x1;
	_ =	strace $0x80000049;
	[dreg:$0x1] =	wrdreg $0xFFFFFFFF  }
0xa7: {  	s28 =	simm.s32 $_size_execute0_lowered;
	s2 =	sadd.s32 s2, s4;
	[dreg:$0x0] =	wrdreg $0x0  }
0xa8: {  	s4 =	sshll.u32 s28, $0x1;
	[dreg:$0x2] =	wrdreg s2  }
0xa9: {  	[dreg:$0x3] =	wrdreg s4  }
0xaa: {  	[dreg:$0x4] =	wrdreg $0xC0  }
0xab: {  	_ =	task [dreg:s6], $0x5FFFF  }
0xac: {  	[dreg:$0x1] =	wrdreg $0xFFFFFFFF  }
0xad: {  	[dreg:$0x0] =	wrdreg $0x60  }
0xae: {  	[dreg:$0x2] =	wrdreg s24  }
0xaf: {  	[dreg:$0x3] =	wrdreg $0xB9000  }
0xb0: {  	[dreg:$0x4] =	wrdreg $0x9  }
0xb1: {  	_ =	task.clear_ibuf [dreg:s6], $0x5FFFF;
	_ =	strace $0x90000049  }
0xb2: {  	s29 =	simm.s32 $0x9;
	_ =	strace $0x8000004B  }
0xb3: {  	_ =	swait.ge [sflag:s29], $0x1  }
0xb4: {  	[sflag:s29] =	ssyncadd.s32 $0xFFFFFFFF  }
0xb5: {  	_ =	strace $0x9000004B  }
0xb6: {  	_ =	sfence  }
0xb7: {  	s30 =	sld [smem:$0x0];
	_ =	sdelay $0x2  }
0xb8: {  	s31 =	sshll.u32 s1, $0xD;
	s1 =	sshrl.u32 s1, $0x2  }
0xb9: {  	s3 =	sand.u32 $0x4000, s31;
	s1 =	sadd.s32 s1, s30  }
0xba: {  	s0 =	sor.u32 s3, s0;
	s1 =	sshll.u32 s1, $0x11  }
0xbb: {  	s0 =	sor.u32 s1, s0  }
0xbc: {  	s0 =	sadd.s32 $0x8F2B, s0  }
0xbd: {  	[sflag:s0] =	ssyncadd.remote.s32 $0x1  }
0xbe: {  	_ =	sfence.sel $0xFFFF  }
0xbf: {  	[dreg:$0x0] =	wrdreg $0xFFFFFFFF;
	(pc) =	sbr.abs _section_cstart, $3  }
0xc0: {  	[dreg:$0x1] =	wrdreg $0xFFFFFFFF  }
0xc1: {  	_ =	task.clear_ibuf [dreg:s6], $0x2FFFF;
	_ =	strace $0x9FFFFFFF  }
0xc2: {  	(tm) =	ssettm $0x7FFFFFFF  }
0xc3: {  	_ =	shalt  }
tec
execute0_lowered:
.L_overlay_start_1:
0x0: {  	(tag) =	ssettag $0x1  }
0x1: {  	s0 =	rddreg [dreg:$0x0]  }
0x2: {  	s2 =	rddreg [dreg:$0x1]  }
0x3: {  	s3 =	simm.s32 $0x0;
	s12 =	stileid.u32;
	s1 =	srdreg.scid  }
0x4: {  	s14 =	simm.s32 $0xA;
	s15 =	simm.s32 $0x40;
	s16 =	simm.s32 $0x3900  }
0x5: {  	s17 =	simm.s32 $0x5900;
	s18 =	simm.s32 $0x7900;
	s19 =	simm.s32 $0x9900  }
0x6: {  	s20 =	simm.s32 $0x3800;
	s28 =	simm.s32 $0x6;
	s29 =	simm.s32 $0x3  }
0x7: {  	s30 =	simm.s32 $0x7;
	s31 =	simm.s32 $0x4;
	[smem:$0x7FF] =	sst s3  }
0x8: {  	s5 =	smul.u32 $0x13C00, s12;
	s1 =	sand.u32 $0x1, s1;
	s4 =	sadd.s32 $0x1BA00, s0  }
0x9: {  	s7 =	sadd.s32 $0x11A00, s0;
	s8 =	sadd.s32 $0x2800, s0;
	s21 =	smul.u32 $0x300, s12  }
0xa: {  	s22 =	sshll.u32 s12, $0x6;
	s12 =	smul.u32 $0x700, s12;
	_ =	strace $0x8000004A  }
0xb: {  	s6 =	smul.u32 $0x13C000, s1;
	s10 =	ssub.s32 $0x2, s1;
	p0 =	sne.s32 s1, $0x0  }
0xc: {  	s1 =	simm.s32 $0x9;
	s9 =	sshrl.u32 s5, $0x3;
	s11 =	sshrl.u32 s10, $0x1  }
0xd: {  	s23 =	sadd.s32 s7, s21;
	s7 =	sadd.s32 s7, s12;
	s25 =	sadd.s32 s21, s8  }
0xe: {  	s26 =	sadd.s32 s12, s8;
	s21 =	simm.s32 $0x3840;
	s6 =	sadd.s32 s5, s6  }
0xf: {  	s9 =	sadd.s32 s9, s0;
	s10 =	ssub.s32 s10, s11;
	s5 =	sadd.s32 s5, s2  }
0x10: {  	[dreg:$0x6] =	wrdreg s7;
	s11 =	sadd.s32 $0x7018, s25;
	s12 =	sadd.s32 $0x18, s26  }
0x11: {  	s25 =	simm.s32 $0x5;
	s26 =	simm.s32 $0x2;
	s7 =	simm.s32 $0x0  }
0x12: {  	s6 =	sshrl.u32 s6, $0x3;
	s9 =	sadd.s32 $0x43200, s9;
	s24 =	smax.u32 s10, $0x1  }
.Ltmp0:
0x13: {  	s13 =	sshrl.u32 s5, $0x3;
	[dreg:$0x3] =	wrdreg s9;
	(pc) =	sbr.rel .LBB2_1-.Ltmp0, $4  }
0x14: {  	s0 =	sadd.s32 s6, s0;
	s9 =	sadd.s32 $0x7000, s23;
	[dreg:$0x8] =	wrdreg s24  }
0x15: {  	s6 =	sor.u32 $0x1C0A, s22;
	s22 =	simm.s32 $0x3880;
	[dreg:$0x5] =	wrdreg s9  }
0x16: {  	s23 =	simm.s32 $0x38C0;
	s0 =	sadd.s32 $0x6AA00, s0;
	[dreg:$0x4] =	wrdreg s6  }
0x17: {  	s24 =	simm.s32 $0x1;
	[dreg:$0x7] =	wrdreg s0;
	s0 =	simm.s32 $0x8  }
.LBB2_7:
0x18: {  	s5 =	sshra.s32 s5, $0x2;
	[sflag:s1] =	ssyncadd.s32 $0xFFFFE000  }
0x19: {  	[tilespmem:s16], [sflag:$0x1] =	stream.indirect.gather [hbm4b:s4+s15], $0x80, s5, s15, $0xb8;
	[tilespmem:$0x1F500] =	vst v63  }
0x1a: {  	s6 =	sadd.s32 $0x40, s5  }
0x1b: {  	[tilespmem:s17], [sflag:$0x2] =	stream.indirect.gather [hbm4b:s4+s15], $0x80, s6, s15, $0xb8;
	[tilespmem:$0x1F500] =	vst v63  }
0x1c: {  	s10 =	sadd.s32 $0x80, s5  }
0x1d: {  	[tilespmem:s18], [sflag:$0x3] =	stream.indirect.gather [hbm4b:s4+s15], $0x80, s10, s15, $0xb8;
	[tilespmem:$0x1F500] =	vst v63  }
0x1e: {  	s5 =	sadd.s32 $0xC0, s5  }
0x1f: {  	[tilespmem:s19], [sflag:$0x4] =	stream.indirect.gather [hbm4b:s4+s15], $0x80, s5, s15, $0xb8;
	[tilespmem:$0x1F500] =	vst v63  }
0x20: {  	s6 =	sadd.s32 $0xFFFFFFE8, s8  }
0x21: {  	[tilespmem:s20], [sflag:$0x5] =	stream.linear.gather [hbm4b:s6+s3], $0x40, $0x38;
	[tilespmem:$0x1F500] =	vst v63  }
0x22: {  	s9 =	sadd.s32 $0xFFFFFFF0, s8  }
0x23: {  	[tilespmem:s21], [sflag:$0x6] =	stream.linear.gather [hbm4b:s9+s3], $0x40, $0x38;
	[tilespmem:$0x1F500] =	vst v63  }
0x24: {  	s10 =	sadd.s32 $0xFFFFFFF8, s8  }
0x25: {  	[tilespmem:s22], [sflag:$0x7] =	stream.linear.gather [hbm4b:s10+s3], $0x40, $0x38;
	[tilespmem:$0x1F500] =	vst v63  }
0x26: {  	_ = 	snop  }
0x27: {  	[tilespmem:s23], [sflag:$0x8] =	stream.linear.gather [hbm4b:s8+s3], $0x40, $0x38;
	[tilespmem:$0x1F500] =	vst v63  }
0x28: {  	_ =	swait.ge [sflag:s24], $0x2000  }
0x29: {  	[sflag:s24] =	ssyncset.done $0x0  }
0x2a: {  	[sflag:s24] =	ssyncadd.s32 $0xFFFFE000  }
0x2b: {  	_ =	swait.ge [sflag:s25], $0x40  }
0x2c: {  	[sflag:s25] =	ssyncset.done $0x0  }
0x2d: {  	[sflag:s25] =	ssyncadd.s32 $0xFFFFFFC0  }
0x2e: {  	[spmem:s2] =	stream.indirect.scatter.add.f32 [tilespmem:s16], [sflag:$0x9], $0x80, s20, s15, $0xb8;
	[tilespmem:$0x1F500] =	vst v63  }
0x2f: {  	_ =	swait.ge [sflag:s26], $0x2000  }
0x30: {  	[sflag:s26] =	ssyncset.done $0x0  }
0x31: {  	[sflag:s26] =	ssyncadd.s32 $0xFFFFE000  }
0x32: {  	_ =	swait.ge [sflag:s28], $0x40  }
0x33: {  	[sflag:s28] =	ssyncset.done $0x0  }
0x34: {  	[sflag:s28] =	ssyncadd.s32 $0xFFFFFFC0  }
0x35: {  	[spmem:s2] =	stream.indirect.scatter.add.f32 [tilespmem:s17], [sflag:$0x9], $0x80, s21, s15, $0xb8;
	[tilespmem:$0x1F500] =	vst v63  }
0x36: {  	_ =	swait.ge [sflag:s29], $0x2000  }
0x37: {  	[sflag:s29] =	ssyncset.done $0x0  }
0x38: {  	[sflag:s29] =	ssyncadd.s32 $0xFFFFE000  }
0x39: {  	_ =	swait.ge [sflag:s30], $0x40  }
0x3a: {  	[sflag:s30] =	ssyncset.done $0x0  }
0x3b: {  	[sflag:s30] =	ssyncadd.s32 $0xFFFFFFC0  }
0x3c: {  	[spmem:s2] =	stream.indirect.scatter.add.f32 [tilespmem:s18], [sflag:$0x9], $0x80, s22, s15, $0xb8;
	[tilespmem:$0x1F500] =	vst v63  }
0x3d: {  	_ =	swait.ge [sflag:s31], $0x2000  }
0x3e: {  	[sflag:s31] =	ssyncset.done $0x0  }
0x3f: {  	[sflag:s31] =	ssyncadd.s32 $0xFFFFE000  }
0x40: {  	_ =	swait.ge [sflag:s0], $0x40  }
0x41: {  	[sflag:s0] =	ssyncset.done $0x0  }
0x42: {  	[sflag:s0] =	ssyncadd.s32 $0xFFFFFFC0  }
0x43: {  	[spmem:s2] =	stream.indirect.scatter.add.f32 [tilespmem:s19], [sflag:$0x9], $0x80, s23, s15, $0xb8;
	[tilespmem:$0x1F500] =	vst v63  }
0x44: {  	_ =	swait.ge [sflag:s1], $0x2000  }
0x45: {  	[sflag:s1] =	ssyncset.done $0x0  }
0x46: {  	[sflag:s1] =	ssyncadd.s32 $0xFFFFE000  }
0x47: {  	_ =	swait.ge [sflag:s1], $0x2000  }
0x48: {  	[sflag:s1] =	ssyncset.done $0x0  }
0x49: {  	[sflag:s1] =	ssyncadd.s32 $0xFFFFE000  }
0x4a: {  	_ =	swait.ge [sflag:s1], $0x2000  }
0x4b: {  	[sflag:s1] =	ssyncset.done $0x0  }
0x4c: {  	[sflag:s1] =	ssyncadd.s32 $0xFFFFE000  }
0x4d: {  	_ =	swait.ge [sflag:s1], $0x2000  }
0x4e: {  	[sflag:s1] =	ssyncset.done $0x0  }
0x4f: {  	[sflag:s1] =	ssyncadd.s32 $0xFFFFE000  }
.LBB2_8:
0x50: {  	[bflag:$0x0] =	sbarrier.arrive $0xFFFF  }
0x51: {  	s6 =	rddreg [dreg:$0x4]  }
0x52: {  	s5 =	rddreg [dreg:$0x7]  }
0x53: {  	[hbm:s5], [sflag:s6] =	dma.local [spmem:s13], $0x2780  }
0x54: {  	_ =	swait.ge [sflag:s14], $0x2780  }
0x55: {  	s7 =	sadd.s32 $0x1, s7;
	s10 =	rddreg [dreg:$0x8]  }
0x56: {  	p1 =	sne.s32 s7, s10  }
.Ltmp1:
0x57: {  	_ = 	snop;
	(pc) =	sbr.rel @!p1 .LBB2_9-.Ltmp1, $3  }
0x58: {  	_ =	sdelay $0x1  }
0x59: {  	[sflag:s14] =	ssyncset.done $0x0  }
0x5a: {  	[sflag:s14] =	ssyncadd.s32 $0xFFFFD880  }
.LBB2_1:
0x5b: {  	s5 =	rddreg [dreg:$0x3]  }
0x5c: {  	[spmem:s13], [sflag:s6] =	dma.local [hbm:s5], $0x2780  }
.Ltmp2:
0x5d: {  	_ =	swait.ge [sflag:s14], $0x2780;
	(pc) =	sbr.rel @p0 .LBB2_5-.Ltmp2, $4  }
0x5e: {  	[sflag:s14] =	ssyncset.done $0x0  }
0x5f: {  	[sflag:s14] =	ssyncadd.s32 $0xFFFFD880  }
0x60: {  	[bflag:$0x0] =	sbarrier.arrive $0xFFFF  }
0x61: {  	s5 =	simm.s32 $0x0  }
0x62: {  	s6 =	rddreg [dreg:$0x6]  }
0x63: {  	[tilespmem:s5], [sflag:$0xA] =	stream.linear.gather [hbm4b:s6+s5], $0x3800, $0x38;
	[tilespmem:$0x1F500] =	vst v63  }
0x64: {  	_ =	swait.ge [sflag:s14], $0x3800  }
0x65: {  	[sflag:s14] =	ssyncset.done $0x0  }
0x66: {  	s8 =	simm.s32 $0x0;
	[sflag:s14] =	ssyncadd.s32 $0xFFFFC800  }
0x67: {  	[tilespmem:s16], [sflag:$0x1] =	stream.indirect.gather [hbm4b:s4+s15], $0x80, s8, s15, $0xb8;
	[tilespmem:$0x1F500] =	vst v63  }
0x68: {  	s9 =	simm.s32 $0x40  }
0x69: {  	[tilespmem:s17], [sflag:$0x2] =	stream.indirect.gather [hbm4b:s4+s15], $0x80, s9, s15, $0xb8;
	[tilespmem:$0x1F500] =	vst v63  }
0x6a: {  	s10 =	simm.s32 $0x80  }
0x6b: {  	[tilespmem:s18], [sflag:$0x3] =	stream.indirect.gather [hbm4b:s4+s15], $0x80, s10, s15, $0xb8;
	[tilespmem:$0x1F500] =	vst v63  }
0x6c: {  	s6 =	simm.s32 $0xC0  }
0x6d: {  	[tilespmem:s19], [sflag:$0x4] =	stream.indirect.gather [hbm4b:s4+s15], $0x80, s6, s15, $0xb8;
	[tilespmem:$0x1F500] =	vst v63  }
0x6e: {  	s8 =	sadd.s32 $0xFFFFFFE8, s12  }
0x6f: {  	[tilespmem:s20], [sflag:$0x5] =	stream.linear.gather [hbm4b:s8+s3], $0x40, $0x38;
	[tilespmem:$0x1F500] =	vst v63  }
0x70: {  	s9 =	sadd.s32 $0xFFFFFFF0, s12  }
0x71: {  	[tilespmem:s21], [sflag:$0x6] =	stream.linear.gather [hbm4b:s9+s3], $0x40, $0x38;
	[tilespmem:$0x1F500] =	vst v63  }
0x72: {  	s10 =	sadd.s32 $0xFFFFFFF8, s12  }
0x73: {  	[tilespmem:s22], [sflag:$0x7] =	stream.linear.gather [hbm4b:s10+s3], $0x40, $0x38;
	[tilespmem:$0x1F500] =	vst v63  }
0x74: {  	_ = 	snop  }
0x75: {  	[tilespmem:s23], [sflag:$0x8] =	stream.linear.gather [hbm4b:s12+s3], $0x40, $0x38;
	[tilespmem:$0x1F500] =	vst v63  }
0x76: {  	_ =	swait.ge [sflag:s24], $0x2000  }
0x77: {  	[sflag:s24] =	ssyncset.done $0x0  }
0x78: {  	[sflag:s24] =	ssyncadd.s32 $0xFFFFE000  }
0x79: {  	_ =	swait.ge [sflag:s25], $0x40  }
0x7a: {  	[sflag:s25] =	ssyncset.done $0x0  }
0x7b: {  	[sflag:s25] =	ssyncadd.s32 $0xFFFFFFC0  }
0x7c: {  	[spmem:s2] =	stream.indirect.scatter.add.f32 [tilespmem:s16], [sflag:$0x9], $0x80, s20, s15, $0xb8;
	[tilespmem:$0x1F500] =	vst v63  }
0x7d: {  	_ =	swait.ge [sflag:s26], $0x2000  }
0x7e: {  	[sflag:s26] =	ssyncset.done $0x0  }
0x7f: {  	[sflag:s26] =	ssyncadd.s32 $0xFFFFE000  }
0x80: {  	_ =	swait.ge [sflag:s28], $0x40  }
0x81: {  	[sflag:s28] =	ssyncset.done $0x0  }
0x82: {  	[sflag:s28] =	ssyncadd.s32 $0xFFFFFFC0  }
0x83: {  	[spmem:s2] =	stream.indirect.scatter.add.f32 [tilespmem:s17], [sflag:$0x9], $0x80, s21, s15, $0xb8;
	[tilespmem:$0x1F500] =	vst v63  }
0x84: {  	_ =	swait.ge [sflag:s29], $0x2000  }
0x85: {  	[sflag:s29] =	ssyncset.done $0x0  }
0x86: {  	[sflag:s29] =	ssyncadd.s32 $0xFFFFE000  }
0x87: {  	_ =	swait.ge [sflag:s30], $0x40  }
0x88: {  	[sflag:s30] =	ssyncset.done $0x0  }
0x89: {  	[sflag:s30] =	ssyncadd.s32 $0xFFFFFFC0  }
0x8a: {  	[spmem:s2] =	stream.indirect.scatter.add.f32 [tilespmem:s18], [sflag:$0x9], $0x80, s22, s15, $0xb8;
	[tilespmem:$0x1F500] =	vst v63  }
0x8b: {  	_ =	swait.ge [sflag:s31], $0x2000  }
0x8c: {  	[sflag:s31] =	ssyncset.done $0x0  }
0x8d: {  	[sflag:s31] =	ssyncadd.s32 $0xFFFFE000  }
0x8e: {  	_ =	swait.ge [sflag:s0], $0x40  }
0x8f: {  	[sflag:s0] =	ssyncset.done $0x0  }
0x90: {  	[sflag:s0] =	ssyncadd.s32 $0xFFFFFFC0  }
0x91: {  	[spmem:s2] =	stream.indirect.scatter.add.f32 [tilespmem:s19], [sflag:$0x9], $0x80, s23, s15, $0xb8;
	[tilespmem:$0x1F500] =	vst v63  }
0x92: {  	_ =	swait.ge [sflag:s1], $0x2000  }
0x93: {  	[sflag:s1] =	ssyncset.done $0x0  }
0x94: {  	[sflag:s1] =	ssyncadd.s32 $0xFFFFE000  }
0x95: {  	_ =	swait.ge [sflag:s1], $0x2000  }
0x96: {  	[sflag:s1] =	ssyncset.done $0x0  }
0x97: {  	[sflag:s1] =	ssyncadd.s32 $0xFFFFE000  }
0x98: {  	_ =	swait.ge [sflag:s1], $0x2000  }
0x99: {  	[sflag:s1] =	ssyncset.done $0x0  }
0x9a: {  	[sflag:s1] =	ssyncadd.s32 $0xFFFFE000  }
0x9b: {  	s5 =	simm.s32 $0x400;
	_ =	swait.ge [sflag:s1], $0x2000  }
0x9c: {  	s8 =	sadd.s32 $0x20, s12;
	s9 =	simm.s32 $0x800;
	[sflag:s1] =	ssyncset.done $0x0  }
.LBB2_3:
0x9d: {  	s6 =	sshra.s32 s5, $0x2  }
0x9e: {  	[sflag:s1] =	ssyncadd.s32 $0xFFFFE000;
	s5 =	smov.u32 s9;
	s10 =	sadd.s32 $0x400, s9  }
0x9f: {  	[tilespmem:s16], [sflag:$0x1] =	stream.indirect.gather [hbm4b:s4+s15], $0x80, s6, s15, $0xb8;
	[tilespmem:$0x1F500] =	vst v63  }
0xa0: {  	p1 =	seq.s32 s9, $0xDC00;
	s9 =	sadd.s32 $0x40, s6  }
0xa1: {  	[tilespmem:s17], [sflag:$0x2] =	stream.indirect.gather [hbm4b:s4+s15], $0x80, s9, s15, $0xb8;
	[tilespmem:$0x1F500] =	vst v63  }
0xa2: {  	s9 =	sadd.s32 $0x80, s6  }
0xa3: {  	[tilespmem:s18], [sflag:$0x3] =	stream.indirect.gather [hbm4b:s4+s15], $0x80, s9, s15, $0xb8;
	[tilespmem:$0x1F500] =	vst v63  }
0xa4: {  	s6 =	sadd.s32 $0xC0, s6  }
0xa5: {  	[tilespmem:s19], [sflag:$0x4] =	stream.indirect.gather [hbm4b:s4+s15], $0x80, s6, s15, $0xb8;
	[tilespmem:$0x1F500] =	vst v63  }
0xa6: {  	s6 =	sadd.s32 $0xFFFFFFE8, s8  }
0xa7: {  	[tilespmem:s20], [sflag:$0x5] =	stream.linear.gather [hbm4b:s6+s3], $0x40, $0x38;
	[tilespmem:$0x1F500] =	vst v63  }
0xa8: {  	s6 =	sadd.s32 $0xFFFFFFF0, s8  }
0xa9: {  	[tilespmem:s21], [sflag:$0x6] =	stream.linear.gather [hbm4b:s6+s3], $0x40, $0x38;
	[tilespmem:$0x1F500] =	vst v63  }
0xaa: {  	s6 =	sadd.s32 $0xFFFFFFF8, s8  }
0xab: {  	[tilespmem:s22], [sflag:$0x7] =	stream.linear.gather [hbm4b:s6+s3], $0x40, $0x38;
	[tilespmem:$0x1F500] =	vst v63  }
0xac: {  	_ = 	snop  }
0xad: {  	[tilespmem:s23], [sflag:$0x8] =	stream.linear.gather [hbm4b:s8+s3], $0x40, $0x38;
	[tilespmem:$0x1F500] =	vst v63  }
0xae: {  	_ =	swait.ge [sflag:s24], $0x2000  }
0xaf: {  	[sflag:s24] =	ssyncset.done $0x0  }
0xb0: {  	[sflag:s24] =	ssyncadd.s32 $0xFFFFE000  }
0xb1: {  	_ =	swait.ge [sflag:s25], $0x40  }
0xb2: {  	[sflag:s25] =	ssyncset.done $0x0  }
0xb3: {  	[sflag:s25] =	ssyncadd.s32 $0xFFFFFFC0  }
0xb4: {  	[spmem:s2] =	stream.indirect.scatter.add.f32 [tilespmem:s16], [sflag:$0x9], $0x80, s20, s15, $0xb8;
	[tilespmem:$0x1F500] =	vst v63  }
0xb5: {  	_ =	swait.ge [sflag:s26], $0x2000  }
0xb6: {  	[sflag:s26] =	ssyncset.done $0x0  }
0xb7: {  	[sflag:s26] =	ssyncadd.s32 $0xFFFFE000  }
0xb8: {  	_ =	swait.ge [sflag:s28], $0x40  }
0xb9: {  	[sflag:s28] =	ssyncset.done $0x0  }
0xba: {  	[sflag:s28] =	ssyncadd.s32 $0xFFFFFFC0  }
0xbb: {  	[spmem:s2] =	stream.indirect.scatter.add.f32 [tilespmem:s17], [sflag:$0x9], $0x80, s21, s15, $0xb8;
	[tilespmem:$0x1F500] =	vst v63  }
0xbc: {  	_ =	swait.ge [sflag:s29], $0x2000  }
0xbd: {  	[sflag:s29] =	ssyncset.done $0x0  }
0xbe: {  	[sflag:s29] =	ssyncadd.s32 $0xFFFFE000  }
0xbf: {  	_ =	swait.ge [sflag:s30], $0x40  }
0xc0: {  	[sflag:s30] =	ssyncset.done $0x0  }
0xc1: {  	[sflag:s30] =	ssyncadd.s32 $0xFFFFFFC0  }
0xc2: {  	[spmem:s2] =	stream.indirect.scatter.add.f32 [tilespmem:s18], [sflag:$0x9], $0x80, s22, s15, $0xb8;
	[tilespmem:$0x1F500] =	vst v63  }
0xc3: {  	_ =	swait.ge [sflag:s31], $0x2000  }
0xc4: {  	[sflag:s31] =	ssyncset.done $0x0  }
0xc5: {  	[sflag:s31] =	ssyncadd.s32 $0xFFFFE000  }
0xc6: {  	_ =	swait.ge [sflag:s0], $0x40  }
0xc7: {  	[sflag:s0] =	ssyncset.done $0x0  }
0xc8: {  	[sflag:s0] =	ssyncadd.s32 $0xFFFFFFC0  }
0xc9: {  	[spmem:s2] =	stream.indirect.scatter.add.f32 [tilespmem:s19], [sflag:$0x9], $0x80, s23, s15, $0xb8;
	[tilespmem:$0x1F500] =	vst v63  }
0xca: {  	_ =	swait.ge [sflag:s1], $0x2000  }
0xcb: {  	[sflag:s1] =	ssyncset.done $0x0  }
0xcc: {  	[sflag:s1] =	ssyncadd.s32 $0xFFFFE000  }
0xcd: {  	_ =	swait.ge [sflag:s1], $0x2000  }
0xce: {  	[sflag:s1] =	ssyncset.done $0x0  }
0xcf: {  	[sflag:s1] =	ssyncadd.s32 $0xFFFFE000  }
.Ltmp3:
0xd0: {  	_ =	swait.ge [sflag:s1], $0x2000;
	(pc) =	sbr.rel @!p1 .LBB2_3-.Ltmp3, $4  }
0xd1: {  	[sflag:s1] =	ssyncset.done $0x0  }
0xd2: {  	[sflag:s1] =	ssyncadd.s32 $0xFFFFE000  }
0xd3: {  	_ =	swait.ge [sflag:s1], $0x2000  }
0xd4: {  	s9 =	smov.u32 s10;
	s8 =	sadd.s32 $0x20, s8;
	[sflag:s1] =	ssyncset.done $0x0  }
0xd5: {  	s5 =	sshra.s32 s5, $0x2;
	[sflag:s1] =	ssyncadd.s32 $0xFFFFE000  }
0xd6: {  	[tilespmem:s16], [sflag:$0x1] =	stream.indirect.gather [hbm4b:s4+s15], $0x80, s5, s15, $0xb8;
	[tilespmem:$0x1F500] =	vst v63  }
0xd7: {  	s6 =	sadd.s32 $0x40, s5  }
0xd8: {  	[tilespmem:s17], [sflag:$0x2] =	stream.indirect.gather [hbm4b:s4+s15], $0x80, s6, s15, $0xb8;
	[tilespmem:$0x1F500] =	vst v63  }
0xd9: {  	s10 =	sadd.s32 $0x80, s5  }
0xda: {  	[tilespmem:s18], [sflag:$0x3] =	stream.indirect.gather [hbm4b:s4+s15], $0x80, s10, s15, $0xb8;
	[tilespmem:$0x1F500] =	vst v63  }
0xdb: {  	s5 =	sadd.s32 $0xC0, s5  }
0xdc: {  	[tilespmem:s19], [sflag:$0x4] =	stream.indirect.gather [hbm4b:s4+s15], $0x80, s5, s15, $0xb8;
	[tilespmem:$0x1F500] =	vst v63  }
0xdd: {  	s6 =	sadd.s32 $0xFFFFFFE8, s8  }
0xde: {  	[tilespmem:s20], [sflag:$0x5] =	stream.linear.gather [hbm4b:s6+s3], $0x40, $0x38;
	[tilespmem:$0x1F500] =	vst v63  }
0xdf: {  	s9 =	sadd.s32 $0xFFFFFFF0, s8  }
0xe0: {  	[tilespmem:s21], [sflag:$0x6] =	stream.linear.gather [hbm4b:s9+s3], $0x40, $0x38;
	[tilespmem:$0x1F500] =	vst v63  }
0xe1: {  	s10 =	sadd.s32 $0xFFFFFFF8, s8  }
0xe2: {  	[tilespmem:s22], [sflag:$0x7] =	stream.linear.gather [hbm4b:s10+s3], $0x40, $0x38;
	[tilespmem:$0x1F500] =	vst v63  }
0xe3: {  	_ = 	snop  }
0xe4: {  	[tilespmem:s23], [sflag:$0x8] =	stream.linear.gather [hbm4b:s8+s3], $0x40, $0x38;
	[tilespmem:$0x1F500] =	vst v63  }
0xe5: {  	_ =	swait.ge [sflag:s24], $0x2000  }
0xe6: {  	[sflag:s24] =	ssyncset.done $0x0  }
0xe7: {  	[sflag:s24] =	ssyncadd.s32 $0xFFFFE000  }
0xe8: {  	_ =	swait.ge [sflag:s25], $0x40  }
0xe9: {  	[sflag:s25] =	ssyncset.done $0x0  }
0xea: {  	[sflag:s25] =	ssyncadd.s32 $0xFFFFFFC0  }
0xeb: {  	[spmem:s2] =	stream.indirect.scatter.add.f32 [tilespmem:s16], [sflag:$0x9], $0x80, s20, s15, $0xb8;
	[tilespmem:$0x1F500] =	vst v63  }
0xec: {  	_ =	swait.ge [sflag:s26], $0x2000  }
0xed: {  	[sflag:s26] =	ssyncset.done $0x0  }
0xee: {  	[sflag:s26] =	ssyncadd.s32 $0xFFFFE000  }
0xef: {  	_ =	swait.ge [sflag:s28], $0x40  }
0xf0: {  	[sflag:s28] =	ssyncset.done $0x0  }
0xf1: {  	[sflag:s28] =	ssyncadd.s32 $0xFFFFFFC0  }
0xf2: {  	[spmem:s2] =	stream.indirect.scatter.add.f32 [tilespmem:s17], [sflag:$0x9], $0x80, s21, s15, $0xb8;
	[tilespmem:$0x1F500] =	vst v63  }
0xf3: {  	_ =	swait.ge [sflag:s29], $0x2000  }
0xf4: {  	[sflag:s29] =	ssyncset.done $0x0  }
0xf5: {  	[sflag:s29] =	ssyncadd.s32 $0xFFFFE000  }
0xf6: {  	_ =	swait.ge [sflag:s30], $0x40  }
0xf7: {  	[sflag:s30] =	ssyncset.done $0x0  }
0xf8: {  	[sflag:s30] =	ssyncadd.s32 $0xFFFFFFC0  }
0xf9: {  	[spmem:s2] =	stream.indirect.scatter.add.f32 [tilespmem:s18], [sflag:$0x9], $0x80, s22, s15, $0xb8;
	[tilespmem:$0x1F500] =	vst v63  }
0xfa: {  	_ =	swait.ge [sflag:s31], $0x2000  }
0xfb: {  	[sflag:s31] =	ssyncset.done $0x0  }
0xfc: {  	[sflag:s31] =	ssyncadd.s32 $0xFFFFE000  }
0xfd: {  	_ =	swait.ge [sflag:s0], $0x40  }
0xfe: {  	[sflag:s0] =	ssyncset.done $0x0  }
0xff: {  	[sflag:s0] =	ssyncadd.s32 $0xFFFFFFC0  }
0x100: {  	[spmem:s2] =	stream.indirect.scatter.add.f32 [tilespmem:s19], [sflag:$0x9], $0x80, s23, s15, $0xb8;
	[tilespmem:$0x1F500] =	vst v63  }
0x101: {  	_ =	swait.ge [sflag:s1], $0x2000  }
0x102: {  	[sflag:s1] =	ssyncset.done $0x0  }
0x103: {  	[sflag:s1] =	ssyncadd.s32 $0xFFFFE000  }
0x104: {  	_ =	swait.ge [sflag:s1], $0x2000  }
0x105: {  	[sflag:s1] =	ssyncset.done $0x0  }
0x106: {  	[sflag:s1] =	ssyncadd.s32 $0xFFFFE000  }
0x107: {  	_ =	swait.ge [sflag:s1], $0x2000  }
.Ltmp4:
0x108: {  	[sflag:s1] =	ssyncset.done $0x0;
	(pc) =	sbr.rel .LBB2_8-.Ltmp4, $4  }
0x109: {  	[sflag:s1] =	ssyncadd.s32 $0xFFFFE000  }
0x10a: {  	_ =	swait.ge [sflag:s1], $0x2000  }
0x10b: {  	[sflag:s1] =	ssyncset.done $0x0  }
0x10c: {  	[sflag:s1] =	ssyncadd.s32 $0xFFFFE000  }
.LBB2_5:
0x10d: {  	s6 =	rddreg [dreg:$0x5]  }
0x10e: {  	[tilespmem:s5], [sflag:$0xA] =	stream.linear.gather [hbm4b:s6+s5], $0x1800, $0x38;
	[tilespmem:$0x1F500] =	vst v63  }
0x10f: {  	_ =	swait.ge [sflag:s14], $0x1800  }
0x110: {  	[sflag:s14] =	ssyncset.done $0x0  }
0x111: {  	s8 =	simm.s32 $0x0;
	[sflag:s14] =	ssyncadd.s32 $0xFFFFE800  }
0x112: {  	[tilespmem:s16], [sflag:$0x1] =	stream.indirect.gather [hbm4b:s4+s15], $0x80, s8, s15, $0xb8;
	[tilespmem:$0x1F500] =	vst v63  }
0x113: {  	s9 =	simm.s32 $0x40  }
0x114: {  	[tilespmem:s17], [sflag:$0x2] =	stream.indirect.gather [hbm4b:s4+s15], $0x80, s9, s15, $0xb8;
	[tilespmem:$0x1F500] =	vst v63  }
0x115: {  	s10 =	simm.s32 $0x80  }
0x116: {  	[tilespmem:s18], [sflag:$0x3] =	stream.indirect.gather [hbm4b:s4+s15], $0x80, s10, s15, $0xb8;
	[tilespmem:$0x1F500] =	vst v63  }
0x117: {  	s6 =	simm.s32 $0xC0  }
0x118: {  	[tilespmem:s19], [sflag:$0x4] =	stream.indirect.gather [hbm4b:s4+s15], $0x80, s6, s15, $0xb8;
	[tilespmem:$0x1F500] =	vst v63  }
0x119: {  	s8 =	sadd.s32 $0xFFFFFFE8, s11  }
0x11a: {  	[tilespmem:s20], [sflag:$0x5] =	stream.linear.gather [hbm4b:s8+s3], $0x40, $0x38;
	[tilespmem:$0x1F500] =	vst v63  }
0x11b: {  	s9 =	sadd.s32 $0xFFFFFFF0, s11  }
0x11c: {  	[tilespmem:s21], [sflag:$0x6] =	stream.linear.gather [hbm4b:s9+s3], $0x40, $0x38;
	[tilespmem:$0x1F500] =	vst v63  }
0x11d: {  	s10 =	sadd.s32 $0xFFFFFFF8, s11  }
0x11e: {  	[tilespmem:s22], [sflag:$0x7] =	stream.linear.gather [hbm4b:s10+s3], $0x40, $0x38;
	[tilespmem:$0x1F500] =	vst v63  }
0x11f: {  	_ = 	snop  }
0x120: {  	[tilespmem:s23], [sflag:$0x8] =	stream.linear.gather [hbm4b:s11+s3], $0x40, $0x38;
	[tilespmem:$0x1F500] =	vst v63  }
0x121: {  	_ =	swait.ge [sflag:s24], $0x2000  }
0x122: {  	[sflag:s24] =	ssyncset.done $0x0  }
0x123: {  	[sflag:s24] =	ssyncadd.s32 $0xFFFFE000  }
0x124: {  	_ =	swait.ge [sflag:s25], $0x40  }
0x125: {  	[sflag:s25] =	ssyncset.done $0x0  }
0x126: {  	[sflag:s25] =	ssyncadd.s32 $0xFFFFFFC0  }
0x127: {  	[spmem:s2] =	stream.indirect.scatter.add.f32 [tilespmem:s16], [sflag:$0x9], $0x80, s20, s15, $0xb8;
	[tilespmem:$0x1F500] =	vst v63  }
0x128: {  	_ =	swait.ge [sflag:s26], $0x2000  }
0x129: {  	[sflag:s26] =	ssyncset.done $0x0  }
0x12a: {  	[sflag:s26] =	ssyncadd.s32 $0xFFFFE000  }
0x12b: {  	_ =	swait.ge [sflag:s28], $0x40  }
0x12c: {  	[sflag:s28] =	ssyncset.done $0x0  }
0x12d: {  	[sflag:s28] =	ssyncadd.s32 $0xFFFFFFC0  }
0x12e: {  	[spmem:s2] =	stream.indirect.scatter.add.f32 [tilespmem:s17], [sflag:$0x9], $0x80, s21, s15, $0xb8;
	[tilespmem:$0x1F500] =	vst v63  }
0x12f: {  	_ =	swait.ge [sflag:s29], $0x2000  }
0x130: {  	[sflag:s29] =	ssyncset.done $0x0  }
0x131: {  	[sflag:s29] =	ssyncadd.s32 $0xFFFFE000  }
0x132: {  	_ =	swait.ge [sflag:s30], $0x40  }
0x133: {  	[sflag:s30] =	ssyncset.done $0x0  }
0x134: {  	[sflag:s30] =	ssyncadd.s32 $0xFFFFFFC0  }
0x135: {  	[spmem:s2] =	stream.indirect.scatter.add.f32 [tilespmem:s18], [sflag:$0x9], $0x80, s22, s15, $0xb8;
	[tilespmem:$0x1F500] =	vst v63  }
0x136: {  	_ =	swait.ge [sflag:s31], $0x2000  }
0x137: {  	[sflag:s31] =	ssyncset.done $0x0  }
0x138: {  	[sflag:s31] =	ssyncadd.s32 $0xFFFFE000  }
0x139: {  	_ =	swait.ge [sflag:s0], $0x40  }
0x13a: {  	[sflag:s0] =	ssyncset.done $0x0  }
0x13b: {  	[sflag:s0] =	ssyncadd.s32 $0xFFFFFFC0  }
0x13c: {  	[spmem:s2] =	stream.indirect.scatter.add.f32 [tilespmem:s19], [sflag:$0x9], $0x80, s23, s15, $0xb8;
	[tilespmem:$0x1F500] =	vst v63  }
0x13d: {  	_ =	swait.ge [sflag:s1], $0x2000  }
0x13e: {  	[sflag:s1] =	ssyncset.done $0x0  }
0x13f: {  	[sflag:s1] =	ssyncadd.s32 $0xFFFFE000  }
0x140: {  	_ =	swait.ge [sflag:s1], $0x2000  }
0x141: {  	[sflag:s1] =	ssyncset.done $0x0  }
0x142: {  	[sflag:s1] =	ssyncadd.s32 $0xFFFFE000  }
0x143: {  	_ =	swait.ge [sflag:s1], $0x2000  }
0x144: {  	[sflag:s1] =	ssyncset.done $0x0  }
0x145: {  	[sflag:s1] =	ssyncadd.s32 $0xFFFFE000  }
0x146: {  	s5 =	simm.s32 $0x400;
	_ =	swait.ge [sflag:s1], $0x2000  }
0x147: {  	s8 =	sadd.s32 $0x20, s11;
	s10 =	simm.s32 $0x800;
	[sflag:s1] =	ssyncset.done $0x0  }
.LBB2_6:
0x148: {  	s6 =	sshra.s32 s5, $0x2  }
0x149: {  	[sflag:s1] =	ssyncadd.s32 $0xFFFFE000;
	s5 =	smov.u32 s10;
	s9 =	sadd.s32 $0x400, s10  }
0x14a: {  	[tilespmem:s16], [sflag:$0x1] =	stream.indirect.gather [hbm4b:s4+s15], $0x80, s6, s15, $0xb8;
	[tilespmem:$0x1F500] =	vst v63  }
0x14b: {  	p1 =	sne.s32 s10, $0x5C00;
	s10 =	sadd.s32 $0x40, s6  }
0x14c: {  	[tilespmem:s17], [sflag:$0x2] =	stream.indirect.gather [hbm4b:s4+s15], $0x80, s10, s15, $0xb8;
	[tilespmem:$0x1F500] =	vst v63  }
0x14d: {  	s10 =	sadd.s32 $0x80, s6  }
0x14e: {  	[tilespmem:s18], [sflag:$0x3] =	stream.indirect.gather [hbm4b:s4+s15], $0x80, s10, s15, $0xb8;
	[tilespmem:$0x1F500] =	vst v63  }
0x14f: {  	s6 =	sadd.s32 $0xC0, s6  }
0x150: {  	[tilespmem:s19], [sflag:$0x4] =	stream.indirect.gather [hbm4b:s4+s15], $0x80, s6, s15, $0xb8;
	[tilespmem:$0x1F500] =	vst v63  }
0x151: {  	s6 =	sadd.s32 $0xFFFFFFE8, s8  }
0x152: {  	[tilespmem:s20], [sflag:$0x5] =	stream.linear.gather [hbm4b:s6+s3], $0x40, $0x38;
	[tilespmem:$0x1F500] =	vst v63  }
0x153: {  	s6 =	sadd.s32 $0xFFFFFFF0, s8  }
0x154: {  	[tilespmem:s21], [sflag:$0x6] =	stream.linear.gather [hbm4b:s6+s3], $0x40, $0x38;
	[tilespmem:$0x1F500] =	vst v63  }
0x155: {  	s6 =	sadd.s32 $0xFFFFFFF8, s8  }
0x156: {  	[tilespmem:s22], [sflag:$0x7] =	stream.linear.gather [hbm4b:s6+s3], $0x40, $0x38;
	[tilespmem:$0x1F500] =	vst v63  }
0x157: {  	_ = 	snop  }
0x158: {  	[tilespmem:s23], [sflag:$0x8] =	stream.linear.gather [hbm4b:s8+s3], $0x40, $0x38;
	[tilespmem:$0x1F500] =	vst v63  }
0x159: {  	_ =	swait.ge [sflag:s24], $0x2000  }
0x15a: {  	[sflag:s24] =	ssyncset.done $0x0  }
0x15b: {  	[sflag:s24] =	ssyncadd.s32 $0xFFFFE000  }
0x15c: {  	_ =	swait.ge [sflag:s25], $0x40  }
0x15d: {  	[sflag:s25] =	ssyncset.done $0x0  }
0x15e: {  	[sflag:s25] =	ssyncadd.s32 $0xFFFFFFC0  }
0x15f: {  	[spmem:s2] =	stream.indirect.scatter.add.f32 [tilespmem:s16], [sflag:$0x9], $0x80, s20, s15, $0xb8;
	[tilespmem:$0x1F500] =	vst v63  }
0x160: {  	_ =	swait.ge [sflag:s26], $0x2000  }
0x161: {  	[sflag:s26] =	ssyncset.done $0x0  }
0x162: {  	[sflag:s26] =	ssyncadd.s32 $0xFFFFE000  }
0x163: {  	_ =	swait.ge [sflag:s28], $0x40  }
0x164: {  	[sflag:s28] =	ssyncset.done $0x0  }
0x165: {  	[sflag:s28] =	ssyncadd.s32 $0xFFFFFFC0  }
0x166: {  	[spmem:s2] =	stream.indirect.scatter.add.f32 [tilespmem:s17], [sflag:$0x9], $0x80, s21, s15, $0xb8;
	[tilespmem:$0x1F500] =	vst v63  }
0x167: {  	_ =	swait.ge [sflag:s29], $0x2000  }
0x168: {  	[sflag:s29] =	ssyncset.done $0x0  }
0x169: {  	[sflag:s29] =	ssyncadd.s32 $0xFFFFE000  }
0x16a: {  	_ =	swait.ge [sflag:s30], $0x40  }
0x16b: {  	[sflag:s30] =	ssyncset.done $0x0  }
0x16c: {  	[sflag:s30] =	ssyncadd.s32 $0xFFFFFFC0  }
0x16d: {  	[spmem:s2] =	stream.indirect.scatter.add.f32 [tilespmem:s18], [sflag:$0x9], $0x80, s22, s15, $0xb8;
	[tilespmem:$0x1F500] =	vst v63  }
0x16e: {  	_ =	swait.ge [sflag:s31], $0x2000  }
0x16f: {  	[sflag:s31] =	ssyncset.done $0x0  }
0x170: {  	[sflag:s31] =	ssyncadd.s32 $0xFFFFE000  }
0x171: {  	_ =	swait.ge [sflag:s0], $0x40  }
0x172: {  	[sflag:s0] =	ssyncset.done $0x0  }
0x173: {  	[sflag:s0] =	ssyncadd.s32 $0xFFFFFFC0  }
0x174: {  	[spmem:s2] =	stream.indirect.scatter.add.f32 [tilespmem:s19], [sflag:$0x9], $0x80, s23, s15, $0xb8;
	[tilespmem:$0x1F500] =	vst v63  }
0x175: {  	_ =	swait.ge [sflag:s1], $0x2000  }
0x176: {  	[sflag:s1] =	ssyncset.done $0x0  }
0x177: {  	[sflag:s1] =	ssyncadd.s32 $0xFFFFE000  }
0x178: {  	_ =	swait.ge [sflag:s1], $0x2000  }
0x179: {  	[sflag:s1] =	ssyncset.done $0x0  }
0x17a: {  	[sflag:s1] =	ssyncadd.s32 $0xFFFFE000  }
.Ltmp5:
0x17b: {  	_ =	swait.ge [sflag:s1], $0x2000;
	(pc) =	sbr.rel @p1 .LBB2_6-.Ltmp5, $4  }
0x17c: {  	[sflag:s1] =	ssyncset.done $0x0  }
0x17d: {  	[sflag:s1] =	ssyncadd.s32 $0xFFFFE000  }
0x17e: {  	_ =	swait.ge [sflag:s1], $0x2000  }
0x17f: {  	s10 =	smov.u32 s9;
	s8 =	sadd.s32 $0x20, s8;
	[sflag:s1] =	ssyncset.done $0x0  }
.Ltmp6:
0x180: {  	_ = 	snop;
	(pc) =	sbr.rel .LBB2_7-.Ltmp6, $1  }
0x181: {  	_ =	sdelay $0x3  }
.LBB2_9:
0x182: {  	_ =	sfence.sel $0x180000  }
0x183: {  	[bflag:$0x0] =	sbarrier.arrive $0xFFFF  }
0x184: {  	_ =	strace $0x9000004A  }
0x185: {  	s0 =	stileid.u32;
	[bflag:$0x2] =	sbarrier.arrive $0xFFFF  }
0x186: {  	p0 =	sne.s32 s0, $0x0;
	s0 =	rddreg [dreg:$0x2]  }
0x187: {  	s0 =	sadd.s32 @!p0 $0x100000, s0  }
0x188: {  	[sflag:s0] =	ssyncadd.tile.s32 @!p0 $0x1;
	_ =	shalt  }
.Lfunc_end2:
_tile_overlayer_lowered:
.L_overlay_start_2:
0x189: {  	(tag) =	ssettag $0x2  }
0x18a: {  	s0 =	rddreg [dreg:$0x0];
	s2 =	stileid.u32  }
0x18b: {  	s1 =	rddreg [dreg:$0x1];
	p0 =	sne.s32 s2, $0x0  }
0x18c: {  	s3 =	rddreg [dreg:$0x2];
	[bflag:$0x3] =	sbarrier.arrive $0xFFFF;
	s2 =	simm.s32 @!p0 $0x1C0A  }
0x18d: {  	[timem:s3], [sflag:s2] =	dma.local @!p0 [hbm:s0], s1  }
0x18e: {  	s0 =	simm.s32 @!p0 $0xA  }
0x18f: {  	_ =	swait.ge @!p0 [sflag:s0], s1  }
0x190: {  	s1 =	ssub.s32 @!p0 $0x0, s1;
	[sflag:s0] =	ssyncset.done @!p0 $0x0  }
0x191: {  	[sflag:s0] =	ssyncadd.s32 @!p0 s1  }
0x192: {  	[bflag:$0x3] =	sbarrier.arrive $0xFFFF  }
0x193: {  	_ =	shalt  }

// kernel: kernel.14.cloned.1.call-start
scs
__scs_entry_jumppad:
0x0: {  	(pc) =	sbr.rel $0x88, $3  }
0x1: {  	(tag) =	ssettag $0x0;
	lr =	simm.s32 $0x1  }
0x2: {  	[smem:$0x3F97] =	sst lr;
	_ =	strace $0xD0000000  }
0x3: {  	_ = 	snop  }
0x4: {  	_ = 	snop  }
0x5: {  	_ = 	snop  }
0x6: {  	_ = 	snop  }
0x7: {  	_ = 	snop  }
__scs_overlays_trampoline_lowered:
0x8: {  	[smem:$0x3FA6] =	sst s0  }
0x9: {  	[smem:$0x3FA7] =	sst s1  }
0xa: {  	[smem:$0x3FA8] =	sst s2  }
0xb: {  	[smem:$0x3FA9] =	sst s3  }
0xc: {  	[smem:$0x3FAA] =	sst s4  }
0xd: {  	[smem:$0x3FAB] =	sst s5  }
0xe: {  	[smem:$0x3FAC] =	sst s6  }
0xf: {  	[smem:$0x3FAD] =	sst s7  }
0x10: {  	[smem:$0x3FAE] =	sst s8  }
0x11: {  	[smem:$0x3FAF] =	sst s9;
	s0 =	simm.s32 @!p0 $0x0  }
0x12: {  	s1 =	sld [smem:$0x3F95];
	s0 =	simm.s32 @p0 $0x1  }
0x13: {  	[smem:$0x3FB0] =	sst s0;
	s0 =	simm.s32 @!p1 $0x0  }
0x14: {  	s2 =	sld [smem:$0x3F94];
	s0 =	simm.s32 @p1 $0x1  }
0x15: {  	[smem:$0x3FB1] =	sst s0;
	s0 =	simm.s32 @!p2 $0x0  }
0x16: {  	s3 =	sld [smem:$0x3FDB];
	s0 =	simm.s32 @p2 $0x1  }
0x17: {  	s4 =	simm.s32 $0x1BF5;
	[smem:$0x3FB3] =	sst s0  }
0x18: {  	s0 =	sld [smem:$0x3F96];
	_ =	swait.ge [sflag:s4], $0x0  }
0x19: {  	s7 =	sld [smem:$0x3F97]  }
0x1a: {  	s8 =	sadd.s32 $0xFFFFE003, lr  }
0x1b: {  	s9 =	sadd.s32 $0xFFFFFEF7, lr;
	s5 =	simm.s32 $0xFFFFFFFF;
	p2 =	slt.u32 s8, $0xFFFFF086  }
0x1c: {  	p1 =	slt.u32 s9, $0xF7A;
	s5 =	simm.s32 @!p2 $0x0  }
0x1d: {  	s5 =	simm.s32 @p1 $0x1;
	p0 =	seq.s32 s7, s2  }
0x1e: {  	s7 =	smul.u32 @!p0 $0xF7A, s2;
	p2 =	seq.s32 @!p0 s5, $0x0  }
0x1f: {  	s9 =	smul.u32 $0xF7A, s1;
	s8 =	simm.s32 @!p0 $0x1BF5;
	p2 =	por !p2, p0  }
0x20: {  	[sflag:s8] =	ssyncset.s32 @!p0 $0xFFFFF086;
	s6 =	sadd.s32 @!p0 s3, s7;
	s7 =	simm.s32 @!p0 $0x108  }
0x21: {  	s3 =	sadd.s32 s3, s9;
	s6 =	sadd.s32 @!p0 $0x88, s6;
	s7 =	simm.s32 @p2 $0x1082  }
0x22: {  	[simem:s7], [sflag:s8] =	dma.local @!p0 [hbm:s6], $0xF7A  }
0x23: {  	s9 =	sor.u32 $0xD0000000, s2;
	s6 =	simm.s32 $0x108;
	_ =	swait.ge @!p0 [sflag:s8], $0x0  }
0x24: {  	s3 =	sadd.s32 $0x88, s3;
	s6 =	simm.s32 @!p1 $0x1082;
	[sflag:s4] =	ssyncset.s32 $0xFFFFF086  }
0x25: {  	[simem:s6], [sflag:s4] =	dma.local [hbm:s3], $0xF7A  }
0x26: {  	[smem:$0x3F97] =	sst s1;
	(tag) =	ssettag s2;
	_ =	strace s9  }
0x27: {  	s1 =	sld [smem:$0x3FA7]  }
0x28: {  	s2 =	sld [smem:$0x3FA8]  }
0x29: {  	s4 =	sld [smem:$0x3FAA]  }
0x2a: {  	p0 =	seq.s32 s5, $0x0;
	s5 =	sld [smem:$0x3FAB]  }
0x2b: {  	s6 =	sld [smem:$0x3FAC]  }
0x2c: {  	s7 =	sld [smem:$0x3FAD]  }
0x2d: {  	s3 =	simm.s32 $0x108;
	s8 =	sld [smem:$0x3FAE]  }
0x2e: {  	s3 =	simm.s32 @!p0 $0x1082;
	s9 =	sld [smem:$0x3FAF]  }
0x2f: {  	lr =	sadd.s32 s0, s3;
	s0 =	sld [smem:$0x3FA6]  }
0x30: {  	s3 =	sld [smem:$0x3FA9]  }
0x31: {  	[smem:$0x3FB2] =	sst s10  }
0x32: {  	s10 =	sld [smem:$0x3FB0];
	_ =	sdelay $0x3  }
0x33: {  	p0 =	seq.s32 s10, $0x1;
	s10 =	sld [smem:$0x3FB2];
	_ =	sdelay $0x3  }
0x34: {  	[smem:$0x3FB2] =	sst s10  }
0x35: {  	s10 =	sld [smem:$0x3FB1];
	_ =	sdelay $0x3  }
0x36: {  	p1 =	seq.s32 s10, $0x1;
	s10 =	sld [smem:$0x3FB2];
	_ =	sdelay $0x3  }
0x37: {  	[smem:$0x3FB2] =	sst s10  }
0x38: {  	s10 =	sld [smem:$0x3FB3]  }
0x39: {  	_ = 	snop;
	(pc) =	sbr.ind lr, $3  }
0x3a: {  	_ = 	snop  }
0x3b: {  	_ = 	snop  }
0x3c: {  	p2 =	seq.s32 s10, $0x1;
	s10 =	sld [smem:$0x3FB2]  }
0x3d: {  	_ =	shalt  }
0x3e: {  	_ =	shalt  }
0x3f: {  	_ =	shalt  }
0x40: {  	_ =	shalt  }
0x41: {  	_ =	shalt  }
0x42: {  	_ =	shalt  }
0x43: {  	_ =	shalt  }
0x44: {  	_ =	shalt  }
0x45: {  	_ =	shalt  }
0x46: {  	_ =	shalt  }
0x47: {  	_ =	shalt  }
0x48: {  	_ =	shalt  }
0x49: {  	_ =	shalt  }
0x4a: {  	_ =	shalt  }
0x4b: {  	_ =	shalt  }
0x4c: {  	_ =	shalt  }
0x4d: {  	_ =	shalt  }
0x4e: {  	_ =	shalt  }
0x4f: {  	_ =	shalt  }
0x50: {  	_ =	shalt  }
0x51: {  	_ =	shalt  }
0x52: {  	_ =	shalt  }
0x53: {  	_ =	shalt  }
0x54: {  	_ =	shalt  }
0x55: {  	_ =	shalt  }
0x56: {  	_ =	shalt  }
0x57: {  	_ =	shalt  }
0x58: {  	_ =	shalt  }
0x59: {  	_ =	shalt  }
0x5a: {  	_ =	shalt  }
0x5b: {  	_ =	shalt  }
0x5c: {  	_ =	shalt  }
0x5d: {  	_ =	shalt  }
0x5e: {  	_ =	shalt  }
0x5f: {  	_ =	shalt  }
0x60: {  	_ =	shalt  }
0x61: {  	_ =	shalt  }
0x62: {  	_ =	shalt  }
0x63: {  	_ =	shalt  }
0x64: {  	_ =	shalt  }
0x65: {  	_ =	shalt  }
0x66: {  	_ =	shalt  }
0x67: {  	_ =	shalt  }
0x68: {  	_ =	shalt  }
0x69: {  	_ =	shalt  }
0x6a: {  	_ =	shalt  }
0x6b: {  	_ =	shalt  }
0x6c: {  	_ =	shalt  }
0x6d: {  	_ =	shalt  }
0x6e: {  	_ =	shalt  }
0x6f: {  	_ =	shalt  }
0x70: {  	_ =	shalt  }
0x71: {  	_ =	shalt  }
0x72: {  	_ =	shalt  }
0x73: {  	_ =	shalt  }
0x74: {  	_ =	shalt  }
0x75: {  	_ =	shalt  }
0x76: {  	_ =	shalt  }
0x77: {  	_ =	shalt  }
0x78: {  	_ =	shalt  }
0x79: {  	_ =	shalt  }
0x7a: {  	_ =	shalt  }
0x7b: {  	_ =	shalt  }
0x7c: {  	_ =	shalt  }
0x7d: {  	_ =	shalt  }
0x7e: {  	_ =	shalt  }
0x7f: {  	_ =	shalt  }
0x80: {  	_ =	shalt  }
0x81: {  	_ =	shalt  }
0x82: {  	_ =	shalt  }
0x83: {  	_ =	shalt  }
0x84: {  	_ =	shalt  }
0x85: {  	_ =	shalt  }
0x86: {  	_ =	shalt  }
0x87: {  	_ =	shalt  }
.Lfunc_end0:
.L_simem_size_0:
called_computation.2_lowered:
.L_overlay_start_0:
0x88: {  	s2 =	sld [smem:$0x3FD9]  }
0x89: {  	s3 =	sld [smem:$0x3FFE];
	_ =	sdelay $0x1  }
0x8a: {  	s1 =	srdreg.scid  }
0x8b: {  	s0 =	sand.u32 $0x1, s1  }
0x8c: {  	s17 =	sshll.u32 s0, $0xA;
	s2 =	sadd.s32 s3, s2  }
0x8d: {  	s2 =	sadd.s32 s2, s17  }
0x8e: {  	[smem:$0x3FBE] =	sst s2  }
0x8f: {  	_ = 	snop  }
0x90: {  	s2 =	sld [smem:$0x3FD0];
	(tm) =	ssettm $0x1  }
0x91: {  	s18 =	sld [smem:$0x3FFB];
	_ =	sdelay $0x3  }
0x92: {  	_ =	strace s18  }
0x93: {  	s3 =	sld [smem:$0x3FFC];
	_ =	sdelay $0x3  }
0x94: {  	_ =	strace s3  }
0x95: {  	s3 =	sld [smem:$0x3FFD];
	_ =	sdelay $0x3  }
0x96: {  	_ =	strace s3  }
0x97: {  	_ =	strace $0x8FFFFFFF  }
0x98: {  	s19 =	sld [smem:$0x3FDB];
	_ =	sdelay $0x1  }
0x99: {  	s4 =	simm.s32 $_scs_section_size  }
0x9a: {  	s5 =	simm.s32 $_size__tile_overlayer_lowered;
	s6 =	simm.s32 $_tile_overlayer_lowered  }
0x9b: {  	s22 =	simm.s32 $0x1BFF;
	s21 =	sshll.u32 s6, $0x1;
	s3 =	sadd.s32 s4, s19  }
0x9c: {  	s7 =	simm.s32 $0x0;
	s20 =	sshll.u32 s5, $0x1;
	s5 =	sadd.s32 s21, s3  }
0x9d: {  	[timem:s7], [sflag:s22] =	dma.local [hbm:s5], s20  }
0x9e: {  	_ =	swait.ge [sflag:s22], s20  }
0x9f: {  	s4 =	ssub.s32 $0x0, s20;
	[sflag:s22] =	ssyncset.done $0x0  }
0xa0: {  	[sflag:s22] =	ssyncadd.s32 s4;
	_ =	sdelay $0x1  }
0xa1: {  	s23 =	simm.s32 $0x1B8B  }
0xa2: {  	_ =	swait.ge [sflag:s23], $0x1  }
0xa3: {  	[sflag:s23] =	ssyncset.done $0x0  }
0xa4: {  	s25 =	simm.s32 $0x1B8E;
	s24 =	sld [smem:$0x3FFE];
	[sflag:s23] =	ssyncadd.s32 $0xFFFFFFFF  }
0xa5: {  	s26 =	simm.s32 $execute0_lowered;
	[smem:$0x3FD2] =	sst s25  }
0xa6: {  	s5 =	sshll.u32 s26, $0x1;
	_ =	strace $0x8000004C;
	[dreg:$0x1] =	wrdreg $0xFFFFFFFF  }
0xa7: {  	s28 =	simm.s32 $_size_execute0_lowered;
	s3 =	sadd.s32 s3, s5;
	[dreg:$0x0] =	wrdreg $0x0  }
0xa8: {  	s5 =	sshll.u32 s28, $0x1;
	[dreg:$0x2] =	wrdreg s3  }
0xa9: {  	[dreg:$0x3] =	wrdreg s5  }
0xaa: {  	[dreg:$0x4] =	wrdreg $0xC0  }
0xab: {  	_ =	task [dreg:s7], $0x5FFFF  }
0xac: {  	[dreg:$0x1] =	wrdreg $0xFFFFFFFF  }
0xad: {  	[dreg:$0x0] =	wrdreg $0x60  }
0xae: {  	[dreg:$0x2] =	wrdreg s2  }
0xaf: {  	[dreg:$0x3] =	wrdreg s24  }
0xb0: {  	[dreg:$0x4] =	wrdreg $0xBA000  }
0xb1: {  	[dreg:$0x5] =	wrdreg $0x9  }
0xb2: {  	_ =	task.clear_ibuf [dreg:s7], $0x6FFFF;
	_ =	strace $0x9000004C  }
0xb3: {  	s29 =	simm.s32 $0x9;
	_ =	strace $0x8000004E  }
0xb4: {  	_ =	swait.ge [sflag:s29], $0x1  }
0xb5: {  	[sflag:s29] =	ssyncadd.s32 $0xFFFFFFFF  }
0xb6: {  	_ =	strace $0x9000004E  }
0xb7: {  	_ =	sfence  }
0xb8: {  	s30 =	sld [smem:$0x0];
	_ =	sdelay $0x2  }
0xb9: {  	s31 =	sshll.u32 s1, $0xD;
	s1 =	sshrl.u32 s1, $0x2  }
0xba: {  	s3 =	sand.u32 $0x4000, s31;
	s1 =	sadd.s32 s1, s30  }
0xbb: {  	s0 =	sor.u32 s3, s0;
	s1 =	sshll.u32 s1, $0x11  }
0xbc: {  	s0 =	sor.u32 s1, s0  }
0xbd: {  	s0 =	sadd.s32 $0x8F2B, s0  }
0xbe: {  	[sflag:s0] =	ssyncadd.remote.s32 $0x1  }
0xbf: {  	_ =	sfence.sel $0xFFFF  }
0xc0: {  	[dreg:$0x0] =	wrdreg $0xFFFFFFFF;
	(pc) =	sbr.abs _section_cstart, $3  }
0xc1: {  	[dreg:$0x1] =	wrdreg $0xFFFFFFFF  }
0xc2: {  	_ =	task.clear_ibuf [dreg:s7], $0x2FFFF;
	_ =	strace $0x9FFFFFFF  }
0xc3: {  	(tm) =	ssettm $0x7FFFFFFF  }
tec
execute0_lowered:
.L_overlay_start_1:
0x0: {  	(tag) =	ssettag $0x1  }
0x1: {  	s2 =	rddreg [dreg:$0x0]  }
0x2: {  	s0 =	rddreg [dreg:$0x1]  }
0x3: {  	s3 =	rddreg [dreg:$0x2]  }
0x4: {  	s12 =	stileid.u32;
	s1 =	srdreg.scid  }
0x5: {  	s4 =	simm.s32 $0x0;
	s14 =	simm.s32 $0xA;
	s15 =	simm.s32 $0x80  }
0x6: {  	s16 =	simm.s32 $0x3A00;
	s17 =	simm.s32 $0x5A00;
	s18 =	simm.s32 $0x7A00  }
0x7: {  	s19 =	simm.s32 $0x9A00;
	s20 =	simm.s32 $0x3800;
	s28 =	simm.s32 $0x6  }
0x8: {  	s29 =	simm.s32 $0x3;
	s30 =	simm.s32 $0x7;
	s5 =	smul.u32 $0x9E00, s12  }
0x9: {  	s31 =	simm.s32 $0x4;
	s1 =	sand.u32 $0x1, s1;
	s21 =	smul.u32 $0x300, s12  }
0xa: {  	[smem:$0x7FF] =	sst s4;
	s22 =	sshll.u32 s12, $0x6;
	s12 =	smul.u32 $0x700, s12  }
0xb: {  	s7 =	sadd.s32 $0x11A00, s0;
	s8 =	sadd.s32 $0x2800, s0;
	s6 =	smul.u32 $0x9E000, s1  }
0xc: {  	_ =	strace $0x8000004D;
	s10 =	ssub.s32 $0x2, s1;
	p0 =	sne.s32 s1, $0x0  }
0xd: {  	s1 =	simm.s32 $0x9;
	s9 =	sshrl.u32 s5, $0x3;
	s11 =	sshrl.u32 s10, $0x1  }
0xe: {  	s23 =	sadd.s32 s7, s21;
	s7 =	sadd.s32 s7, s12;
	s25 =	sadd.s32 s21, s8  }
0xf: {  	s26 =	sadd.s32 s12, s8;
	s21 =	simm.s32 $0x3880;
	s6 =	sadd.s32 s5, s6  }
0x10: {  	s9 =	sadd.s32 s9, s0;
	s10 =	ssub.s32 s10, s11;
	s5 =	sadd.s32 s5, s3  }
0x11: {  	[dreg:$0x7] =	wrdreg s7;
	s11 =	sadd.s32 $0x7030, s25;
	s12 =	sadd.s32 $0x30, s26  }
0x12: {  	s25 =	simm.s32 $0x5;
	s26 =	simm.s32 $0x2;
	s7 =	simm.s32 $0x0  }
0x13: {  	s6 =	sshrl.u32 s6, $0x3;
	s9 =	sadd.s32 $0x1BA00, s9;
	s24 =	smax.u32 s10, $0x1  }
.Ltmp0:
0x14: {  	s13 =	sshrl.u32 s5, $0x3;
	[dreg:$0x4] =	wrdreg s9;
	(pc) =	sbr.rel .LBB2_1-.Ltmp0, $4  }
0x15: {  	s0 =	sadd.s32 s6, s0;
	s9 =	sadd.s32 $0x7000, s23;
	[dreg:$0x9] =	wrdreg s24  }
0x16: {  	s6 =	sor.u32 $0x1C0A, s22;
	s22 =	simm.s32 $0x3900;
	[dreg:$0x6] =	wrdreg s9  }
0x17: {  	s23 =	simm.s32 $0x3980;
	s0 =	sadd.s32 $0x2F600, s0;
	[dreg:$0x5] =	wrdreg s6  }
0x18: {  	s24 =	simm.s32 $0x1;
	[dreg:$0x8] =	wrdreg s0;
	s0 =	simm.s32 $0x8  }
.LBB2_7:
0x19: {  	s5 =	sshra.s32 s5, $0x2;
	[sflag:s1] =	ssyncadd.s32 $0xFFFFE000  }
0x1a: {  	[tilespmem:s16], [sflag:$0x1] =	stream.indirect.gather [hbm4b:s2+s15], $0x40, s5, s15, $0xb8;
	[tilespmem:$0x15800] =	vst v63  }
0x1b: {  	s6 =	sadd.s32 $0x80, s5  }
0x1c: {  	[tilespmem:s17], [sflag:$0x2] =	stream.indirect.gather [hbm4b:s2+s15], $0x40, s6, s15, $0xb8;
	[tilespmem:$0x15800] =	vst v63  }
0x1d: {  	s10 =	sadd.s32 $0x100, s5  }
0x1e: {  	[tilespmem:s18], [sflag:$0x3] =	stream.indirect.gather [hbm4b:s2+s15], $0x40, s10, s15, $0xb8;
	[tilespmem:$0x15800] =	vst v63  }
0x1f: {  	s5 =	sadd.s32 $0x180, s5  }
0x20: {  	[tilespmem:s19], [sflag:$0x4] =	stream.indirect.gather [hbm4b:s2+s15], $0x40, s5, s15, $0xb8;
	[tilespmem:$0x15800] =	vst v63  }
0x21: {  	s6 =	sadd.s32 $0xFFFFFFD0, s8  }
0x22: {  	[tilespmem:s20], [sflag:$0x5] =	stream.linear.gather [hbm4b:s6+s4], $0x80, $0x38;
	[tilespmem:$0x15800] =	vst v63  }
0x23: {  	s9 =	sadd.s32 $0xFFFFFFE0, s8  }
0x24: {  	[tilespmem:s21], [sflag:$0x6] =	stream.linear.gather [hbm4b:s9+s4], $0x80, $0x38;
	[tilespmem:$0x15800] =	vst v63  }
0x25: {  	s10 =	sadd.s32 $0xFFFFFFF0, s8  }
0x26: {  	[tilespmem:s22], [sflag:$0x7] =	stream.linear.gather [hbm4b:s10+s4], $0x80, $0x38;
	[tilespmem:$0x15800] =	vst v63  }
0x27: {  	_ = 	snop  }
0x28: {  	[tilespmem:s23], [sflag:$0x8] =	stream.linear.gather [hbm4b:s8+s4], $0x80, $0x38;
	[tilespmem:$0x15800] =	vst v63  }
0x29: {  	_ =	swait.ge [sflag:s24], $0x2000  }
0x2a: {  	[sflag:s24] =	ssyncset.done $0x0  }
0x2b: {  	[sflag:s24] =	ssyncadd.s32 $0xFFFFE000  }
0x2c: {  	_ =	swait.ge [sflag:s25], $0x80  }
0x2d: {  	[sflag:s25] =	ssyncset.done $0x0  }
0x2e: {  	[sflag:s25] =	ssyncadd.s32 $0xFFFFFF80  }
0x2f: {  	[spmem:s3] =	stream.indirect.scatter.add.f32 [tilespmem:s16], [sflag:$0x9], $0x40, s20, s15, $0xb8;
	[tilespmem:$0x15800] =	vst v63  }
0x30: {  	_ =	swait.ge [sflag:s26], $0x2000  }
0x31: {  	[sflag:s26] =	ssyncset.done $0x0  }
0x32: {  	[sflag:s26] =	ssyncadd.s32 $0xFFFFE000  }
0x33: {  	_ =	swait.ge [sflag:s28], $0x80  }
0x34: {  	[sflag:s28] =	ssyncset.done $0x0  }
0x35: {  	[sflag:s28] =	ssyncadd.s32 $0xFFFFFF80  }
0x36: {  	[spmem:s3] =	stream.indirect.scatter.add.f32 [tilespmem:s17], [sflag:$0x9], $0x40, s21, s15, $0xb8;
	[tilespmem:$0x15800] =	vst v63  }
0x37: {  	_ =	swait.ge [sflag:s29], $0x2000  }
0x38: {  	[sflag:s29] =	ssyncset.done $0x0  }
0x39: {  	[sflag:s29] =	ssyncadd.s32 $0xFFFFE000  }
0x3a: {  	_ =	swait.ge [sflag:s30], $0x80  }
0x3b: {  	[sflag:s30] =	ssyncset.done $0x0  }
0x3c: {  	[sflag:s30] =	ssyncadd.s32 $0xFFFFFF80  }
0x3d: {  	[spmem:s3] =	stream.indirect.scatter.add.f32 [tilespmem:s18], [sflag:$0x9], $0x40, s22, s15, $0xb8;
	[tilespmem:$0x15800] =	vst v63  }
0x3e: {  	_ =	swait.ge [sflag:s31], $0x2000  }
0x3f: {  	[sflag:s31] =	ssyncset.done $0x0  }
0x40: {  	[sflag:s31] =	ssyncadd.s32 $0xFFFFE000  }
0x41: {  	_ =	swait.ge [sflag:s0], $0x80  }
0x42: {  	[sflag:s0] =	ssyncset.done $0x0  }
0x43: {  	[sflag:s0] =	ssyncadd.s32 $0xFFFFFF80  }
0x44: {  	[spmem:s3] =	stream.indirect.scatter.add.f32 [tilespmem:s19], [sflag:$0x9], $0x40, s23, s15, $0xb8;
	[tilespmem:$0x15800] =	vst v63  }
0x45: {  	_ =	swait.ge [sflag:s1], $0x2000  }
0x46: {  	[sflag:s1] =	ssyncset.done $0x0  }
0x47: {  	[sflag:s1] =	ssyncadd.s32 $0xFFFFE000  }
0x48: {  	_ =	swait.ge [sflag:s1], $0x2000  }
0x49: {  	[sflag:s1] =	ssyncset.done $0x0  }
0x4a: {  	[sflag:s1] =	ssyncadd.s32 $0xFFFFE000  }
0x4b: {  	_ =	swait.ge [sflag:s1], $0x2000  }
0x4c: {  	[sflag:s1] =	ssyncset.done $0x0  }
0x4d: {  	[sflag:s1] =	ssyncadd.s32 $0xFFFFE000  }
0x4e: {  	_ =	swait.ge [sflag:s1], $0x2000  }
0x4f: {  	[sflag:s1] =	ssyncset.done $0x0  }
0x50: {  	[sflag:s1] =	ssyncadd.s32 $0xFFFFE000  }
.LBB2_8:
0x51: {  	[bflag:$0x0] =	sbarrier.arrive $0xFFFF  }
0x52: {  	s6 =	rddreg [dreg:$0x5]  }
0x53: {  	s5 =	rddreg [dreg:$0x8]  }
0x54: {  	[hbm:s5], [sflag:s6] =	dma.local [spmem:s13], $0x13C0  }
0x55: {  	_ =	swait.ge [sflag:s14], $0x13C0  }
0x56: {  	s7 =	sadd.s32 $0x1, s7;
	s10 =	rddreg [dreg:$0x9]  }
0x57: {  	p1 =	sne.s32 s7, s10  }
.Ltmp1:
0x58: {  	_ = 	snop;
	(pc) =	sbr.rel @!p1 .LBB2_9-.Ltmp1, $3  }
0x59: {  	_ =	sdelay $0x1  }
0x5a: {  	[sflag:s14] =	ssyncset.done $0x0  }
0x5b: {  	[sflag:s14] =	ssyncadd.s32 $0xFFFFEC40  }
.LBB2_1:
0x5c: {  	s5 =	rddreg [dreg:$0x4]  }
0x5d: {  	[spmem:s13], [sflag:s6] =	dma.local [hbm:s5], $0x13C0  }
.Ltmp2:
0x5e: {  	_ =	swait.ge [sflag:s14], $0x13C0;
	(pc) =	sbr.rel @p0 .LBB2_5-.Ltmp2, $4  }
0x5f: {  	[sflag:s14] =	ssyncset.done $0x0  }
0x60: {  	[sflag:s14] =	ssyncadd.s32 $0xFFFFEC40  }
0x61: {  	[bflag:$0x0] =	sbarrier.arrive $0xFFFF  }
0x62: {  	s5 =	simm.s32 $0x0  }
0x63: {  	s6 =	rddreg [dreg:$0x7]  }
0x64: {  	[tilespmem:s5], [sflag:$0xA] =	stream.linear.gather [hbm4b:s6+s5], $0x3800, $0x38;
	[tilespmem:$0x15800] =	vst v63  }
0x65: {  	_ =	swait.ge [sflag:s14], $0x3800  }
0x66: {  	[sflag:s14] =	ssyncset.done $0x0  }
0x67: {  	s8 =	simm.s32 $0x0;
	[sflag:s14] =	ssyncadd.s32 $0xFFFFC800  }
0x68: {  	[tilespmem:s16], [sflag:$0x1] =	stream.indirect.gather [hbm4b:s2+s15], $0x40, s8, s15, $0xb8;
	[tilespmem:$0x15800] =	vst v63  }
0x69: {  	s9 =	simm.s32 $0x80  }
0x6a: {  	[tilespmem:s17], [sflag:$0x2] =	stream.indirect.gather [hbm4b:s2+s15], $0x40, s9, s15, $0xb8;
	[tilespmem:$0x15800] =	vst v63  }
0x6b: {  	s10 =	simm.s32 $0x100  }
0x6c: {  	[tilespmem:s18], [sflag:$0x3] =	stream.indirect.gather [hbm4b:s2+s15], $0x40, s10, s15, $0xb8;
	[tilespmem:$0x15800] =	vst v63  }
0x6d: {  	s6 =	simm.s32 $0x180  }
0x6e: {  	[tilespmem:s19], [sflag:$0x4] =	stream.indirect.gather [hbm4b:s2+s15], $0x40, s6, s15, $0xb8;
	[tilespmem:$0x15800] =	vst v63  }
0x6f: {  	s8 =	sadd.s32 $0xFFFFFFD0, s12  }
0x70: {  	[tilespmem:s20], [sflag:$0x5] =	stream.linear.gather [hbm4b:s8+s4], $0x80, $0x38;
	[tilespmem:$0x15800] =	vst v63  }
0x71: {  	s9 =	sadd.s32 $0xFFFFFFE0, s12  }
0x72: {  	[tilespmem:s21], [sflag:$0x6] =	stream.linear.gather [hbm4b:s9+s4], $0x80, $0x38;
	[tilespmem:$0x15800] =	vst v63  }
0x73: {  	s10 =	sadd.s32 $0xFFFFFFF0, s12  }
0x74: {  	[tilespmem:s22], [sflag:$0x7] =	stream.linear.gather [hbm4b:s10+s4], $0x80, $0x38;
	[tilespmem:$0x15800] =	vst v63  }
0x75: {  	_ = 	snop  }
0x76: {  	[tilespmem:s23], [sflag:$0x8] =	stream.linear.gather [hbm4b:s12+s4], $0x80, $0x38;
	[tilespmem:$0x15800] =	vst v63  }
0x77: {  	_ =	swait.ge [sflag:s24], $0x2000  }
0x78: {  	[sflag:s24] =	ssyncset.done $0x0  }
0x79: {  	[sflag:s24] =	ssyncadd.s32 $0xFFFFE000  }
0x7a: {  	_ =	swait.ge [sflag:s25], $0x80  }
0x7b: {  	[sflag:s25] =	ssyncset.done $0x0  }
0x7c: {  	[sflag:s25] =	ssyncadd.s32 $0xFFFFFF80  }
0x7d: {  	[spmem:s3] =	stream.indirect.scatter.add.f32 [tilespmem:s16], [sflag:$0x9], $0x40, s20, s15, $0xb8;
	[tilespmem:$0x15800] =	vst v63  }
0x7e: {  	_ =	swait.ge [sflag:s26], $0x2000  }
0x7f: {  	[sflag:s26] =	ssyncset.done $0x0  }
0x80: {  	[sflag:s26] =	ssyncadd.s32 $0xFFFFE000  }
0x81: {  	_ =	swait.ge [sflag:s28], $0x80  }
0x82: {  	[sflag:s28] =	ssyncset.done $0x0  }
0x83: {  	[sflag:s28] =	ssyncadd.s32 $0xFFFFFF80  }
0x84: {  	[spmem:s3] =	stream.indirect.scatter.add.f32 [tilespmem:s17], [sflag:$0x9], $0x40, s21, s15, $0xb8;
	[tilespmem:$0x15800] =	vst v63  }
0x85: {  	_ =	swait.ge [sflag:s29], $0x2000  }
0x86: {  	[sflag:s29] =	ssyncset.done $0x0  }
0x87: {  	[sflag:s29] =	ssyncadd.s32 $0xFFFFE000  }
0x88: {  	_ =	swait.ge [sflag:s30], $0x80  }
0x89: {  	[sflag:s30] =	ssyncset.done $0x0  }
0x8a: {  	[sflag:s30] =	ssyncadd.s32 $0xFFFFFF80  }
0x8b: {  	[spmem:s3] =	stream.indirect.scatter.add.f32 [tilespmem:s18], [sflag:$0x9], $0x40, s22, s15, $0xb8;
	[tilespmem:$0x15800] =	vst v63  }
0x8c: {  	_ =	swait.ge [sflag:s31], $0x2000  }
0x8d: {  	[sflag:s31] =	ssyncset.done $0x0  }
0x8e: {  	[sflag:s31] =	ssyncadd.s32 $0xFFFFE000  }
0x8f: {  	_ =	swait.ge [sflag:s0], $0x80  }
0x90: {  	[sflag:s0] =	ssyncset.done $0x0  }
0x91: {  	[sflag:s0] =	ssyncadd.s32 $0xFFFFFF80  }
0x92: {  	[spmem:s3] =	stream.indirect.scatter.add.f32 [tilespmem:s19], [sflag:$0x9], $0x40, s23, s15, $0xb8;
	[tilespmem:$0x15800] =	vst v63  }
0x93: {  	_ =	swait.ge [sflag:s1], $0x2000  }
0x94: {  	[sflag:s1] =	ssyncset.done $0x0  }
0x95: {  	[sflag:s1] =	ssyncadd.s32 $0xFFFFE000  }
0x96: {  	_ =	swait.ge [sflag:s1], $0x2000  }
0x97: {  	[sflag:s1] =	ssyncset.done $0x0  }
0x98: {  	[sflag:s1] =	ssyncadd.s32 $0xFFFFE000  }
0x99: {  	_ =	swait.ge [sflag:s1], $0x2000  }
0x9a: {  	[sflag:s1] =	ssyncset.done $0x0  }
0x9b: {  	[sflag:s1] =	ssyncadd.s32 $0xFFFFE000  }
0x9c: {  	s5 =	simm.s32 $0x800;
	_ =	swait.ge [sflag:s1], $0x2000  }
0x9d: {  	s8 =	sadd.s32 $0x40, s12;
	s9 =	simm.s32 $0x1000;
	[sflag:s1] =	ssyncset.done $0x0  }
.LBB2_3:
0x9e: {  	s6 =	sshra.s32 s5, $0x2  }
0x9f: {  	[sflag:s1] =	ssyncadd.s32 $0xFFFFE000;
	s5 =	smov.u32 s9;
	s10 =	sadd.s32 $0x800, s9  }
0xa0: {  	[tilespmem:s16], [sflag:$0x1] =	stream.indirect.gather [hbm4b:s2+s15], $0x40, s6, s15, $0xb8;
	[tilespmem:$0x15800] =	vst v63  }
0xa1: {  	p1 =	seq.s32 s9, $0xD800;
	s9 =	sadd.s32 $0x80, s6  }
0xa2: {  	[tilespmem:s17], [sflag:$0x2] =	stream.indirect.gather [hbm4b:s2+s15], $0x40, s9, s15, $0xb8;
	[tilespmem:$0x15800] =	vst v63  }
0xa3: {  	s9 =	sadd.s32 $0x100, s6  }
0xa4: {  	[tilespmem:s18], [sflag:$0x3] =	stream.indirect.gather [hbm4b:s2+s15], $0x40, s9, s15, $0xb8;
	[tilespmem:$0x15800] =	vst v63  }
0xa5: {  	s6 =	sadd.s32 $0x180, s6  }
0xa6: {  	[tilespmem:s19], [sflag:$0x4] =	stream.indirect.gather [hbm4b:s2+s15], $0x40, s6, s15, $0xb8;
	[tilespmem:$0x15800] =	vst v63  }
0xa7: {  	s6 =	sadd.s32 $0xFFFFFFD0, s8  }
0xa8: {  	[tilespmem:s20], [sflag:$0x5] =	stream.linear.gather [hbm4b:s6+s4], $0x80, $0x38;
	[tilespmem:$0x15800] =	vst v63  }
0xa9: {  	s6 =	sadd.s32 $0xFFFFFFE0, s8  }
0xaa: {  	[tilespmem:s21], [sflag:$0x6] =	stream.linear.gather [hbm4b:s6+s4], $0x80, $0x38;
	[tilespmem:$0x15800] =	vst v63  }
0xab: {  	s6 =	sadd.s32 $0xFFFFFFF0, s8  }
0xac: {  	[tilespmem:s22], [sflag:$0x7] =	stream.linear.gather [hbm4b:s6+s4], $0x80, $0x38;
	[tilespmem:$0x15800] =	vst v63  }
0xad: {  	_ = 	snop  }
0xae: {  	[tilespmem:s23], [sflag:$0x8] =	stream.linear.gather [hbm4b:s8+s4], $0x80, $0x38;
	[tilespmem:$0x15800] =	vst v63  }
0xaf: {  	_ =	swait.ge [sflag:s24], $0x2000  }
0xb0: {  	[sflag:s24] =	ssyncset.done $0x0  }
0xb1: {  	[sflag:s24] =	ssyncadd.s32 $0xFFFFE000  }
0xb2: {  	_ =	swait.ge [sflag:s25], $0x80  }
0xb3: {  	[sflag:s25] =	ssyncset.done $0x0  }
0xb4: {  	[sflag:s25] =	ssyncadd.s32 $0xFFFFFF80  }
0xb5: {  	[spmem:s3] =	stream.indirect.scatter.add.f32 [tilespmem:s16], [sflag:$0x9], $0x40, s20, s15, $0xb8;
	[tilespmem:$0x15800] =	vst v63  }
0xb6: {  	_ =	swait.ge [sflag:s26], $0x2000  }
0xb7: {  	[sflag:s26] =	ssyncset.done $0x0  }
0xb8: {  	[sflag:s26] =	ssyncadd.s32 $0xFFFFE000  }
0xb9: {  	_ =	swait.ge [sflag:s28], $0x80  }
0xba: {  	[sflag:s28] =	ssyncset.done $0x0  }
0xbb: {  	[sflag:s28] =	ssyncadd.s32 $0xFFFFFF80  }
0xbc: {  	[spmem:s3] =	stream.indirect.scatter.add.f32 [tilespmem:s17], [sflag:$0x9], $0x40, s21, s15, $0xb8;
	[tilespmem:$0x15800] =	vst v63  }
0xbd: {  	_ =	swait.ge [sflag:s29], $0x2000  }
0xbe: {  	[sflag:s29] =	ssyncset.done $0x0  }
0xbf: {  	[sflag:s29] =	ssyncadd.s32 $0xFFFFE000  }
0xc0: {  	_ =	swait.ge [sflag:s30], $0x80  }
0xc1: {  	[sflag:s30] =	ssyncset.done $0x0  }
0xc2: {  	[sflag:s30] =	ssyncadd.s32 $0xFFFFFF80  }
0xc3: {  	[spmem:s3] =	stream.indirect.scatter.add.f32 [tilespmem:s18], [sflag:$0x9], $0x40, s22, s15, $0xb8;
	[tilespmem:$0x15800] =	vst v63  }
0xc4: {  	_ =	swait.ge [sflag:s31], $0x2000  }
0xc5: {  	[sflag:s31] =	ssyncset.done $0x0  }
0xc6: {  	[sflag:s31] =	ssyncadd.s32 $0xFFFFE000  }
0xc7: {  	_ =	swait.ge [sflag:s0], $0x80  }
0xc8: {  	[sflag:s0] =	ssyncset.done $0x0  }
0xc9: {  	[sflag:s0] =	ssyncadd.s32 $0xFFFFFF80  }
0xca: {  	[spmem:s3] =	stream.indirect.scatter.add.f32 [tilespmem:s19], [sflag:$0x9], $0x40, s23, s15, $0xb8;
	[tilespmem:$0x15800] =	vst v63  }
0xcb: {  	_ =	swait.ge [sflag:s1], $0x2000  }
0xcc: {  	[sflag:s1] =	ssyncset.done $0x0  }
0xcd: {  	[sflag:s1] =	ssyncadd.s32 $0xFFFFE000  }
0xce: {  	_ =	swait.ge [sflag:s1], $0x2000  }
0xcf: {  	[sflag:s1] =	ssyncset.done $0x0  }
0xd0: {  	[sflag:s1] =	ssyncadd.s32 $0xFFFFE000  }
.Ltmp3:
0xd1: {  	_ =	swait.ge [sflag:s1], $0x2000;
	(pc) =	sbr.rel @!p1 .LBB2_3-.Ltmp3, $4  }
0xd2: {  	[sflag:s1] =	ssyncset.done $0x0  }
0xd3: {  	[sflag:s1] =	ssyncadd.s32 $0xFFFFE000  }
0xd4: {  	_ =	swait.ge [sflag:s1], $0x2000  }
0xd5: {  	s9 =	smov.u32 s10;
	s8 =	sadd.s32 $0x40, s8;
	[sflag:s1] =	ssyncset.done $0x0  }
0xd6: {  	s5 =	sshra.s32 s5, $0x2;
	[sflag:s1] =	ssyncadd.s32 $0xFFFFE000  }
0xd7: {  	[tilespmem:s16], [sflag:$0x1] =	stream.indirect.gather [hbm4b:s2+s15], $0x40, s5, s15, $0xb8;
	[tilespmem:$0x15800] =	vst v63  }
0xd8: {  	s6 =	sadd.s32 $0x80, s5  }
0xd9: {  	[tilespmem:s17], [sflag:$0x2] =	stream.indirect.gather [hbm4b:s2+s15], $0x40, s6, s15, $0xb8;
	[tilespmem:$0x15800] =	vst v63  }
0xda: {  	s10 =	sadd.s32 $0x100, s5  }
0xdb: {  	[tilespmem:s18], [sflag:$0x3] =	stream.indirect.gather [hbm4b:s2+s15], $0x40, s10, s15, $0xb8;
	[tilespmem:$0x15800] =	vst v63  }
0xdc: {  	s5 =	sadd.s32 $0x180, s5  }
0xdd: {  	[tilespmem:s19], [sflag:$0x4] =	stream.indirect.gather [hbm4b:s2+s15], $0x40, s5, s15, $0xb8;
	[tilespmem:$0x15800] =	vst v63  }
0xde: {  	s6 =	sadd.s32 $0xFFFFFFD0, s8  }
0xdf: {  	[tilespmem:s20], [sflag:$0x5] =	stream.linear.gather [hbm4b:s6+s4], $0x80, $0x38;
	[tilespmem:$0x15800] =	vst v63  }
0xe0: {  	s9 =	sadd.s32 $0xFFFFFFE0, s8  }
0xe1: {  	[tilespmem:s21], [sflag:$0x6] =	stream.linear.gather [hbm4b:s9+s4], $0x80, $0x38;
	[tilespmem:$0x15800] =	vst v63  }
0xe2: {  	s10 =	sadd.s32 $0xFFFFFFF0, s8  }
0xe3: {  	[tilespmem:s22], [sflag:$0x7] =	stream.linear.gather [hbm4b:s10+s4], $0x80, $0x38;
	[tilespmem:$0x15800] =	vst v63  }
0xe4: {  	_ = 	snop  }
0xe5: {  	[tilespmem:s23], [sflag:$0x8] =	stream.linear.gather [hbm4b:s8+s4], $0x80, $0x38;
	[tilespmem:$0x15800] =	vst v63  }
0xe6: {  	_ =	swait.ge [sflag:s24], $0x2000  }
0xe7: {  	[sflag:s24] =	ssyncset.done $0x0  }
0xe8: {  	[sflag:s24] =	ssyncadd.s32 $0xFFFFE000  }
0xe9: {  	_ =	swait.ge [sflag:s25], $0x80  }
0xea: {  	[sflag:s25] =	ssyncset.done $0x0  }
0xeb: {  	[sflag:s25] =	ssyncadd.s32 $0xFFFFFF80  }
0xec: {  	[spmem:s3] =	stream.indirect.scatter.add.f32 [tilespmem:s16], [sflag:$0x9], $0x40, s20, s15, $0xb8;
	[tilespmem:$0x15800] =	vst v63  }
0xed: {  	_ =	swait.ge [sflag:s26], $0x2000  }
0xee: {  	[sflag:s26] =	ssyncset.done $0x0  }
0xef: {  	[sflag:s26] =	ssyncadd.s32 $0xFFFFE000  }
0xf0: {  	_ =	swait.ge [sflag:s28], $0x80  }
0xf1: {  	[sflag:s28] =	ssyncset.done $0x0  }
0xf2: {  	[sflag:s28] =	ssyncadd.s32 $0xFFFFFF80  }
0xf3: {  	[spmem:s3] =	stream.indirect.scatter.add.f32 [tilespmem:s17], [sflag:$0x9], $0x40, s21, s15, $0xb8;
	[tilespmem:$0x15800] =	vst v63  }
0xf4: {  	_ =	swait.ge [sflag:s29], $0x2000  }
0xf5: {  	[sflag:s29] =	ssyncset.done $0x0  }
0xf6: {  	[sflag:s29] =	ssyncadd.s32 $0xFFFFE000  }
0xf7: {  	_ =	swait.ge [sflag:s30], $0x80  }
0xf8: {  	[sflag:s30] =	ssyncset.done $0x0  }
0xf9: {  	[sflag:s30] =	ssyncadd.s32 $0xFFFFFF80  }
0xfa: {  	[spmem:s3] =	stream.indirect.scatter.add.f32 [tilespmem:s18], [sflag:$0x9], $0x40, s22, s15, $0xb8;
	[tilespmem:$0x15800] =	vst v63  }
0xfb: {  	_ =	swait.ge [sflag:s31], $0x2000  }
0xfc: {  	[sflag:s31] =	ssyncset.done $0x0  }
0xfd: {  	[sflag:s31] =	ssyncadd.s32 $0xFFFFE000  }
0xfe: {  	_ =	swait.ge [sflag:s0], $0x80  }
0xff: {  	[sflag:s0] =	ssyncset.done $0x0  }
0x100: {  	[sflag:s0] =	ssyncadd.s32 $0xFFFFFF80  }
0x101: {  	[spmem:s3] =	stream.indirect.scatter.add.f32 [tilespmem:s19], [sflag:$0x9], $0x40, s23, s15, $0xb8;
	[tilespmem:$0x15800] =	vst v63  }
0x102: {  	_ =	swait.ge [sflag:s1], $0x2000  }
0x103: {  	[sflag:s1] =	ssyncset.done $0x0  }
0x104: {  	[sflag:s1] =	ssyncadd.s32 $0xFFFFE000  }
0x105: {  	_ =	swait.ge [sflag:s1], $0x2000  }
0x106: {  	[sflag:s1] =	ssyncset.done $0x0  }
0x107: {  	[sflag:s1] =	ssyncadd.s32 $0xFFFFE000  }
0x108: {  	_ =	swait.ge [sflag:s1], $0x2000  }
.Ltmp4:
0x109: {  	[sflag:s1] =	ssyncset.done $0x0;
	(pc) =	sbr.rel .LBB2_8-.Ltmp4, $4  }
0x10a: {  	[sflag:s1] =	ssyncadd.s32 $0xFFFFE000  }
0x10b: {  	_ =	swait.ge [sflag:s1], $0x2000  }
0x10c: {  	[sflag:s1] =	ssyncset.done $0x0  }
0x10d: {  	[sflag:s1] =	ssyncadd.s32 $0xFFFFE000  }
.LBB2_5:
0x10e: {  	s6 =	rddreg [dreg:$0x6]  }
0x10f: {  	[tilespmem:s5], [sflag:$0xA] =	stream.linear.gather [hbm4b:s6+s5], $0x1800, $0x38;
	[tilespmem:$0x15800] =	vst v63  }
0x110: {  	_ =	swait.ge [sflag:s14], $0x1800  }
0x111: {  	[sflag:s14] =	ssyncset.done $0x0  }
0x112: {  	s8 =	simm.s32 $0x0;
	[sflag:s14] =	ssyncadd.s32 $0xFFFFE800  }
0x113: {  	[tilespmem:s16], [sflag:$0x1] =	stream.indirect.gather [hbm4b:s2+s15], $0x40, s8, s15, $0xb8;
	[tilespmem:$0x15800] =	vst v63  }
0x114: {  	s9 =	simm.s32 $0x80  }
0x115: {  	[tilespmem:s17], [sflag:$0x2] =	stream.indirect.gather [hbm4b:s2+s15], $0x40, s9, s15, $0xb8;
	[tilespmem:$0x15800] =	vst v63  }
0x116: {  	s10 =	simm.s32 $0x100  }
0x117: {  	[tilespmem:s18], [sflag:$0x3] =	stream.indirect.gather [hbm4b:s2+s15], $0x40, s10, s15, $0xb8;
	[tilespmem:$0x15800] =	vst v63  }
0x118: {  	s6 =	simm.s32 $0x180  }
0x119: {  	[tilespmem:s19], [sflag:$0x4] =	stream.indirect.gather [hbm4b:s2+s15], $0x40, s6, s15, $0xb8;
	[tilespmem:$0x15800] =	vst v63  }
0x11a: {  	s8 =	sadd.s32 $0xFFFFFFD0, s11  }
0x11b: {  	[tilespmem:s20], [sflag:$0x5] =	stream.linear.gather [hbm4b:s8+s4], $0x80, $0x38;
	[tilespmem:$0x15800] =	vst v63  }
0x11c: {  	s9 =	sadd.s32 $0xFFFFFFE0, s11  }
0x11d: {  	[tilespmem:s21], [sflag:$0x6] =	stream.linear.gather [hbm4b:s9+s4], $0x80, $0x38;
	[tilespmem:$0x15800] =	vst v63  }
0x11e: {  	s10 =	sadd.s32 $0xFFFFFFF0, s11  }
0x11f: {  	[tilespmem:s22], [sflag:$0x7] =	stream.linear.gather [hbm4b:s10+s4], $0x80, $0x38;
	[tilespmem:$0x15800] =	vst v63  }
0x120: {  	_ = 	snop  }
0x121: {  	[tilespmem:s23], [sflag:$0x8] =	stream.linear.gather [hbm4b:s11+s4], $0x80, $0x38;
	[tilespmem:$0x15800] =	vst v63  }
0x122: {  	_ =	swait.ge [sflag:s24], $0x2000  }
0x123: {  	[sflag:s24] =	ssyncset.done $0x0  }
0x124: {  	[sflag:s24] =	ssyncadd.s32 $0xFFFFE000  }
0x125: {  	_ =	swait.ge [sflag:s25], $0x80  }
0x126: {  	[sflag:s25] =	ssyncset.done $0x0  }
0x127: {  	[sflag:s25] =	ssyncadd.s32 $0xFFFFFF80  }
0x128: {  	[spmem:s3] =	stream.indirect.scatter.add.f32 [tilespmem:s16], [sflag:$0x9], $0x40, s20, s15, $0xb8;
	[tilespmem:$0x15800] =	vst v63  }
0x129: {  	_ =	swait.ge [sflag:s26], $0x2000  }
0x12a: {  	[sflag:s26] =	ssyncset.done $0x0  }
0x12b: {  	[sflag:s26] =	ssyncadd.s32 $0xFFFFE000  }
0x12c: {  	_ =	swait.ge [sflag:s28], $0x80  }
0x12d: {  	[sflag:s28] =	ssyncset.done $0x0  }
0x12e: {  	[sflag:s28] =	ssyncadd.s32 $0xFFFFFF80  }
0x12f: {  	[spmem:s3] =	stream.indirect.scatter.add.f32 [tilespmem:s17], [sflag:$0x9], $0x40, s21, s15, $0xb8;
	[tilespmem:$0x15800] =	vst v63  }
0x130: {  	_ =	swait.ge [sflag:s29], $0x2000  }
0x131: {  	[sflag:s29] =	ssyncset.done $0x0  }
0x132: {  	[sflag:s29] =	ssyncadd.s32 $0xFFFFE000  }
0x133: {  	_ =	swait.ge [sflag:s30], $0x80  }
0x134: {  	[sflag:s30] =	ssyncset.done $0x0  }
0x135: {  	[sflag:s30] =	ssyncadd.s32 $0xFFFFFF80  }
0x136: {  	[spmem:s3] =	stream.indirect.scatter.add.f32 [tilespmem:s18], [sflag:$0x9], $0x40, s22, s15, $0xb8;
	[tilespmem:$0x15800] =	vst v63  }
0x137: {  	_ =	swait.ge [sflag:s31], $0x2000  }
0x138: {  	[sflag:s31] =	ssyncset.done $0x0  }
0x139: {  	[sflag:s31] =	ssyncadd.s32 $0xFFFFE000  }
0x13a: {  	_ =	swait.ge [sflag:s0], $0x80  }
0x13b: {  	[sflag:s0] =	ssyncset.done $0x0  }
0x13c: {  	[sflag:s0] =	ssyncadd.s32 $0xFFFFFF80  }
0x13d: {  	[spmem:s3] =	stream.indirect.scatter.add.f32 [tilespmem:s19], [sflag:$0x9], $0x40, s23, s15, $0xb8;
	[tilespmem:$0x15800] =	vst v63  }
0x13e: {  	_ =	swait.ge [sflag:s1], $0x2000  }
0x13f: {  	[sflag:s1] =	ssyncset.done $0x0  }
0x140: {  	[sflag:s1] =	ssyncadd.s32 $0xFFFFE000  }
0x141: {  	_ =	swait.ge [sflag:s1], $0x2000  }
0x142: {  	[sflag:s1] =	ssyncset.done $0x0  }
0x143: {  	[sflag:s1] =	ssyncadd.s32 $0xFFFFE000  }
0x144: {  	_ =	swait.ge [sflag:s1], $0x2000  }
0x145: {  	[sflag:s1] =	ssyncset.done $0x0  }
0x146: {  	[sflag:s1] =	ssyncadd.s32 $0xFFFFE000  }
0x147: {  	s5 =	simm.s32 $0x800;
	_ =	swait.ge [sflag:s1], $0x2000  }
0x148: {  	s8 =	sadd.s32 $0x40, s11;
	s10 =	simm.s32 $0x1000;
	[sflag:s1] =	ssyncset.done $0x0  }
.LBB2_6:
0x149: {  	s6 =	sshra.s32 s5, $0x2  }
0x14a: {  	[sflag:s1] =	ssyncadd.s32 $0xFFFFE000;
	s5 =	smov.u32 s10;
	s9 =	sadd.s32 $0x800, s10  }
0x14b: {  	[tilespmem:s16], [sflag:$0x1] =	stream.indirect.gather [hbm4b:s2+s15], $0x40, s6, s15, $0xb8;
	[tilespmem:$0x15800] =	vst v63  }
0x14c: {  	p1 =	sne.s32 s10, $0x5800;
	s10 =	sadd.s32 $0x80, s6  }
0x14d: {  	[tilespmem:s17], [sflag:$0x2] =	stream.indirect.gather [hbm4b:s2+s15], $0x40, s10, s15, $0xb8;
	[tilespmem:$0x15800] =	vst v63  }
0x14e: {  	s10 =	sadd.s32 $0x100, s6  }
0x14f: {  	[tilespmem:s18], [sflag:$0x3] =	stream.indirect.gather [hbm4b:s2+s15], $0x40, s10, s15, $0xb8;
	[tilespmem:$0x15800] =	vst v63  }
0x150: {  	s6 =	sadd.s32 $0x180, s6  }
0x151: {  	[tilespmem:s19], [sflag:$0x4] =	stream.indirect.gather [hbm4b:s2+s15], $0x40, s6, s15, $0xb8;
	[tilespmem:$0x15800] =	vst v63  }
0x152: {  	s6 =	sadd.s32 $0xFFFFFFD0, s8  }
0x153: {  	[tilespmem:s20], [sflag:$0x5] =	stream.linear.gather [hbm4b:s6+s4], $0x80, $0x38;
	[tilespmem:$0x15800] =	vst v63  }
0x154: {  	s6 =	sadd.s32 $0xFFFFFFE0, s8  }
0x155: {  	[tilespmem:s21], [sflag:$0x6] =	stream.linear.gather [hbm4b:s6+s4], $0x80, $0x38;
	[tilespmem:$0x15800] =	vst v63  }
0x156: {  	s6 =	sadd.s32 $0xFFFFFFF0, s8  }
0x157: {  	[tilespmem:s22], [sflag:$0x7] =	stream.linear.gather [hbm4b:s6+s4], $0x80, $0x38;
	[tilespmem:$0x15800] =	vst v63  }
0x158: {  	_ = 	snop  }
0x159: {  	[tilespmem:s23], [sflag:$0x8] =	stream.linear.gather [hbm4b:s8+s4], $0x80, $0x38;
	[tilespmem:$0x15800] =	vst v63  }
0x15a: {  	_ =	swait.ge [sflag:s24], $0x2000  }
0x15b: {  	[sflag:s24] =	ssyncset.done $0x0  }
0x15c: {  	[sflag:s24] =	ssyncadd.s32 $0xFFFFE000  }
0x15d: {  	_ =	swait.ge [sflag:s25], $0x80  }
0x15e: {  	[sflag:s25] =	ssyncset.done $0x0  }
0x15f: {  	[sflag:s25] =	ssyncadd.s32 $0xFFFFFF80  }
0x160: {  	[spmem:s3] =	stream.indirect.scatter.add.f32 [tilespmem:s16], [sflag:$0x9], $0x40, s20, s15, $0xb8;
	[tilespmem:$0x15800] =	vst v63  }
0x161: {  	_ =	swait.ge [sflag:s26], $0x2000  }
0x162: {  	[sflag:s26] =	ssyncset.done $0x0  }
0x163: {  	[sflag:s26] =	ssyncadd.s32 $0xFFFFE000  }
0x164: {  	_ =	swait.ge [sflag:s28], $0x80  }
0x165: {  	[sflag:s28] =	ssyncset.done $0x0  }
0x166: {  	[sflag:s28] =	ssyncadd.s32 $0xFFFFFF80  }
0x167: {  	[spmem:s3] =	stream.indirect.scatter.add.f32 [tilespmem:s17], [sflag:$0x9], $0x40, s21, s15, $0xb8;
	[tilespmem:$0x15800] =	vst v63  }
0x168: {  	_ =	swait.ge [sflag:s29], $0x2000  }
0x169: {  	[sflag:s29] =	ssyncset.done $0x0  }
0x16a: {  	[sflag:s29] =	ssyncadd.s32 $0xFFFFE000  }
0x16b: {  	_ =	swait.ge [sflag:s30], $0x80  }
0x16c: {  	[sflag:s30] =	ssyncset.done $0x0  }
0x16d: {  	[sflag:s30] =	ssyncadd.s32 $0xFFFFFF80  }
0x16e: {  	[spmem:s3] =	stream.indirect.scatter.add.f32 [tilespmem:s18], [sflag:$0x9], $0x40, s22, s15, $0xb8;
	[tilespmem:$0x15800] =	vst v63  }
0x16f: {  	_ =	swait.ge [sflag:s31], $0x2000  }
0x170: {  	[sflag:s31] =	ssyncset.done $0x0  }
0x171: {  	[sflag:s31] =	ssyncadd.s32 $0xFFFFE000  }
0x172: {  	_ =	swait.ge [sflag:s0], $0x80  }
0x173: {  	[sflag:s0] =	ssyncset.done $0x0  }
0x174: {  	[sflag:s0] =	ssyncadd.s32 $0xFFFFFF80  }
0x175: {  	[spmem:s3] =	stream.indirect.scatter.add.f32 [tilespmem:s19], [sflag:$0x9], $0x40, s23, s15, $0xb8;
	[tilespmem:$0x15800] =	vst v63  }
0x176: {  	_ =	swait.ge [sflag:s1], $0x2000  }
0x177: {  	[sflag:s1] =	ssyncset.done $0x0  }
0x178: {  	[sflag:s1] =	ssyncadd.s32 $0xFFFFE000  }
0x179: {  	_ =	swait.ge [sflag:s1], $0x2000  }
0x17a: {  	[sflag:s1] =	ssyncset.done $0x0  }
0x17b: {  	[sflag:s1] =	ssyncadd.s32 $0xFFFFE000  }
.Ltmp5:
0x17c: {  	_ =	swait.ge [sflag:s1], $0x2000;
	(pc) =	sbr.rel @p1 .LBB2_6-.Ltmp5, $4  }
0x17d: {  	[sflag:s1] =	ssyncset.done $0x0  }
0x17e: {  	[sflag:s1] =	ssyncadd.s32 $0xFFFFE000  }
0x17f: {  	_ =	swait.ge [sflag:s1], $0x2000  }
0x180: {  	s10 =	smov.u32 s9;
	s8 =	sadd.s32 $0x40, s8;
	[sflag:s1] =	ssyncset.done $0x0  }
.Ltmp6:
0x181: {  	_ = 	snop;
	(pc) =	sbr.rel .LBB2_7-.Ltmp6, $1  }
0x182: {  	_ =	sdelay $0x3  }
.LBB2_9:
0x183: {  	_ =	sfence.sel $0x180000  }
0x184: {  	[bflag:$0x0] =	sbarrier.arrive $0xFFFF  }
0x185: {  	_ =	strace $0x9000004D  }
0x186: {  	s0 =	stileid.u32;
	[bflag:$0x2] =	sbarrier.arrive $0xFFFF  }
0x187: {  	p0 =	sne.s32 s0, $0x0;
	s0 =	rddreg [dreg:$0x3]  }
0x188: {  	s0 =	sadd.s32 @!p0 $0x100000, s0  }
0x189: {  	[sflag:s0] =	ssyncadd.tile.s32 @!p0 $0x1;
	_ =	shalt  }
.Lfunc_end2:
_tile_overlayer_lowered:
.L_overlay_start_2:
0x18a: {  	(tag) =	ssettag $0x2  }
0x18b: {  	s0 =	rddreg [dreg:$0x0];
	s2 =	stileid.u32  }
0x18c: {  	s1 =	rddreg [dreg:$0x1];
	p0 =	sne.s32 s2, $0x0  }
0x18d: {  	s3 =	rddreg [dreg:$0x2];
	[bflag:$0x3] =	sbarrier.arrive $0xFFFF;
	s2 =	simm.s32 @!p0 $0x1C0A  }
0x18e: {  	[timem:s3], [sflag:s2] =	dma.local @!p0 [hbm:s0], s1  }
0x18f: {  	s0 =	simm.s32 @!p0 $0xA  }
0x190: {  	_ =	swait.ge @!p0 [sflag:s0], s1  }
0x191: {  	s1 =	ssub.s32 @!p0 $0x0, s1;
	[sflag:s0] =	ssyncset.done @!p0 $0x0  }
0x192: {  	[sflag:s0] =	ssyncadd.s32 @!p0 s1  }
0x193: {  	[bflag:$0x3] =	sbarrier.arrive $0xFFFF  }
0x194: {  	_ =	shalt  }

// kernel: kernel.8.cloned.1.call-start
scs
__scs_entry_jumppad:
0x0: {  	(pc) =	sbr.rel $0x88, $3  }
0x1: {  	(tag) =	ssettag $0x0;
	lr =	simm.s32 $0x1  }
0x2: {  	[smem:$0x3F97] =	sst lr;
	_ =	strace $0xD0000000  }
0x3: {  	_ = 	snop  }
0x4: {  	_ = 	snop  }
0x5: {  	_ = 	snop  }
0x6: {  	_ = 	snop  }
0x7: {  	_ = 	snop  }
__scs_overlays_trampoline_lowered:
0x8: {  	[smem:$0x3FA6] =	sst s0  }
0x9: {  	[smem:$0x3FA7] =	sst s1  }
0xa: {  	[smem:$0x3FA8] =	sst s2  }
0xb: {  	[smem:$0x3FA9] =	sst s3  }
0xc: {  	[smem:$0x3FAA] =	sst s4  }
0xd: {  	[smem:$0x3FAB] =	sst s5  }
0xe: {  	[smem:$0x3FAC] =	sst s6  }
0xf: {  	[smem:$0x3FAD] =	sst s7  }
0x10: {  	[smem:$0x3FAE] =	sst s8  }
0x11: {  	[smem:$0x3FAF] =	sst s9;
	s0 =	simm.s32 @!p0 $0x0  }
0x12: {  	s1 =	sld [smem:$0x3F95];
	s0 =	simm.s32 @p0 $0x1  }
0x13: {  	[smem:$0x3FB0] =	sst s0;
	s0 =	simm.s32 @!p1 $0x0  }
0x14: {  	s2 =	sld [smem:$0x3F94];
	s0 =	simm.s32 @p1 $0x1  }
0x15: {  	[smem:$0x3FB1] =	sst s0;
	s0 =	simm.s32 @!p2 $0x0  }
0x16: {  	s3 =	sld [smem:$0x3FDB];
	s0 =	simm.s32 @p2 $0x1  }
0x17: {  	s4 =	simm.s32 $0x1BF5;
	[smem:$0x3FB3] =	sst s0  }
0x18: {  	s0 =	sld [smem:$0x3F96];
	_ =	swait.ge [sflag:s4], $0x0  }
0x19: {  	s7 =	sld [smem:$0x3F97]  }
0x1a: {  	s8 =	sadd.s32 $0xFFFFE003, lr  }
0x1b: {  	s9 =	sadd.s32 $0xFFFFFEF7, lr;
	s5 =	simm.s32 $0xFFFFFFFF;
	p2 =	slt.u32 s8, $0xFFFFF086  }
0x1c: {  	p1 =	slt.u32 s9, $0xF7A;
	s5 =	simm.s32 @!p2 $0x0  }
0x1d: {  	s5 =	simm.s32 @p1 $0x1;
	p0 =	seq.s32 s7, s2  }
0x1e: {  	s7 =	smul.u32 @!p0 $0xF7A, s2;
	p2 =	seq.s32 @!p0 s5, $0x0  }
0x1f: {  	s9 =	smul.u32 $0xF7A, s1;
	s8 =	simm.s32 @!p0 $0x1BF5;
	p2 =	por !p2, p0  }
0x20: {  	[sflag:s8] =	ssyncset.s32 @!p0 $0xFFFFF086;
	s6 =	sadd.s32 @!p0 s3, s7;
	s7 =	simm.s32 @!p0 $0x108  }
0x21: {  	s3 =	sadd.s32 s3, s9;
	s6 =	sadd.s32 @!p0 $0x88, s6;
	s7 =	simm.s32 @p2 $0x1082  }
0x22: {  	[simem:s7], [sflag:s8] =	dma.local @!p0 [hbm:s6], $0xF7A  }
0x23: {  	s9 =	sor.u32 $0xD0000000, s2;
	s6 =	simm.s32 $0x108;
	_ =	swait.ge @!p0 [sflag:s8], $0x0  }
0x24: {  	s3 =	sadd.s32 $0x88, s3;
	s6 =	simm.s32 @!p1 $0x1082;
	[sflag:s4] =	ssyncset.s32 $0xFFFFF086  }
0x25: {  	[simem:s6], [sflag:s4] =	dma.local [hbm:s3], $0xF7A  }
0x26: {  	[smem:$0x3F97] =	sst s1;
	(tag) =	ssettag s2;
	_ =	strace s9  }
0x27: {  	s1 =	sld [smem:$0x3FA7]  }
0x28: {  	s2 =	sld [smem:$0x3FA8]  }
0x29: {  	s4 =	sld [smem:$0x3FAA]  }
0x2a: {  	p0 =	seq.s32 s5, $0x0;
	s5 =	sld [smem:$0x3FAB]  }
0x2b: {  	s6 =	sld [smem:$0x3FAC]  }
0x2c: {  	s7 =	sld [smem:$0x3FAD]  }
0x2d: {  	s3 =	simm.s32 $0x108;
	s8 =	sld [smem:$0x3FAE]  }
0x2e: {  	s3 =	simm.s32 @!p0 $0x1082;
	s9 =	sld [smem:$0x3FAF]  }
0x2f: {  	lr =	sadd.s32 s0, s3;
	s0 =	sld [smem:$0x3FA6]  }
0x30: {  	s3 =	sld [smem:$0x3FA9]  }
0x31: {  	[smem:$0x3FB2] =	sst s10  }
0x32: {  	s10 =	sld [smem:$0x3FB0];
	_ =	sdelay $0x3  }
0x33: {  	p0 =	seq.s32 s10, $0x1;
	s10 =	sld [smem:$0x3FB2];
	_ =	sdelay $0x3  }
0x34: {  	[smem:$0x3FB2] =	sst s10  }
0x35: {  	s10 =	sld [smem:$0x3FB1];
	_ =	sdelay $0x3  }
0x36: {  	p1 =	seq.s32 s10, $0x1;
	s10 =	sld [smem:$0x3FB2];
	_ =	sdelay $0x3  }
0x37: {  	[smem:$0x3FB2] =	sst s10  }
0x38: {  	s10 =	sld [smem:$0x3FB3]  }
0x39: {  	_ = 	snop;
	(pc) =	sbr.ind lr, $3  }
0x3a: {  	_ = 	snop  }
0x3b: {  	_ = 	snop  }
0x3c: {  	p2 =	seq.s32 s10, $0x1;
	s10 =	sld [smem:$0x3FB2]  }
0x3d: {  	_ =	shalt  }
0x3e: {  	_ =	shalt  }
0x3f: {  	_ =	shalt  }
0x40: {  	_ =	shalt  }
0x41: {  	_ =	shalt  }
0x42: {  	_ =	shalt  }
0x43: {  	_ =	shalt  }
0x44: {  	_ =	shalt  }
0x45: {  	_ =	shalt  }
0x46: {  	_ =	shalt  }
0x47: {  	_ =	shalt  }
0x48: {  	_ =	shalt  }
0x49: {  	_ =	shalt  }
0x4a: {  	_ =	shalt  }
0x4b: {  	_ =	shalt  }
0x4c: {  	_ =	shalt  }
0x4d: {  	_ =	shalt  }
0x4e: {  	_ =	shalt  }
0x4f: {  	_ =	shalt  }
0x50: {  	_ =	shalt  }
0x51: {  	_ =	shalt  }
0x52: {  	_ =	shalt  }
0x53: {  	_ =	shalt  }
0x54: {  	_ =	shalt  }
0x55: {  	_ =	shalt  }
0x56: {  	_ =	shalt  }
0x57: {  	_ =	shalt  }
0x58: {  	_ =	shalt  }
0x59: {  	_ =	shalt  }
0x5a: {  	_ =	shalt  }
0x5b: {  	_ =	shalt  }
0x5c: {  	_ =	shalt  }
0x5d: {  	_ =	shalt  }
0x5e: {  	_ =	shalt  }
0x5f: {  	_ =	shalt  }
0x60: {  	_ =	shalt  }
0x61: {  	_ =	shalt  }
0x62: {  	_ =	shalt  }
0x63: {  	_ =	shalt  }
0x64: {  	_ =	shalt  }
0x65: {  	_ =	shalt  }
0x66: {  	_ =	shalt  }
0x67: {  	_ =	shalt  }
0x68: {  	_ =	shalt  }
0x69: {  	_ =	shalt  }
0x6a: {  	_ =	shalt  }
0x6b: {  	_ =	shalt  }
0x6c: {  	_ =	shalt  }
0x6d: {  	_ =	shalt  }
0x6e: {  	_ =	shalt  }
0x6f: {  	_ =	shalt  }
0x70: {  	_ =	shalt  }
0x71: {  	_ =	shalt  }
0x72: {  	_ =	shalt  }
0x73: {  	_ =	shalt  }
0x74: {  	_ =	shalt  }
0x75: {  	_ =	shalt  }
0x76: {  	_ =	shalt  }
0x77: {  	_ =	shalt  }
0x78: {  	_ =	shalt  }
0x79: {  	_ =	shalt  }
0x7a: {  	_ =	shalt  }
0x7b: {  	_ =	shalt  }
0x7c: {  	_ =	shalt  }
0x7d: {  	_ =	shalt  }
0x7e: {  	_ =	shalt  }
0x7f: {  	_ =	shalt  }
0x80: {  	_ =	shalt  }
0x81: {  	_ =	shalt  }
0x82: {  	_ =	shalt  }
0x83: {  	_ =	shalt  }
0x84: {  	_ =	shalt  }
0x85: {  	_ =	shalt  }
0x86: {  	_ =	shalt  }
0x87: {  	_ =	shalt  }
.Lfunc_end0:
.L_simem_size_0:
called_computation_lowered:
.L_overlay_start_0:
0x88: {  	s2 =	sld [smem:$0x3FD9]  }
0x89: {  	s3 =	sld [smem:$0x3FFE];
	_ =	sdelay $0x1  }
0x8a: {  	s1 =	srdreg.scid  }
0x8b: {  	s0 =	sand.u32 $0x1, s1  }
0x8c: {  	s17 =	sshll.u32 s0, $0xA;
	s2 =	sadd.s32 s3, s2  }
0x8d: {  	s2 =	sadd.s32 s2, s17  }
0x8e: {  	[smem:$0x3FBE] =	sst s2  }
0x8f: {  	_ = 	snop  }
0x90: {  	s2 =	sld [smem:$0x3FD0];
	(tm) =	ssettm $0x1  }
0x91: {  	s18 =	sld [smem:$0x3FFB];
	_ =	sdelay $0x3  }
0x92: {  	_ =	strace s18  }
0x93: {  	s3 =	sld [smem:$0x3FFC];
	_ =	sdelay $0x3  }
0x94: {  	_ =	strace s3  }
0x95: {  	s3 =	sld [smem:$0x3FFD];
	_ =	sdelay $0x3  }
0x96: {  	_ =	strace s3  }
0x97: {  	_ =	strace $0x8FFFFFFF  }
0x98: {  	s19 =	sld [smem:$0x3FDB];
	_ =	sdelay $0x1  }
0x99: {  	s4 =	simm.s32 $_scs_section_size  }
0x9a: {  	s5 =	simm.s32 $_size__tile_overlayer_lowered;
	s6 =	simm.s32 $_tile_overlayer_lowered  }
0x9b: {  	s22 =	simm.s32 $0x1BFF;
	s21 =	sshll.u32 s6, $0x1;
	s3 =	sadd.s32 s4, s19  }
0x9c: {  	s7 =	simm.s32 $0x0;
	s20 =	sshll.u32 s5, $0x1;
	s5 =	sadd.s32 s21, s3  }
0x9d: {  	[timem:s7], [sflag:s22] =	dma.local [hbm:s5], s20  }
0x9e: {  	_ =	swait.ge [sflag:s22], s20  }
0x9f: {  	s4 =	ssub.s32 $0x0, s20;
	[sflag:s22] =	ssyncset.done $0x0  }
0xa0: {  	[sflag:s22] =	ssyncadd.s32 s4;
	_ =	sdelay $0x1  }
0xa1: {  	s23 =	simm.s32 $0x1B8B  }
0xa2: {  	_ =	swait.ge [sflag:s23], $0x1  }
0xa3: {  	[sflag:s23] =	ssyncset.done $0x0  }
0xa4: {  	s25 =	simm.s32 $0x1B8E;
	s24 =	sld [smem:$0x3FFE];
	[sflag:s23] =	ssyncadd.s32 $0xFFFFFFFF  }
0xa5: {  	s26 =	simm.s32 $execute0_lowered;
	[smem:$0x3FD2] =	sst s25  }
0xa6: {  	s5 =	sshll.u32 s26, $0x1;
	_ =	strace $0x80000046;
	[dreg:$0x1] =	wrdreg $0xFFFFFFFF  }
0xa7: {  	s28 =	simm.s32 $_size_execute0_lowered;
	s3 =	sadd.s32 s3, s5;
	[dreg:$0x0] =	wrdreg $0x0  }
0xa8: {  	s5 =	sshll.u32 s28, $0x1;
	[dreg:$0x2] =	wrdreg s3  }
0xa9: {  	[dreg:$0x3] =	wrdreg s5  }
0xaa: {  	[dreg:$0x4] =	wrdreg $0xC0  }
0xab: {  	_ =	task [dreg:s7], $0x5FFFF  }
0xac: {  	[dreg:$0x1] =	wrdreg $0xFFFFFFFF  }
0xad: {  	[dreg:$0x0] =	wrdreg $0x60  }
0xae: {  	[dreg:$0x2] =	wrdreg s24  }
0xaf: {  	[dreg:$0x3] =	wrdreg s2  }
0xb0: {  	[dreg:$0x4] =	wrdreg $0x30000  }
0xb1: {  	[dreg:$0x5] =	wrdreg $0x9  }
0xb2: {  	_ =	task.clear_ibuf [dreg:s7], $0x6FFFF;
	_ =	strace $0x90000046  }
0xb3: {  	s29 =	simm.s32 $0x9;
	_ =	strace $0x80000048  }
0xb4: {  	_ =	swait.ge [sflag:s29], $0x1  }
0xb5: {  	[sflag:s29] =	ssyncadd.s32 $0xFFFFFFFF  }
0xb6: {  	_ =	strace $0x90000048  }
0xb7: {  	_ =	sfence  }
0xb8: {  	s30 =	sld [smem:$0x0];
	_ =	sdelay $0x2  }
0xb9: {  	s31 =	sshll.u32 s1, $0xD;
	s1 =	sshrl.u32 s1, $0x2  }
0xba: {  	s3 =	sand.u32 $0x4000, s31;
	s1 =	sadd.s32 s1, s30  }
0xbb: {  	s0 =	sor.u32 s3, s0;
	s1 =	sshll.u32 s1, $0x11  }
0xbc: {  	s0 =	sor.u32 s1, s0  }
0xbd: {  	s0 =	sadd.s32 $0x8F2B, s0  }
0xbe: {  	[sflag:s0] =	ssyncadd.remote.s32 $0x1  }
0xbf: {  	_ =	sfence.sel $0xFFFF  }
0xc0: {  	[dreg:$0x0] =	wrdreg $0xFFFFFFFF;
	(pc) =	sbr.abs _section_cstart, $3  }
0xc1: {  	[dreg:$0x1] =	wrdreg $0xFFFFFFFF  }
0xc2: {  	_ =	task.clear_ibuf [dreg:s7], $0x2FFFF;
	_ =	strace $0x9FFFFFFF  }
0xc3: {  	(tm) =	ssettm $0x7FFFFFFF  }
tec
execute0_lowered:
.L_overlay_start_1:
0x0: {  	(tag) =	ssettag $0x1  }
0x1: {  	s5 =	rddreg [dreg:$0x0];
	s1 =	srdreg.scid  }
0x2: {  	s0 =	stileid.u32;
	s7 =	rddreg [dreg:$0x1]  }
0x3: {  	s2 =	rddreg [dreg:$0x2];
	s3 =	simm.s32 $0x0;
	s14 =	simm.s32 $0x1  }
0x4: {  	s15 =	simm.s32 $0x0;
	s6 =	sand.u32 $0x1, s1;
	s1 =	rddreg [dreg:$0x3]  }
0x5: {  	s28 =	sshll.u32 s0, $0x1;
	[smem:$0x7FF] =	sst s3;
	s8 =	smul.u32 $0x2780, s0  }
0x6: {  	s31 =	sshll.u32 s0, $0x6;
	s4 =	sor.u32 s6, s28;
	s10 =	smul.u32 $0x27800, s6  }
0x7: {  	_ =	strace $0x80000047;
	s6 =	ssub.s32 $0x2, s6;
	s4 =	smul.u32 $0x500, s4  }
0x8: {  	s11 =	sshrl.u32 s8, $0x3;
	s29 =	sshrl.u32 s6, $0x1;
	s13 =	sadd.s32 s8, s2  }
0x9: {  	s11 =	sadd.s32 s11, s5;
	s10 =	sadd.s32 s8, s10;
	s12 =	ssub.s32 s6, s29  }
0xa: {  	s9 =	sadd.s32 s4, s5;
	s4 =	sadd.s32 $0x11800, s5;
	s30 =	sshrl.u32 s10, $0x3  }
0xb: {  	s6 =	sadd.s32 $0xC800, s11;
	s8 =	smax.u32 s12, $0x1;
	s10 =	simm.s32 $0x2800  }
0xc: {  	s11 =	sor.u32 $0x1C02, s31;
	s12 =	sshrl.u32 s13, $0x3;
	s13 =	simm.s32 $0x80  }
0xd: {  	s5 =	sadd.s32 $0x2800, s9;
	s7 =	sadd.s32 s7, s30;
	s9 =	simm.s32 $0x2  }
.LBB2_1:
0xe: {  	[tilespmem:s3], [sflag:$0x2] =	stream.linear.gather [hbm4b:s5+s3], $0x2800, $0x38;
	[tilespmem:$0x5780] =	vst v63  }
0xf: {  	_ =	swait.ge [sflag:s9], $0x2800  }
0x10: {  	[sflag:s9] =	ssyncset.done $0x0  }
0x11: {  	[sflag:s9] =	ssyncadd.s32 $0xFFFFD800  }
0x12: {  	[tilespmem:s10], [sflag:$0x2] =	stream.linear.gather [hbm4b:s4+s3], $0x800, $0x38;
	[tilespmem:$0x5780] =	vst v63  }
0x13: {  	_ =	swait.ge [sflag:s9], $0x800  }
0x14: {  	[sflag:s9] =	ssyncset.done $0x0  }
0x15: {  	[sflag:s9] =	ssyncadd.s32 $0xFFFFF800  }
0x16: {  	[spmem:s12], [sflag:s11] =	dma.local [hbm:s6], $0x4F0  }
0x17: {  	_ =	swait.ge [sflag:s9], $0x4F0  }
0x18: {  	[sflag:s9] =	ssyncset.done $0x0  }
0x19: {  	[sflag:s9] =	ssyncadd.s32 $0xFFFFFB10  }
0x1a: {  	s16 =	simm.s32 $0x0;
	[bflag:$0x0] =	sbarrier.arrive $0xFFFF  }
0x1b: {  	[spmem:s2] =	stream.indirect.scatter.add.f32 [tilespmem:s10], [sflag:$0x1], $0x10, s16, s13, $0xb8;
	[tilespmem:$0x5780] =	vst v63  }
0x1c: {  	s29 =	simm.s32 $0x80  }
0x1d: {  	[spmem:s2] =	stream.indirect.scatter.add.f32 [tilespmem:s10], [sflag:$0x1], $0x10, s29, s13, $0xb8;
	[tilespmem:$0x5780] =	vst v63  }
0x1e: {  	s30 =	simm.s32 $0x100  }
0x1f: {  	[spmem:s2] =	stream.indirect.scatter.add.f32 [tilespmem:s10], [sflag:$0x1], $0x10, s30, s13, $0xb8;
	[tilespmem:$0x5780] =	vst v63  }
0x20: {  	s31 =	simm.s32 $0x180  }
0x21: {  	[spmem:s2] =	stream.indirect.scatter.add.f32 [tilespmem:s10], [sflag:$0x1], $0x10, s31, s13, $0xb8;
	[tilespmem:$0x5780] =	vst v63  }
0x22: {  	_ =	swait.ge [sflag:s14], $0x800  }
0x23: {  	[sflag:s14] =	ssyncset.done $0x0  }
0x24: {  	[sflag:s14] =	ssyncadd.s32 $0xFFFFF800  }
0x25: {  	_ =	swait.ge [sflag:s14], $0x800  }
0x26: {  	[sflag:s14] =	ssyncset.done $0x0  }
0x27: {  	[sflag:s14] =	ssyncadd.s32 $0xFFFFF800  }
0x28: {  	_ =	swait.ge [sflag:s14], $0x800  }
0x29: {  	[sflag:s14] =	ssyncset.done $0x0  }
0x2a: {  	[sflag:s14] =	ssyncadd.s32 $0xFFFFF800  }
0x2b: {  	_ =	swait.ge [sflag:s14], $0x800  }
0x2c: {  	s17 =	simm.s32 $0x1000;
	s16 =	simm.s32 $0x800;
	[sflag:s14] =	ssyncset.done $0x0  }
.LBB2_2:
0x2d: {  	s18 =	sshra.s32 s16, $0x2  }
0x2e: {  	[sflag:s14] =	ssyncadd.s32 $0xFFFFF800;
	s16 =	smov.u32 s17;
	s19 =	sadd.s32 $0x800, s17  }
0x2f: {  	[spmem:s2] =	stream.indirect.scatter.add.f32 [tilespmem:s10], [sflag:$0x1], $0x10, s18, s13, $0xb8;
	[tilespmem:$0x5780] =	vst v63  }
0x30: {  	p0 =	sne.s32 s17, $0x9800;
	s17 =	sadd.s32 $0x80, s18  }
0x31: {  	[spmem:s2] =	stream.indirect.scatter.add.f32 [tilespmem:s10], [sflag:$0x1], $0x10, s17, s13, $0xb8;
	[tilespmem:$0x5780] =	vst v63  }
0x32: {  	s17 =	sadd.s32 $0x100, s18  }
0x33: {  	[spmem:s2] =	stream.indirect.scatter.add.f32 [tilespmem:s10], [sflag:$0x1], $0x10, s17, s13, $0xb8;
	[tilespmem:$0x5780] =	vst v63  }
0x34: {  	s17 =	sadd.s32 $0x180, s18  }
0x35: {  	[spmem:s2] =	stream.indirect.scatter.add.f32 [tilespmem:s10], [sflag:$0x1], $0x10, s17, s13, $0xb8;
	[tilespmem:$0x5780] =	vst v63  }
0x36: {  	_ =	swait.ge [sflag:s14], $0x800  }
0x37: {  	[sflag:s14] =	ssyncset.done $0x0  }
0x38: {  	[sflag:s14] =	ssyncadd.s32 $0xFFFFF800  }
0x39: {  	_ =	swait.ge [sflag:s14], $0x800  }
0x3a: {  	[sflag:s14] =	ssyncset.done $0x0  }
0x3b: {  	[sflag:s14] =	ssyncadd.s32 $0xFFFFF800  }
.Ltmp0:
0x3c: {  	_ =	swait.ge [sflag:s14], $0x800;
	(pc) =	sbr.rel @p0 .LBB2_2-.Ltmp0, $4  }
0x3d: {  	[sflag:s14] =	ssyncset.done $0x0  }
0x3e: {  	[sflag:s14] =	ssyncadd.s32 $0xFFFFF800  }
0x3f: {  	_ =	swait.ge [sflag:s14], $0x800  }
0x40: {  	s17 =	smov.u32 s19;
	[sflag:s14] =	ssyncset.done $0x0  }
0x41: {  	s16 =	sshra.s32 s16, $0x2;
	[sflag:s14] =	ssyncadd.s32 $0xFFFFF800  }
0x42: {  	[spmem:s2] =	stream.indirect.scatter.add.f32 [tilespmem:s10], [sflag:$0x1], $0x10, s16, s13, $0xb8;
	[tilespmem:$0x5780] =	vst v63  }
0x43: {  	s17 =	sadd.s32 $0x80, s16  }
0x44: {  	[spmem:s2] =	stream.indirect.scatter.add.f32 [tilespmem:s10], [sflag:$0x1], $0x10, s17, s13, $0xb8;
	[tilespmem:$0x5780] =	vst v63  }
0x45: {  	s31 =	sadd.s32 $0x100, s16  }
0x46: {  	[spmem:s2] =	stream.indirect.scatter.add.f32 [tilespmem:s10], [sflag:$0x1], $0x10, s31, s13, $0xb8;
	[tilespmem:$0x5780] =	vst v63  }
0x47: {  	s16 =	sadd.s32 $0x180, s16  }
0x48: {  	[spmem:s2] =	stream.indirect.scatter.add.f32 [tilespmem:s10], [sflag:$0x1], $0x10, s16, s13, $0xb8;
	[tilespmem:$0x5780] =	vst v63  }
0x49: {  	_ =	swait.ge [sflag:s14], $0x800  }
0x4a: {  	[sflag:s14] =	ssyncset.done $0x0  }
0x4b: {  	[sflag:s14] =	ssyncadd.s32 $0xFFFFF800  }
0x4c: {  	_ =	swait.ge [sflag:s14], $0x800  }
0x4d: {  	[sflag:s14] =	ssyncset.done $0x0  }
0x4e: {  	[sflag:s14] =	ssyncadd.s32 $0xFFFFF800  }
0x4f: {  	_ =	swait.ge [sflag:s14], $0x800  }
0x50: {  	[sflag:s14] =	ssyncset.done $0x0  }
0x51: {  	[sflag:s14] =	ssyncadd.s32 $0xFFFFF800  }
0x52: {  	_ =	swait.ge [sflag:s14], $0x800  }
0x53: {  	s15 =	sadd.s32 $0x1, s15;
	[sflag:s14] =	ssyncset.done $0x0  }
0x54: {  	p0 =	sne.s32 s15, s8;
	[sflag:s14] =	ssyncadd.s32 $0xFFFFF800  }
.Ltmp1:
0x55: {  	[bflag:$0x0] =	sbarrier.arrive $0xFFFF;
	(pc) =	sbr.rel @p0 .LBB2_1-.Ltmp1, $4  }
0x56: {  	[hbm:s7], [sflag:s11] =	dma.local [spmem:s12], $0x4F0  }
0x57: {  	_ =	swait.ge [sflag:s9], $0x4F0  }
0x58: {  	[sflag:s9] =	ssyncset.done $0x0  }
0x59: {  	[sflag:s9] =	ssyncadd.s32 $0xFFFFFB10  }
0x5a: {  	_ =	sfence.sel $0x180000  }
0x5b: {  	[bflag:$0x0] =	sbarrier.arrive $0xFFFF  }
0x5c: {  	p0 =	sne.s32 s0, $0x0;
	_ =	strace $0x90000047  }
0x5d: {  	s0 =	sadd.s32 @!p0 $0x100000, s1;
	[bflag:$0x2] =	sbarrier.arrive $0xFFFF  }
0x5e: {  	[sflag:s0] =	ssyncadd.tile.s32 @!p0 $0x1;
	_ =	shalt  }
.Lfunc_end2:
_tile_overlayer_lowered:
.L_overlay_start_2:
0x5f: {  	(tag) =	ssettag $0x2  }
0x60: {  	s0 =	rddreg [dreg:$0x0];
	s2 =	stileid.u32  }
0x61: {  	s1 =	rddreg [dreg:$0x1];
	p0 =	sne.s32 s2, $0x0  }
0x62: {  	s3 =	rddreg [dreg:$0x2];
	[bflag:$0x3] =	sbarrier.arrive $0xFFFF;
	s2 =	simm.s32 @!p0 $0x1C02  }
0x63: {  	[timem:s3], [sflag:s2] =	dma.local @!p0 [hbm:s0], s1  }
0x64: {  	s0 =	simm.s32 @!p0 $0x2  }
0x65: {  	_ =	swait.ge @!p0 [sflag:s0], s1  }
0x66: {  	s1 =	ssub.s32 @!p0 $0x0, s1;
	[sflag:s0] =	ssyncset.done @!p0 $0x0  }
0x67: {  	[sflag:s0] =	ssyncadd.s32 @!p0 s1  }
0x68: {  	[bflag:$0x3] =	sbarrier.arrive $0xFFFF  }
0x69: {  	_ =	shalt  }

</sc_bundles>
